<compile_context>
chip_gen: v7x
topology: tpu7x:2x2x1
jax: 0.10.2.dev20260603
libtpu: 0.0.44.dev20260713+nightly
codegen_flags: <defaults>
</compile_context>

<pallas_src>
import jax
import jax.numpy as jnp
from jax import lax
from jax.experimental import pallas as pl
from jax.experimental.pallas import tpu as pltpu
from jax.experimental.pallas import tpu_sc as plsc

_N = 10000
_D = 256
_B = 1024
_K = 32
_R = 3
_P = 16
_E = 1024
_C = 2

_NC, _NS, _L = 2, 16, 16
_NW = _NC * _NS

_NEIGH = _R * _B * _K
_NB_W = _NEIGH // _NW
_ND_W = _B // _NW
_SEG = _R * _B
_SEG_W = _SEG // _NW
_SEG_CHUNK = 12
_CHUNKS = _SEG_W // _SEG_CHUNK


def _sc_mesh():
    return plsc.VectorSubcoreMesh(
        core_axis_name="c", subcore_axis_name="s",
        num_cores=_NC, num_subcores=_NS)


_SC_PARAMS = pltpu.CompilerParams(
    needs_layout_passes=False, use_tc_tiling_on_sc=False)


def _scores_body(feat_ref, wl_ref, out_ref):
    out_ref[...] = lax.dot_general(wl_ref[...], feat_ref[...],
                                   (((1,), (1,)), ((), ())),
                                   preferred_element_type=jnp.float32)


def _all_scores(features, w1):
    return pl.pallas_call(
        _scores_body,
        out_shape=jax.ShapeDtypeStruct((1, _N), jnp.float32),
    )(features, w1)


def _fused_body(scores_hbm, neigh_hbm, nodes_hbm, feat_hbm,
                agg_out, srow_out,
                tbl1, ntile, nidx, cidx_a, cidx_b, sidx, srows,
                rows_a, rows_b, aggc, sem_s, sem_a, sem_b):
    wid = lax.axis_index("s") * _NC + lax.axis_index("c")
    pltpu.sync_copy(scores_hbm.at[0], tbl1)
    pltpu.sync_copy(nodes_hbm, ntile)
    pltpu.sync_copy(nodes_hbm.at[pl.ds(wid * _ND_W, _ND_W)], sidx)
    cp_self = pltpu.async_copy(feat_hbm.at[sidx], srows, sem_s)
    pltpu.sync_copy(neigh_hbm.at[pl.ds(wid * _NB_W, _NB_W)], nidx)

    nrow = _SEG_CHUNK * _P
    bufs = ((cidx_a, rows_a, sem_a), (cidx_b, rows_b, sem_b))

    def select_chunk(c):
        cidx = bufs[c % 2][0]

        def seg_sel(i, carry):
            s = c * _SEG_CHUNK + i
            b = lax.rem(wid * _SEG_W + s, _B)
            bvec = jnp.full((_L,), b, jnp.int32)
            nidv = plsc.load_gather(ntile, [bvec])
            sv = plsc.load_gather(tbl1, [nidv])
            ids_a = nidx[pl.ds(s * _K, _L)]
            ids_b = nidx[pl.ds(s * _K + _L, _L)]
            da = jnp.abs(plsc.load_gather(tbl1, [ids_a]) - sv)
            db = jnp.abs(plsc.load_gather(tbl1, [ids_b]) - sv)
            ka, va = plsc.sort_key_val(da, ids_a)
            kb, vb = plsc.sort_key_val(db, ids_b)
            krb = lax.rev(kb, (0,))
            vrb = lax.rev(vb, (0,))
            lo = jnp.where(ka <= krb, va, vrb)
            cidx[pl.ds(i * _P, _P)] = lo
            return carry
        lax.fori_loop(0, _SEG_CHUNK, seg_sel, 0)

    def start(c):
        cidx, rows, sem = bufs[c % 2]
        return pltpu.async_copy(feat_hbm.at[cidx], rows, sem)

    select_chunk(0)
    cps = [start(0)]
    for c in range(_CHUNKS):
        if c + 1 < _CHUNKS:
            select_chunk(c + 1)
            cps.append(start(c + 1))
        cps.pop(0).wait()
        rows = bufs[c % 2][1]

        def seg(s2, carry2):
            def jstep(j, carry3):
                acc = rows[s2 * _P, pl.ds(j * _L, _L)]
                for p in range(1, _P):
                    acc = acc + rows[s2 * _P + p, pl.ds(j * _L, _L)]
                aggc[s2, pl.ds(j * _L, _L)] = acc * (1.0 / _P)
                return carry3
            return lax.fori_loop(0, _D // _L, jstep, carry2)
        lax.fori_loop(0, _SEG_CHUNK, seg, 0)
        pltpu.sync_copy(aggc, agg_out.at[pl.ds(wid * _SEG_W + c * _SEG_CHUNK,
                                               _SEG_CHUNK)])

    cp_self.wait()
    pltpu.sync_copy(srows, srow_out.at[pl.ds(wid * _ND_W, _ND_W)])


def _fused_call(all_scores, neigh_flat, nodes, features):
    fn = pl.kernel(
        _fused_body,
        out_type=(
            jax.ShapeDtypeStruct((_SEG, _D), jnp.float32),
            jax.ShapeDtypeStruct((_B, _D), jnp.float32),
        ),
        mesh=_sc_mesh(),
        scratch_types=[
            pltpu.VMEM((_N,), jnp.float32),
            pltpu.VMEM((_B,), jnp.int32),
            pltpu.VMEM((_NB_W,), jnp.int32),
            pltpu.VMEM((_SEG_CHUNK * _P,), jnp.int32),
            pltpu.VMEM((_SEG_CHUNK * _P,), jnp.int32),
            pltpu.VMEM((_ND_W,), jnp.int32),
            pltpu.VMEM((_ND_W, _D), jnp.float32),
            pltpu.VMEM((_SEG_CHUNK * _P, _D), jnp.float32),
            pltpu.VMEM((_SEG_CHUNK * _P, _D), jnp.float32),
            pltpu.VMEM((_SEG_CHUNK, _D), jnp.float32),
            pltpu.SemaphoreType.DMA,
            pltpu.SemaphoreType.DMA,
            pltpu.SemaphoreType.DMA,
        ],
        compiler_params=_SC_PARAMS,
    )
    return fn(all_scores, neigh_flat, nodes, features)


def _final_body(self_ref, agg_ref, wl_ref, wi_ref, wn_ref, wt_ref,
                out_ref, ls_ref):
    sf = self_ref[...]
    ls_ref[...] = jnp.dot(sf, wl_ref[...],
                          preferred_element_type=jnp.float32)
    h = jnp.dot(sf, wn_ref[0:_D, :], preferred_element_type=jnp.float32)
    for r in range(_R):
        wr = wi_ref[r]
        ir = jnp.dot(sf, wr[0:_D, :], preferred_element_type=jnp.float32)
        ir = ir + jnp.dot(agg_ref[r], wr[_D:2 * _D, :],
                          preferred_element_type=jnp.float32)
        ir = jnp.maximum(ir, 0.0)
        h = h + jnp.dot(ir, wn_ref[_D + r * _E:_D + (r + 1) * _E, :],
                        preferred_element_type=jnp.float32)
    inter = jnp.maximum(h, 0.0)
    out_ref[...] = lax.dot_general(inter, wt_ref[...],
                                   (((1,), (1,)), ((), ())),
                                   preferred_element_type=jnp.float32)


def _final_call(self_rows, agg3, W_label, W_intra, W_inter, weight):
    return pl.pallas_call(
        _final_body,
        out_shape=(
            jax.ShapeDtypeStruct((_B, _C), jnp.float32),
            jax.ShapeDtypeStruct((_B, _C), jnp.float32),
        ),
    )(self_rows, agg3, W_label, W_intra, W_inter, weight)


def kernel(nodes, labels, neigh_idx, features, train_pos,
           W_label, W_intra, W_inter, weight):
    nodes = nodes.astype(jnp.int32)
    neigh_idx = neigh_idx.astype(jnp.int32)
    score1 = _all_scores(features, W_label[:, 1:2].T)
    agg, self_rows = _fused_call(score1, neigh_idx.reshape(-1),
                                 nodes, features)
    scores, label_scores = _final_call(self_rows, agg.reshape(_R, _B, _D),
                                       W_label, W_intra, W_inter, weight)
    return scores, label_scores

# --- scband reference (transcript-rebuilt; emitter-appended) ---
"""Pipeline reference for scband-pcalayer-87789131530591 (READ-ONLY COPY).

The authoritative reference and input builder live on the scoring server;
editing this copy changes nothing except your own understanding.
"""

import jax, jax.numpy as jnp
import numpy as np

N = 10000   # n_nodes
D = 256     # feature dim
B = 1024    # batch of center nodes
K = 32      # sampled neighbors per relation
R = 3       # number of relations
P = 16      # 'choose' step: neighbors kept per relation
E = 1024    # intra/inter embed_dim (inter1.embed_dim)
C = 2       # num_classes


def setup_inputs(seed: int = 0) -> dict:
    key = jax.random.key(seed)
    ks = jax.random.split(key, 10)
    nodes = jax.random.randint(ks[0], (B,), 0, N)
    labels = jax.random.randint(ks[1], (B,), 0, C)
    neigh_idx = jax.random.randint(ks[2], (R, B, K), 0, N)
    features = jax.random.normal(ks[3], (N, D), dtype=jnp.float32)
    train_pos = jax.random.randint(ks[4], (128,), 0, N)
    # learned parameters
    W_label = jax.random.normal(ks[5], (D, C), dtype=jnp.float32) * (1.0 / np.sqrt(D))
    W_intra = jax.random.normal(ks[6], (R, 2 * D, E), dtype=jnp.float32) * (1.0 / np.sqrt(2 * D))
    W_inter = jax.random.normal(ks[7], (D + R * E, E), dtype=jnp.float32) * (1.0 / np.sqrt(D + R * E))
    weight = jax.random.normal(ks[8], (C, E), dtype=jnp.float32) * (1.0 / np.sqrt(E))
    return dict(nodes=nodes, labels=labels, neigh_idx=neigh_idx, features=features,
                train_pos=train_pos, W_label=W_label, W_intra=W_intra,
                W_inter=W_inter, weight=weight)


def _inter_agg(nodes, neigh_idx, features, W_label, W_intra, W_inter):
    # self features of batch nodes (gather / embedding lookup)
    self_feats = jnp.take(features, nodes, axis=0)                 # [B, D]
    # label-aware scorer (PC-GNN label_clf)
    label_scores = self_feats @ W_label                            # [B, C]
    s_self = label_scores[:, 1]                                    # [B]
    # gather per-relation neighbor features
    neigh_feats = jnp.take(features, neigh_idx.reshape(-1), axis=0).reshape(R, B, K, D)
    neigh_scores = neigh_feats @ W_label                           # [R, B, K, C]
    # 'Pick-Choose': keep P neighbors with smallest label-score distance
    diff = jnp.abs(neigh_scores[..., 1] - s_self[None, :, None])   # [R, B, K]
    _, top_idx = jax.lax.top_k(-diff, P)                           # [R, B, P]
    chosen = jnp.take_along_axis(neigh_feats, top_idx[..., None], axis=2)  # [R, B, P, D]
    agg = chosen.mean(axis=2)                                      # [R, B, D] intra mean-aggregate
    # intra-relation aggregators: ReLU(W_r @ cat(self, agg))
    self_b = jnp.broadcast_to(self_feats[None], (R, B, D))
    cat = jnp.concatenate([self_b, agg], axis=-1)                  # [R, B, 2D]
    intra_out = jax.nn.relu(jnp.einsum('rbf,rfe->rbe', cat, W_intra))  # [R, B, E]
    # inter-relation aggregator: concat self + all relation embeds
    inter_in = jnp.concatenate([self_feats, intra_out[0], intra_out[1], intra_out[2]], axis=-1)
    embeds1 = jax.nn.relu(inter_in @ W_inter).T                    # [E, B] (column-major like PC-GNN)
    return embeds1, label_scores


def reference(nodes, labels, neigh_idx, features, train_pos,
              W_label, W_intra, W_inter, weight):
    embeds1, label_scores = _inter_agg(nodes, neigh_idx, features, W_label, W_intra, W_inter)
    scores = weight @ embeds1                                      # [C, B]
    return scores.T, label_scores                                  # ([B, C], [B, C])

if __name__ == "__main__":
    import jax
    _d = setup_inputs()
    print(jax.jit(kernel)(*tuple(_d.values())))

</pallas_src>

<mosaic_0001>
#map = affine_map<(d0, d1) -> (0, 0)>
#map1 = affine_map<(d0, d1) -> (0)>
module attributes {stable_mosaic.version = 14 : i64} {
  func.func @_fused_body(%arg0: i32, %arg1: i32, %arg2: memref<1x10000xf32, #tpu.memory_space<hbm>>, %arg3: memref<98304xi32, #tpu.memory_space<hbm>>, %arg4: memref<1024xi32, #tpu.memory_space<hbm>>, %arg5: memref<10000x256xf32, #tpu.memory_space<hbm>>, %arg6: memref<3072x256xf32, #tpu.memory_space<hbm>>, %arg7: memref<1024x256xf32, #tpu.memory_space<hbm>>, %arg8: memref<10000xf32, #tpu.memory_space<vmem>>, %arg9: memref<1024xi32, #tpu.memory_space<vmem>>, %arg10: memref<3072xi32, #tpu.memory_space<vmem>>, %arg11: memref<192xi32, #tpu.memory_space<vmem>>, %arg12: memref<192xi32, #tpu.memory_space<vmem>>, %arg13: memref<32xi32, #tpu.memory_space<vmem>>, %arg14: memref<32x256xf32, #tpu.memory_space<vmem>>, %arg15: memref<192x256xf32, #tpu.memory_space<vmem>>, %arg16: memref<192x256xf32, #tpu.memory_space<vmem>>, %arg17: memref<12x256xf32, #tpu.memory_space<vmem>>, %arg18: memref<!tpu.dma_semaphore, #tpu.memory_space<semaphore_mem>>, %arg19: memref<!tpu.dma_semaphore, #tpu.memory_space<semaphore_mem>>, %arg20: memref<!tpu.dma_semaphore, #tpu.memory_space<semaphore_mem>>) attributes {dimension_semantics = [#tpu.dimension_semantics<core_parallel>, #tpu.dimension_semantics<subcore_parallel>], iteration_bounds = array<i64: 2, 16>, scalar_prefetch = 0 : i64, scratch_operands = 13 : i64, tpu.core_type = #tpu.core_type<sc_vector_subcore>, window_params = [{transform_indices = #map}, {transform_indices = #map1}, {transform_indices = #map1}, {transform_indices = #map}, {transform_indices = #map}, {transform_indices = #map}]} {
    %mul3A = arith.constant 2 : i32
    %mul3A_0 = arith.muli %arg1, %mul3A : i32
    %add3A = arith.addi %mul3A_0, %arg0 : i32
    %run_scoped3A = arith.constant 0 : i32
    "tpu.region"() ({
      %run_scoped3A_186 = tpu.sem_alloc : memref<!tpu.dma_semaphore, #tpu.memory_space<semaphore_mem>>
      %dma_start3A_187 = arith.constant 0 : i32
      %dma_start3A_188 = tpu.memref_slice %arg2[%run_scoped3A, %dma_start3A_187] : memref<1x10000xf32, #tpu.memory_space<hbm>> -> memref<1x10000xf32, #tpu.memory_space<hbm>>
      %dma_start3A_189 = tpu.memref_squeeze %dma_start3A_188 : memref<1x10000xf32, #tpu.memory_space<hbm>> -> memref<10000xf32, #tpu.memory_space<hbm>>
      %dma_start3A_190 = arith.constant 0 : i32
      %dma_start3A_191 = tpu.memref_slice %arg2[%run_scoped3A, %dma_start3A_190] : memref<1x10000xf32, #tpu.memory_space<hbm>> -> memref<1x10000xf32, #tpu.memory_space<hbm>>
      %dma_start3A_192 = tpu.memref_squeeze %dma_start3A_191 : memref<1x10000xf32, #tpu.memory_space<hbm>> -> memref<10000xf32, #tpu.memory_space<hbm>>
      tpu.enqueue_dma source(%dma_start3A_192 : memref<10000xf32, #tpu.memory_space<hbm>>) target(%arg8 : memref<10000xf32, #tpu.memory_space<vmem>>) target_semaphore(%run_scoped3A_186 : memref<!tpu.dma_semaphore, #tpu.memory_space<semaphore_mem>>)
      %dma_wait3A_193 = arith.constant 0 : i32
      %dma_wait3A_194 = tpu.memref_slice %arg2[%run_scoped3A, %dma_wait3A_193] : memref<1x10000xf32, #tpu.memory_space<hbm>> -> memref<1x10000xf32, #tpu.memory_space<hbm>>
      %dma_wait3A_195 = tpu.memref_squeeze %dma_wait3A_194 : memref<1x10000xf32, #tpu.memory_space<hbm>> -> memref<10000xf32, #tpu.memory_space<hbm>>
      %dma_wait3A_196 = arith.constant 0 : i32
      %dma_wait3A_197 = tpu.memref_slice %arg2[%run_scoped3A, %dma_wait3A_196] : memref<1x10000xf32, #tpu.memory_space<hbm>> -> memref<1x10000xf32, #tpu.memory_space<hbm>>
      %dma_wait3A_198 = tpu.memref_squeeze %dma_wait3A_197 : memref<1x10000xf32, #tpu.memory_space<hbm>> -> memref<10000xf32, #tpu.memory_space<hbm>>
      tpu.wait_dma2 semaphore(%run_scoped3A_186 : memref<!tpu.dma_semaphore, #tpu.memory_space<semaphore_mem>>) src(%dma_wait3A_198 : memref<10000xf32, #tpu.memory_space<hbm>>) dst(%arg8 : memref<10000xf32, #tpu.memory_space<vmem>>)
      tpu.yield
    }) : () -> ()
    "tpu.region"() ({
      %run_scoped3A_186 = tpu.sem_alloc : memref<!tpu.dma_semaphore, #tpu.memory_space<semaphore_mem>>
      tpu.enqueue_dma source(%arg4 : memref<1024xi32, #tpu.memory_space<hbm>>) target(%arg9 : memref<1024xi32, #tpu.memory_space<vmem>>) target_semaphore(%run_scoped3A_186 : memref<!tpu.dma_semaphore, #tpu.memory_space<semaphore_mem>>)
      tpu.wait_dma2 semaphore(%run_scoped3A_186 : memref<!tpu.dma_semaphore, #tpu.memory_space<semaphore_mem>>) src(%arg4 : memref<1024xi32, #tpu.memory_space<hbm>>) dst(%arg9 : memref<1024xi32, #tpu.memory_space<vmem>>)
      tpu.yield
    }) : () -> ()
    %mul3A_1 = arith.constant 32 : i32
    %mul3A_2 = arith.muli %add3A, %mul3A_1 : i32
    "tpu.region"() ({
      %run_scoped3A_186 = tpu.sem_alloc : memref<!tpu.dma_semaphore, #tpu.memory_space<semaphore_mem>>
      %dma_start3A_187 = tpu.memref_slice %arg4[%mul3A_2] : memref<1024xi32, #tpu.memory_space<hbm>> -> memref<32xi32, #tpu.memory_space<hbm>>
      %dma_start3A_188 = tpu.memref_slice %arg4[%mul3A_2] : memref<1024xi32, #tpu.memory_space<hbm>> -> memref<32xi32, #tpu.memory_space<hbm>>
      tpu.enqueue_dma source(%dma_start3A_188 : memref<32xi32, #tpu.memory_space<hbm>>) target(%arg13 : memref<32xi32, #tpu.memory_space<vmem>>) target_semaphore(%run_scoped3A_186 : memref<!tpu.dma_semaphore, #tpu.memory_space<semaphore_mem>>)
      %dma_wait3A_189 = tpu.memref_slice %arg4[%mul3A_2] : memref<1024xi32, #tpu.memory_space<hbm>> -> memref<32xi32, #tpu.memory_space<hbm>>
      %dma_wait3A_190 = tpu.memref_slice %arg4[%mul3A_2] : memref<1024xi32, #tpu.memory_space<hbm>> -> memref<32xi32, #tpu.memory_space<hbm>>
      tpu.wait_dma2 semaphore(%run_scoped3A_186 : memref<!tpu.dma_semaphore, #tpu.memory_space<semaphore_mem>>) src(%dma_wait3A_190 : memref<32xi32, #tpu.memory_space<hbm>>) dst(%arg13 : memref<32xi32, #tpu.memory_space<vmem>>)
      tpu.yield
    }) : () -> ()
    %dma_start3A = arith.constant 0 : i32
    %dma_start3A_3 = arith.constant 0 : i32
    %dma_start3A_4 = tpu.memref_slice %arg5[%dma_start3A, %dma_start3A_3] : memref<10000x256xf32, #tpu.memory_space<hbm>> -> memref<10000x256xf32, #tpu.memory_space<hbm>>
    tpu.enqueue_indirect_dma source(%dma_start3A_4 : memref<10000x256xf32, #tpu.memory_space<hbm>>) target(%arg14 : memref<32x256xf32, #tpu.memory_space<vmem>>) offsets(%arg13 : memref<32xi32, #tpu.memory_space<vmem>>) semaphore(%arg18 : memref<!tpu.dma_semaphore, #tpu.memory_space<semaphore_mem>>)
    %mul3A_5 = arith.constant 3072 : i32
    %mul3A_6 = arith.muli %add3A, %mul3A_5 : i32
    "tpu.region"() ({
      %run_scoped3A_186 = tpu.sem_alloc : memref<!tpu.dma_semaphore, #tpu.memory_space<semaphore_mem>>
      %dma_start3A_187 = tpu.memref_slice %arg3[%mul3A_6] : memref<98304xi32, #tpu.memory_space<hbm>> -> memref<3072xi32, #tpu.memory_space<hbm>>
      %dma_start3A_188 = tpu.memref_slice %arg3[%mul3A_6] : memref<98304xi32, #tpu.memory_space<hbm>> -> memref<3072xi32, #tpu.memory_space<hbm>>
      tpu.enqueue_dma source(%dma_start3A_188 : memref<3072xi32, #tpu.memory_space<hbm>>) target(%arg10 : memref<3072xi32, #tpu.memory_space<vmem>>) target_semaphore(%run_scoped3A_186 : memref<!tpu.dma_semaphore, #tpu.memory_space<semaphore_mem>>)
      %dma_wait3A_189 = tpu.memref_slice %arg3[%mul3A_6] : memref<98304xi32, #tpu.memory_space<hbm>> -> memref<3072xi32, #tpu.memory_space<hbm>>
      %dma_wait3A_190 = tpu.memref_slice %arg3[%mul3A_6] : memref<98304xi32, #tpu.memory_space<hbm>> -> memref<3072xi32, #tpu.memory_space<hbm>>
      tpu.wait_dma2 semaphore(%run_scoped3A_186 : memref<!tpu.dma_semaphore, #tpu.memory_space<semaphore_mem>>) src(%dma_wait3A_190 : memref<3072xi32, #tpu.memory_space<hbm>>) dst(%arg10 : memref<3072xi32, #tpu.memory_space<vmem>>)
      tpu.yield
    }) : () -> ()
    %scan3A = arith.constant 0 : i32
    %scan3A_7 = arith.constant 0 : i32
    %scan3A_8 = arith.constant 12 : i32
    %scan3A_9 = arith.addi %scan3A_7, %scan3A_8 : i32
    %scan3A_10 = arith.constant 1 : i32
    scf.for %scan3A_186 = %scan3A_7 to %scan3A_9 step %scan3A_10  : i32 {
      %add3A_187 = arith.constant 0 : i32
      %add3A_188 = arith.addi %add3A_187, %scan3A_186 : i32
      %mul3A_189 = arith.constant 96 : i32
      %mul3A_190 = arith.muli %add3A, %mul3A_189 : i32
      %add3A_191 = arith.addi %mul3A_190, %add3A_188 : i32
      %rem3A = arith.constant 1024 : i32
      %rem3A_192 = arith.remsi %add3A_191, %rem3A : i32
      %broadcast_in_dim3A = vector.broadcast %rem3A_192 : i32 to vector<16xi32>
      %gather3A = tpu.vector_load_idx %arg9[%broadcast_in_dim3A] : memref<1024xi32, #tpu.memory_space<vmem>>[vector<16xi32>], vector<16xi32>,
      %gather3A_193 = tpu.vector_load_idx %arg8[%gather3A] : memref<10000xf32, #tpu.memory_space<vmem>>[vector<16xi32>], vector<16xf32>,
      %mul3A_194 = arith.constant 32 : i32
      %mul3A_195 = arith.muli %add3A_188, %mul3A_194 : i32
      %get3A = arith.index_cast %mul3A_195 : i32 to index
      %get3A_196 = tpu.vector_load %arg10[%get3A] {strides = array<i32>} : memref<3072xi32, #tpu.memory_space<vmem>>, vector<16xi32>,
      %mul3A_197 = arith.constant 32 : i32
      %mul3A_198 = arith.muli %add3A_188, %mul3A_197 : i32
      %add3A_199 = arith.constant 16 : i32
      %add3A_200 = arith.addi %mul3A_198, %add3A_199 : i32
      %get3A_201 = arith.index_cast %add3A_200 : i32 to index
      %get3A_202 = tpu.vector_load %arg10[%get3A_201] {strides = array<i32>} : memref<3072xi32, #tpu.memory_space<vmem>>, vector<16xi32>,
      %gather3A_203 = tpu.vector_load_idx %arg8[%get3A_196] : memref<10000xf32, #tpu.memory_space<vmem>>[vector<16xi32>], vector<16xf32>,
      %sub3A = arith.subf %gather3A_203, %gather3A_193 : vector<16xf32>
      %abs3A = math.absf %sub3A : vector<16xf32>
      %gather3A_204 = tpu.vector_load_idx %arg8[%get3A_202] : memref<10000xf32, #tpu.memory_space<vmem>>[vector<16xi32>], vector<16xf32>,
      %sub3A_205 = arith.subf %gather3A_204, %gather3A_193 : vector<16xf32>
      %abs3A_206 = math.absf %sub3A_205 : vector<16xf32>
      %masked_sort3A = arith.constant dense<true> : vector<16xi1>
      %masked_sort3A_207, %masked_sort3A_208, %masked_sort3A_209 = tpu.sort %abs3A, %get3A_196 masked %masked_sort3A : (vector<16xf32>, vector<16xi32>, vector<16xi1>) -> (vector<16xi1>, vector<16xf32>, vector<16xi32>)
      %masked_sort3A_210 = arith.constant dense<true> : vector<16xi1>
      %masked_sort3A_211, %masked_sort3A_212, %masked_sort3A_213 = tpu.sort %abs3A_206, %get3A_202 masked %masked_sort3A_210 : (vector<16xf32>, vector<16xi32>, vector<16xi1>) -> (vector<16xi1>, vector<16xf32>, vector<16xi32>)
      %rev3A = arith.constant 15 : i32
      %rev3A_214 = vector.broadcast %rev3A : i32 to vector<16xi32>
      %rev3A_215 = tpu.iota {dimensions = array<i32: 0>} : vector<16xi32>
      %rev3A_216 = arith.subi %rev3A_214, %rev3A_215 : vector<16xi32>
      %rev3A_217 = tpu.dynamic_gather %masked_sort3A_212[%rev3A_216] in [0] : vector<16xf32>, vector<16xi32> -> vector<16xf32>
      %rev3A_218 = arith.constant 15 : i32
      %rev3A_219 = vector.broadcast %rev3A_218 : i32 to vector<16xi32>
      %rev3A_220 = tpu.iota {dimensions = array<i32: 0>} : vector<16xi32>
      %rev3A_221 = arith.subi %rev3A_219, %rev3A_220 : vector<16xi32>
      %rev3A_222 = tpu.dynamic_gather %masked_sort3A_213[%rev3A_221] in [0] : vector<16xi32>, vector<16xi32> -> vector<16xi32>
      %le3A = arith.cmpf ole, %masked_sort3A_208, %rev3A_217 : vector<16xf32>
      %select_n3A = arith.select %le3A, %masked_sort3A_209, %rev3A_222 : vector<16xi1>, vector<16xi32>
      %mul3A_223 = arith.constant 16 : i32
      %mul3A_224 = arith.muli %scan3A_186, %mul3A_223 : i32
      %swap3A = arith.index_cast %mul3A_224 : i32 to index
      %swap3A_225 = tpu.vector_load %arg11[%swap3A] {strides = array<i32>} : memref<192xi32, #tpu.memory_space<vmem>>, vector<16xi32>,
      tpu.vector_store %arg11[%swap3A], %select_n3A {strides = array<i32>} : memref<192xi32, #tpu.memory_space<vmem>>, vector<16xi32>,
    }
    %scan3A_11 = arith.constant 12 : i32
    %dma_start3A_12 = arith.constant 0 : i32
    %dma_start3A_13 = arith.constant 0 : i32
    %dma_start3A_14 = tpu.memref_slice %arg5[%dma_start3A_12, %dma_start3A_13] : memref<10000x256xf32, #tpu.memory_space<hbm>> -> memref<10000x256xf32, #tpu.memory_space<hbm>>
    tpu.enqueue_indirect_dma source(%dma_start3A_14 : memref<10000x256xf32, #tpu.memory_space<hbm>>) target(%arg15 : memref<192x256xf32, #tpu.memory_space<vmem>>) offsets(%arg11 : memref<192xi32, #tpu.memory_space<vmem>>) semaphore(%arg19 : memref<!tpu.dma_semaphore, #tpu.memory_space<semaphore_mem>>)
    %scan3A_15 = arith.constant 0 : i32
    %scan3A_16 = arith.constant 0 : i32
    %scan3A_17 = arith.constant 12 : i32
    %scan3A_18 = arith.addi %scan3A_16, %scan3A_17 : i32
    %scan3A_19 = arith.constant 1 : i32
    scf.for %scan3A_186 = %scan3A_16 to %scan3A_18 step %scan3A_19  : i32 {
      %add3A_187 = arith.constant 12 : i32
      %add3A_188 = arith.addi %add3A_187, %scan3A_186 : i32
      %mul3A_189 = arith.constant 96 : i32
      %mul3A_190 = arith.muli %add3A, %mul3A_189 : i32
      %add3A_191 = arith.addi %mul3A_190, %add3A_188 : i32
      %rem3A = arith.constant 1024 : i32
      %rem3A_192 = arith.remsi %add3A_191, %rem3A : i32
      %broadcast_in_dim3A = vector.broadcast %rem3A_192 : i32 to vector<16xi32>
      %gather3A = tpu.vector_load_idx %arg9[%broadcast_in_dim3A] : memref<1024xi32, #tpu.memory_space<vmem>>[vector<16xi32>], vector<16xi32>,
      %gather3A_193 = tpu.vector_load_idx %arg8[%gather3A] : memref<10000xf32, #tpu.memory_space<vmem>>[vector<16xi32>], vector<16xf32>,
      %mul3A_194 = arith.constant 32 : i32
      %mul3A_195 = arith.muli %add3A_188, %mul3A_194 : i32
      %get3A = arith.index_cast %mul3A_195 : i32 to index
      %get3A_196 = tpu.vector_load %arg10[%get3A] {strides = array<i32>} : memref<3072xi32, #tpu.memory_space<vmem>>, vector<16xi32>,
      %mul3A_197 = arith.constant 32 : i32
      %mul3A_198 = arith.muli %add3A_188, %mul3A_197 : i32
      %add3A_199 = arith.constant 16 : i32
      %add3A_200 = arith.addi %mul3A_198, %add3A_199 : i32
      %get3A_201 = arith.index_cast %add3A_200 : i32 to index
      %get3A_202 = tpu.vector_load %arg10[%get3A_201] {strides = array<i32>} : memref<3072xi32, #tpu.memory_space<vmem>>, vector<16xi32>,
      %gather3A_203 = tpu.vector_load_idx %arg8[%get3A_196] : memref<10000xf32, #tpu.memory_space<vmem>>[vector<16xi32>], vector<16xf32>,
      %sub3A = arith.subf %gather3A_203, %gather3A_193 : vector<16xf32>
      %abs3A = math.absf %sub3A : vector<16xf32>
      %gather3A_204 = tpu.vector_load_idx %arg8[%get3A_202] : memref<10000xf32, #tpu.memory_space<vmem>>[vector<16xi32>], vector<16xf32>,
      %sub3A_205 = arith.subf %gather3A_204, %gather3A_193 : vector<16xf32>
      %abs3A_206 = math.absf %sub3A_205 : vector<16xf32>
      %masked_sort3A = arith.constant dense<true> : vector<16xi1>
      %masked_sort3A_207, %masked_sort3A_208, %masked_sort3A_209 = tpu.sort %abs3A, %get3A_196 masked %masked_sort3A : (vector<16xf32>, vector<16xi32>, vector<16xi1>) -> (vector<16xi1>, vector<16xf32>, vector<16xi32>)
      %masked_sort3A_210 = arith.constant dense<true> : vector<16xi1>
      %masked_sort3A_211, %masked_sort3A_212, %masked_sort3A_213 = tpu.sort %abs3A_206, %get3A_202 masked %masked_sort3A_210 : (vector<16xf32>, vector<16xi32>, vector<16xi1>) -> (vector<16xi1>, vector<16xf32>, vector<16xi32>)
      %rev3A = arith.constant 15 : i32
      %rev3A_214 = vector.broadcast %rev3A : i32 to vector<16xi32>
      %rev3A_215 = tpu.iota {dimensions = array<i32: 0>} : vector<16xi32>
      %rev3A_216 = arith.subi %rev3A_214, %rev3A_215 : vector<16xi32>
      %rev3A_217 = tpu.dynamic_gather %masked_sort3A_212[%rev3A_216] in [0] : vector<16xf32>, vector<16xi32> -> vector<16xf32>
      %rev3A_218 = arith.constant 15 : i32
      %rev3A_219 = vector.broadcast %rev3A_218 : i32 to vector<16xi32>
      %rev3A_220 = tpu.iota {dimensions = array<i32: 0>} : vector<16xi32>
      %rev3A_221 = arith.subi %rev3A_219, %rev3A_220 : vector<16xi32>
      %rev3A_222 = tpu.dynamic_gather %masked_sort3A_213[%rev3A_221] in [0] : vector<16xi32>, vector<16xi32> -> vector<16xi32>
      %le3A = arith.cmpf ole, %masked_sort3A_208, %rev3A_217 : vector<16xf32>
      %select_n3A = arith.select %le3A, %masked_sort3A_209, %rev3A_222 : vector<16xi1>, vector<16xi32>
      %mul3A_223 = arith.constant 16 : i32
      %mul3A_224 = arith.muli %scan3A_186, %mul3A_223 : i32
      %swap3A = arith.index_cast %mul3A_224 : i32 to index
      %swap3A_225 = tpu.vector_load %arg12[%swap3A] {strides = array<i32>} : memref<192xi32, #tpu.memory_space<vmem>>, vector<16xi32>,
      tpu.vector_store %arg12[%swap3A], %select_n3A {strides = array<i32>} : memref<192xi32, #tpu.memory_space<vmem>>, vector<16xi32>,
    }
    %scan3A_20 = arith.constant 12 : i32
    %dma_start3A_21 = arith.constant 0 : i32
    %dma_start3A_22 = arith.constant 0 : i32
    %dma_start3A_23 = tpu.memref_slice %arg5[%dma_start3A_21, %dma_start3A_22] : memref<10000x256xf32, #tpu.memory_space<hbm>> -> memref<10000x256xf32, #tpu.memory_space<hbm>>
    tpu.enqueue_indirect_dma source(%dma_start3A_23 : memref<10000x256xf32, #tpu.memory_space<hbm>>) target(%arg16 : memref<192x256xf32, #tpu.memory_space<vmem>>) offsets(%arg12 : memref<192xi32, #tpu.memory_space<vmem>>) semaphore(%arg20 : memref<!tpu.dma_semaphore, #tpu.memory_space<semaphore_mem>>)
    %dma_wait3A = arith.constant 0 : i32
    %dma_wait3A_24 = arith.constant 0 : i32
    %dma_wait3A_25 = tpu.memref_slice %arg5[%dma_wait3A, %dma_wait3A_24] : memref<10000x256xf32, #tpu.memory_space<hbm>> -> memref<10000x256xf32, #tpu.memory_space<hbm>>
    tpu.wait_indirect_dma semaphore(%arg19 : memref<!tpu.dma_semaphore, #tpu.memory_space<semaphore_mem>>) src(%dma_wait3A_25 : memref<10000x256xf32, #tpu.memory_space<hbm>>) dst(%arg15 : memref<192x256xf32, #tpu.memory_space<vmem>>)
    %scan3A_26 = arith.constant 0 : i32
    %scan3A_27 = arith.constant 0 : i32
    %scan3A_28 = arith.constant 12 : i32
    %scan3A_29 = arith.addi %scan3A_27, %scan3A_28 : i32
    %scan3A_30 = arith.constant 1 : i32
    scf.for %scan3A_186 = %scan3A_27 to %scan3A_29 step %scan3A_30  : i32 {
      %scan3A_187 = arith.constant 0 : i32
      %scan3A_188 = arith.constant 16 : i32
      %scan3A_189 = arith.addi %scan3A_187, %scan3A_188 : i32
      %scan3A_190 = arith.constant 1 : i32
      scf.for %scan3A_192 = %scan3A_187 to %scan3A_189 step %scan3A_190  : i32 {
        %mul3A_193 = arith.constant 16 : i32
        %mul3A_194 = arith.muli %scan3A_186, %mul3A_193 : i32
        %mul3A_195 = arith.constant 16 : i32
        %mul3A_196 = arith.muli %scan3A_192, %mul3A_195 : i32
        %get3A = arith.index_cast %mul3A_194 : i32 to index
        %get3A_197 = arith.index_cast %mul3A_196 : i32 to index
        %get3A_198 = tpu.vector_load %arg15[%get3A, %get3A_197] {strides = array<i32>} : memref<192x256xf32, #tpu.memory_space<vmem>>, vector<16xf32>,
        %mul3A_199 = arith.constant 16 : i32
        %mul3A_200 = arith.muli %scan3A_186, %mul3A_199 : i32
        %add3A_201 = arith.constant 1 : i32
        %add3A_202 = arith.addi %mul3A_200, %add3A_201 : i32
        %mul3A_203 = arith.constant 16 : i32
        %mul3A_204 = arith.muli %scan3A_192, %mul3A_203 : i32
        %get3A_205 = arith.index_cast %add3A_202 : i32 to index
        %get3A_206 = arith.index_cast %mul3A_204 : i32 to index
        %get3A_207 = tpu.vector_load %arg15[%get3A_205, %get3A_206] {strides = array<i32>} : memref<192x256xf32, #tpu.memory_space<vmem>>, vector<16xf32>,
        %add3A_208 = arith.addf %get3A_198, %get3A_207 : vector<16xf32>
        %mul3A_209 = arith.constant 16 : i32
        %mul3A_210 = arith.muli %scan3A_186, %mul3A_209 : i32
        %add3A_211 = arith.constant 2 : i32
        %add3A_212 = arith.addi %mul3A_210, %add3A_211 : i32
        %mul3A_213 = arith.constant 16 : i32
        %mul3A_214 = arith.muli %scan3A_192, %mul3A_213 : i32
        %get3A_215 = arith.index_cast %add3A_212 : i32 to index
        %get3A_216 = arith.index_cast %mul3A_214 : i32 to index
        %get3A_217 = tpu.vector_load %arg15[%get3A_215, %get3A_216] {strides = array<i32>} : memref<192x256xf32, #tpu.memory_space<vmem>>, vector<16xf32>,
        %add3A_218 = arith.addf %add3A_208, %get3A_217 : vector<16xf32>
        %mul3A_219 = arith.constant 16 : i32
        %mul3A_220 = arith.muli %scan3A_186, %mul3A_219 : i32
        %add3A_221 = arith.constant 3 : i32
        %add3A_222 = arith.addi %mul3A_220, %add3A_221 : i32
        %mul3A_223 = arith.constant 16 : i32
        %mul3A_224 = arith.muli %scan3A_192, %mul3A_223 : i32
        %get3A_225 = arith.index_cast %add3A_222 : i32 to index
        %get3A_226 = arith.index_cast %mul3A_224 : i32 to index
        %get3A_227 = tpu.vector_load %arg15[%get3A_225, %get3A_226] {strides = array<i32>} : memref<192x256xf32, #tpu.memory_space<vmem>>, vector<16xf32>,
        %add3A_228 = arith.addf %add3A_218, %get3A_227 : vector<16xf32>
        %mul3A_229 = arith.constant 16 : i32
        %mul3A_230 = arith.muli %scan3A_186, %mul3A_229 : i32
        %add3A_231 = arith.constant 4 : i32
        %add3A_232 = arith.addi %mul3A_230, %add3A_231 : i32
        %mul3A_233 = arith.constant 16 : i32
        %mul3A_234 = arith.muli %scan3A_192, %mul3A_233 : i32
        %get3A_235 = arith.index_cast %add3A_232 : i32 to index
        %get3A_236 = arith.index_cast %mul3A_234 : i32 to index
        %get3A_237 = tpu.vector_load %arg15[%get3A_235, %get3A_236] {strides = array<i32>} : memref<192x256xf32, #tpu.memory_space<vmem>>, vector<16xf32>,
        %add3A_238 = arith.addf %add3A_228, %get3A_237 : vector<16xf32>
        %mul3A_239 = arith.constant 16 : i32
        %mul3A_240 = arith.muli %scan3A_186, %mul3A_239 : i32
        %add3A_241 = arith.constant 5 : i32
        %add3A_242 = arith.addi %mul3A_240, %add3A_241 : i32
        %mul3A_243 = arith.constant 16 : i32
        %mul3A_244 = arith.muli %scan3A_192, %mul3A_243 : i32
        %get3A_245 = arith.index_cast %add3A_242 : i32 to index
        %get3A_246 = arith.index_cast %mul3A_244 : i32 to index
        %get3A_247 = tpu.vector_load %arg15[%get3A_245, %get3A_246] {strides = array<i32>} : memref<192x256xf32, #tpu.memory_space<vmem>>, vector<16xf32>,
        %add3A_248 = arith.addf %add3A_238, %get3A_247 : vector<16xf32>
        %mul3A_249 = arith.constant 16 : i32
        %mul3A_250 = arith.muli %scan3A_186, %mul3A_249 : i32
        %add3A_251 = arith.constant 6 : i32
        %add3A_252 = arith.addi %mul3A_250, %add3A_251 : i32
        %mul3A_253 = arith.constant 16 : i32
        %mul3A_254 = arith.muli %scan3A_192, %mul3A_253 : i32
        %get3A_255 = arith.index_cast %add3A_252 : i32 to index
        %get3A_256 = arith.index_cast %mul3A_254 : i32 to index
        %get3A_257 = tpu.vector_load %arg15[%get3A_255, %get3A_256] {strides = array<i32>} : memref<192x256xf32, #tpu.memory_space<vmem>>, vector<16xf32>,
        %add3A_258 = arith.addf %add3A_248, %get3A_257 : vector<16xf32>
        %mul3A_259 = arith.constant 16 : i32
        %mul3A_260 = arith.muli %scan3A_186, %mul3A_259 : i32
        %add3A_261 = arith.constant 7 : i32
        %add3A_262 = arith.addi %mul3A_260, %add3A_261 : i32
        %mul3A_263 = arith.constant 16 : i32
        %mul3A_264 = arith.muli %scan3A_192, %mul3A_263 : i32
        %get3A_265 = arith.index_cast %add3A_262 : i32 to index
        %get3A_266 = arith.index_cast %mul3A_264 : i32 to index
        %get3A_267 = tpu.vector_load %arg15[%get3A_265, %get3A_266] {strides = array<i32>} : memref<192x256xf32, #tpu.memory_space<vmem>>, vector<16xf32>,
        %add3A_268 = arith.addf %add3A_258, %get3A_267 : vector<16xf32>
        %mul3A_269 = arith.constant 16 : i32
        %mul3A_270 = arith.muli %scan3A_186, %mul3A_269 : i32
        %add3A_271 = arith.constant 8 : i32
        %add3A_272 = arith.addi %mul3A_270, %add3A_271 : i32
        %mul3A_273 = arith.constant 16 : i32
        %mul3A_274 = arith.muli %scan3A_192, %mul3A_273 : i32
        %get3A_275 = arith.index_cast %add3A_272 : i32 to index
        %get3A_276 = arith.index_cast %mul3A_274 : i32 to index
        %get3A_277 = tpu.vector_load %arg15[%get3A_275, %get3A_276] {strides = array<i32>} : memref<192x256xf32, #tpu.memory_space<vmem>>, vector<16xf32>,
        %add3A_278 = arith.addf %add3A_268, %get3A_277 : vector<16xf32>
        %mul3A_279 = arith.constant 16 : i32
        %mul3A_280 = arith.muli %scan3A_186, %mul3A_279 : i32
        %add3A_281 = arith.constant 9 : i32
        %add3A_282 = arith.addi %mul3A_280, %add3A_281 : i32
        %mul3A_283 = arith.constant 16 : i32
        %mul3A_284 = arith.muli %scan3A_192, %mul3A_283 : i32
        %get3A_285 = arith.index_cast %add3A_282 : i32 to index
        %get3A_286 = arith.index_cast %mul3A_284 : i32 to index
        %get3A_287 = tpu.vector_load %arg15[%get3A_285, %get3A_286] {strides = array<i32>} : memref<192x256xf32, #tpu.memory_space<vmem>>, vector<16xf32>,
        %add3A_288 = arith.addf %add3A_278, %get3A_287 : vector<16xf32>
        %mul3A_289 = arith.constant 16 : i32
        %mul3A_290 = arith.muli %scan3A_186, %mul3A_289 : i32
        %add3A_291 = arith.constant 10 : i32
        %add3A_292 = arith.addi %mul3A_290, %add3A_291 : i32
        %mul3A_293 = arith.constant 16 : i32
        %mul3A_294 = arith.muli %scan3A_192, %mul3A_293 : i32
        %get3A_295 = arith.index_cast %add3A_292 : i32 to index
        %get3A_296 = arith.index_cast %mul3A_294 : i32 to index
        %get3A_297 = tpu.vector_load %arg15[%get3A_295, %get3A_296] {strides = array<i32>} : memref<192x256xf32, #tpu.memory_space<vmem>>, vector<16xf32>,
        %add3A_298 = arith.addf %add3A_288, %get3A_297 : vector<16xf32>
        %mul3A_299 = arith.constant 16 : i32
        %mul3A_300 = arith.muli %scan3A_186, %mul3A_299 : i32
        %add3A_301 = arith.constant 11 : i32
        %add3A_302 = arith.addi %mul3A_300, %add3A_301 : i32
        %mul3A_303 = arith.constant 16 : i32
        %mul3A_304 = arith.muli %scan3A_192, %mul3A_303 : i32
        %get3A_305 = arith.index_cast %add3A_302 : i32 to index
        %get3A_306 = arith.index_cast %mul3A_304 : i32 to index
        %get3A_307 = tpu.vector_load %arg15[%get3A_305, %get3A_306] {strides = array<i32>} : memref<192x256xf32, #tpu.memory_space<vmem>>, vector<16xf32>,
        %add3A_308 = arith.addf %add3A_298, %get3A_307 : vector<16xf32>
        %mul3A_309 = arith.constant 16 : i32
        %mul3A_310 = arith.muli %scan3A_186, %mul3A_309 : i32
        %add3A_311 = arith.constant 12 : i32
        %add3A_312 = arith.addi %mul3A_310, %add3A_311 : i32
        %mul3A_313 = arith.constant 16 : i32
        %mul3A_314 = arith.muli %scan3A_192, %mul3A_313 : i32
        %get3A_315 = arith.index_cast %add3A_312 : i32 to index
        %get3A_316 = arith.index_cast %mul3A_314 : i32 to index
        %get3A_317 = tpu.vector_load %arg15[%get3A_315, %get3A_316] {strides = array<i32>} : memref<192x256xf32, #tpu.memory_space<vmem>>, vector<16xf32>,
        %add3A_318 = arith.addf %add3A_308, %get3A_317 : vector<16xf32>
        %mul3A_319 = arith.constant 16 : i32
        %mul3A_320 = arith.muli %scan3A_186, %mul3A_319 : i32
        %add3A_321 = arith.constant 13 : i32
        %add3A_322 = arith.addi %mul3A_320, %add3A_321 : i32
        %mul3A_323 = arith.constant 16 : i32
        %mul3A_324 = arith.muli %scan3A_192, %mul3A_323 : i32
        %get3A_325 = arith.index_cast %add3A_322 : i32 to index
        %get3A_326 = arith.index_cast %mul3A_324 : i32 to index
        %get3A_327 = tpu.vector_load %arg15[%get3A_325, %get3A_326] {strides = array<i32>} : memref<192x256xf32, #tpu.memory_space<vmem>>, vector<16xf32>,
        %add3A_328 = arith.addf %add3A_318, %get3A_327 : vector<16xf32>
        %mul3A_329 = arith.constant 16 : i32
        %mul3A_330 = arith.muli %scan3A_186, %mul3A_329 : i32
        %add3A_331 = arith.constant 14 : i32
        %add3A_332 = arith.addi %mul3A_330, %add3A_331 : i32
        %mul3A_333 = arith.constant 16 : i32
        %mul3A_334 = arith.muli %scan3A_192, %mul3A_333 : i32
        %get3A_335 = arith.index_cast %add3A_332 : i32 to index
        %get3A_336 = arith.index_cast %mul3A_334 : i32 to index
        %get3A_337 = tpu.vector_load %arg15[%get3A_335, %get3A_336] {strides = array<i32>} : memref<192x256xf32, #tpu.memory_space<vmem>>, vector<16xf32>,
        %add3A_338 = arith.addf %add3A_328, %get3A_337 : vector<16xf32>
        %mul3A_339 = arith.constant 16 : i32
        %mul3A_340 = arith.muli %scan3A_186, %mul3A_339 : i32
        %add3A_341 = arith.constant 15 : i32
        %add3A_342 = arith.addi %mul3A_340, %add3A_341 : i32
        %mul3A_343 = arith.constant 16 : i32
        %mul3A_344 = arith.muli %scan3A_192, %mul3A_343 : i32
        %get3A_345 = arith.index_cast %add3A_342 : i32 to index
        %get3A_346 = arith.index_cast %mul3A_344 : i32 to index
        %get3A_347 = tpu.vector_load %arg15[%get3A_345, %get3A_346] {strides = array<i32>} : memref<192x256xf32, #tpu.memory_space<vmem>>, vector<16xf32>,
        %add3A_348 = arith.addf %add3A_338, %get3A_347 : vector<16xf32>
        %mul3A_349 = arith.constant 6.250000e-02 : f32
        %mul3A_350 = vector.broadcast %mul3A_349 : f32 to vector<16xf32>
        %mul3A_351 = arith.mulf %add3A_348, %mul3A_350 : vector<16xf32>
        %mul3A_352 = arith.constant 16 : i32
        %mul3A_353 = arith.muli %scan3A_192, %mul3A_352 : i32
        %swap3A = arith.index_cast %scan3A_186 : i32 to index
        %swap3A_354 = arith.index_cast %mul3A_353 : i32 to index
        %swap3A_355 = tpu.vector_load %arg17[%swap3A, %swap3A_354] {strides = array<i32>} : memref<12x256xf32, #tpu.memory_space<vmem>>, vector<16xf32>,
        tpu.vector_store %arg17[%swap3A, %swap3A_354], %mul3A_351 {strides = array<i32>} : memref<12x256xf32, #tpu.memory_space<vmem>>, vector<16xf32>,
      }
      %scan3A_191 = arith.constant 16 : i32
    }
    %scan3A_31 = arith.constant 12 : i32
    %mul3A_32 = arith.constant 96 : i32
    %mul3A_33 = arith.muli %add3A, %mul3A_32 : i32
    %add3A_34 = arith.constant 0 : i32
    %add3A_35 = arith.addi %mul3A_33, %add3A_34 : i32
    "tpu.region"() ({
      %run_scoped3A_186 = tpu.sem_alloc : memref<!tpu.dma_semaphore, #tpu.memory_space<semaphore_mem>>
      %dma_start3A_187 = arith.constant 0 : i32
      %dma_start3A_188 = tpu.memref_slice %arg6[%add3A_35, %dma_start3A_187] : memref<3072x256xf32, #tpu.memory_space<hbm>> -> memref<12x256xf32, #tpu.memory_space<hbm>>
      %dma_start3A_189 = arith.constant 0 : i32
      %dma_start3A_190 = tpu.memref_slice %arg6[%add3A_35, %dma_start3A_189] : memref<3072x256xf32, #tpu.memory_space<hbm>> -> memref<12x256xf32, #tpu.memory_space<hbm>>
      tpu.enqueue_dma source(%arg17 : memref<12x256xf32, #tpu.memory_space<vmem>>) target(%dma_start3A_190 : memref<12x256xf32, #tpu.memory_space<hbm>>) target_semaphore(%run_scoped3A_186 : memref<!tpu.dma_semaphore, #tpu.memory_space<semaphore_mem>>)
      %dma_wait3A_191 = arith.constant 0 : i32
      %dma_wait3A_192 = tpu.memref_slice %arg6[%add3A_35, %dma_wait3A_191] : memref<3072x256xf32, #tpu.memory_space<hbm>> -> memref<12x256xf32, #tpu.memory_space<hbm>>
      %dma_wait3A_193 = arith.constant 0 : i32
      %dma_wait3A_194 = tpu.memref_slice %arg6[%add3A_35, %dma_wait3A_193] : memref<3072x256xf32, #tpu.memory_space<hbm>> -> memref<12x256xf32, #tpu.memory_space<hbm>>
      tpu.wait_dma2 semaphore(%run_scoped3A_186 : memref<!tpu.dma_semaphore, #tpu.memory_space<semaphore_mem>>) src(%arg17 : memref<12x256xf32, #tpu.memory_space<vmem>>) dst(%dma_wait3A_194 : memref<12x256xf32, #tpu.memory_space<hbm>>)
      tpu.yield
    }) : () -> ()
    %scan3A_36 = arith.constant 0 : i32
    %scan3A_37 = arith.constant 0 : i32
    %scan3A_38 = arith.constant 12 : i32
    %scan3A_39 = arith.addi %scan3A_37, %scan3A_38 : i32
    %scan3A_40 = arith.constant 1 : i32
    scf.for %scan3A_186 = %scan3A_37 to %scan3A_39 step %scan3A_40  : i32 {
      %add3A_187 = arith.constant 24 : i32
      %add3A_188 = arith.addi %add3A_187, %scan3A_186 : i32
      %mul3A_189 = arith.constant 96 : i32
      %mul3A_190 = arith.muli %add3A, %mul3A_189 : i32
      %add3A_191 = arith.addi %mul3A_190, %add3A_188 : i32
      %rem3A = arith.constant 1024 : i32
      %rem3A_192 = arith.remsi %add3A_191, %rem3A : i32
      %broadcast_in_dim3A = vector.broadcast %rem3A_192 : i32 to vector<16xi32>
      %gather3A = tpu.vector_load_idx %arg9[%broadcast_in_dim3A] : memref<1024xi32, #tpu.memory_space<vmem>>[vector<16xi32>], vector<16xi32>,
      %gather3A_193 = tpu.vector_load_idx %arg8[%gather3A] : memref<10000xf32, #tpu.memory_space<vmem>>[vector<16xi32>], vector<16xf32>,
      %mul3A_194 = arith.constant 32 : i32
      %mul3A_195 = arith.muli %add3A_188, %mul3A_194 : i32
      %get3A = arith.index_cast %mul3A_195 : i32 to index
      %get3A_196 = tpu.vector_load %arg10[%get3A] {strides = array<i32>} : memref<3072xi32, #tpu.memory_space<vmem>>, vector<16xi32>,
      %mul3A_197 = arith.constant 32 : i32
      %mul3A_198 = arith.muli %add3A_188, %mul3A_197 : i32
      %add3A_199 = arith.constant 16 : i32
      %add3A_200 = arith.addi %mul3A_198, %add3A_199 : i32
      %get3A_201 = arith.index_cast %add3A_200 : i32 to index
      %get3A_202 = tpu.vector_load %arg10[%get3A_201] {strides = array<i32>} : memref<3072xi32, #tpu.memory_space<vmem>>, vector<16xi32>,
      %gather3A_203 = tpu.vector_load_idx %arg8[%get3A_196] : memref<10000xf32, #tpu.memory_space<vmem>>[vector<16xi32>], vector<16xf32>,
      %sub3A = arith.subf %gather3A_203, %gather3A_193 : vector<16xf32>
      %abs3A = math.absf %sub3A : vector<16xf32>
      %gather3A_204 = tpu.vector_load_idx %arg8[%get3A_202] : memref<10000xf32, #tpu.memory_space<vmem>>[vector<16xi32>], vector<16xf32>,
      %sub3A_205 = arith.subf %gather3A_204, %gather3A_193 : vector<16xf32>
      %abs3A_206 = math.absf %sub3A_205 : vector<16xf32>
      %masked_sort3A = arith.constant dense<true> : vector<16xi1>
      %masked_sort3A_207, %masked_sort3A_208, %masked_sort3A_209 = tpu.sort %abs3A, %get3A_196 masked %masked_sort3A : (vector<16xf32>, vector<16xi32>, vector<16xi1>) -> (vector<16xi1>, vector<16xf32>, vector<16xi32>)
      %masked_sort3A_210 = arith.constant dense<true> : vector<16xi1>
      %masked_sort3A_211, %masked_sort3A_212, %masked_sort3A_213 = tpu.sort %abs3A_206, %get3A_202 masked %masked_sort3A_210 : (vector<16xf32>, vector<16xi32>, vector<16xi1>) -> (vector<16xi1>, vector<16xf32>, vector<16xi32>)
      %rev3A = arith.constant 15 : i32
      %rev3A_214 = vector.broadcast %rev3A : i32 to vector<16xi32>
      %rev3A_215 = tpu.iota {dimensions = array<i32: 0>} : vector<16xi32>
      %rev3A_216 = arith.subi %rev3A_214, %rev3A_215 : vector<16xi32>
      %rev3A_217 = tpu.dynamic_gather %masked_sort3A_212[%rev3A_216] in [0] : vector<16xf32>, vector<16xi32> -> vector<16xf32>
      %rev3A_218 = arith.constant 15 : i32
      %rev3A_219 = vector.broadcast %rev3A_218 : i32 to vector<16xi32>
      %rev3A_220 = tpu.iota {dimensions = array<i32: 0>} : vector<16xi32>
      %rev3A_221 = arith.subi %rev3A_219, %rev3A_220 : vector<16xi32>
      %rev3A_222 = tpu.dynamic_gather %masked_sort3A_213[%rev3A_221] in [0] : vector<16xi32>, vector<16xi32> -> vector<16xi32>
      %le3A = arith.cmpf ole, %masked_sort3A_208, %rev3A_217 : vector<16xf32>
      %select_n3A = arith.select %le3A, %masked_sort3A_209, %rev3A_222 : vector<16xi1>, vector<16xi32>
      %mul3A_223 = arith.constant 16 : i32
      %mul3A_224 = arith.muli %scan3A_186, %mul3A_223 : i32
      %swap3A = arith.index_cast %mul3A_224 : i32 to index
      %swap3A_225 = tpu.vector_load %arg11[%swap3A] {strides = array<i32>} : memref<192xi32, #tpu.memory_space<vmem>>, vector<16xi32>,
      tpu.vector_store %arg11[%swap3A], %select_n3A {strides = array<i32>} : memref<192xi32, #tpu.memory_space<vmem>>, vector<16xi32>,
    }
    %scan3A_41 = arith.constant 12 : i32
    %dma_start3A_42 = arith.constant 0 : i32
    %dma_start3A_43 = arith.constant 0 : i32
    %dma_start3A_44 = tpu.memref_slice %arg5[%dma_start3A_42, %dma_start3A_43] : memref<10000x256xf32, #tpu.memory_space<hbm>> -> memref<10000x256xf32, #tpu.memory_space<hbm>>
    tpu.enqueue_indirect_dma source(%dma_start3A_44 : memref<10000x256xf32, #tpu.memory_space<hbm>>) target(%arg15 : memref<192x256xf32, #tpu.memory_space<vmem>>) offsets(%arg11 : memref<192xi32, #tpu.memory_space<vmem>>) semaphore(%arg19 : memref<!tpu.dma_semaphore, #tpu.memory_space<semaphore_mem>>)
    %dma_wait3A_45 = arith.constant 0 : i32
    %dma_wait3A_46 = arith.constant 0 : i32
    %dma_wait3A_47 = tpu.memref_slice %arg5[%dma_wait3A_45, %dma_wait3A_46] : memref<10000x256xf32, #tpu.memory_space<hbm>> -> memref<10000x256xf32, #tpu.memory_space<hbm>>
    tpu.wait_indirect_dma semaphore(%arg20 : memref<!tpu.dma_semaphore, #tpu.memory_space<semaphore_mem>>) src(%dma_wait3A_47 : memref<10000x256xf32, #tpu.memory_space<hbm>>) dst(%arg16 : memref<192x256xf32, #tpu.memory_space<vmem>>)
    %scan3A_48 = arith.constant 0 : i32
    %scan3A_49 = arith.constant 0 : i32
    %scan3A_50 = arith.constant 12 : i32
    %scan3A_51 = arith.addi %scan3A_49, %scan3A_50 : i32
    %scan3A_52 = arith.constant 1 : i32
    scf.for %scan3A_186 = %scan3A_49 to %scan3A_51 step %scan3A_52  : i32 {
      %scan3A_187 = arith.constant 0 : i32
      %scan3A_188 = arith.constant 16 : i32
      %scan3A_189 = arith.addi %scan3A_187, %scan3A_188 : i32
      %scan3A_190 = arith.constant 1 : i32
      scf.for %scan3A_192 = %scan3A_187 to %scan3A_189 step %scan3A_190  : i32 {
        %mul3A_193 = arith.constant 16 : i32
        %mul3A_194 = arith.muli %scan3A_186, %mul3A_193 : i32
        %mul3A_195 = arith.constant 16 : i32
        %mul3A_196 = arith.muli %scan3A_192, %mul3A_195 : i32
        %get3A = arith.index_cast %mul3A_194 : i32 to index
        %get3A_197 = arith.index_cast %mul3A_196 : i32 to index
        %get3A_198 = tpu.vector_load %arg16[%get3A, %get3A_197] {strides = array<i32>} : memref<192x256xf32, #tpu.memory_space<vmem>>, vector<16xf32>,
        %mul3A_199 = arith.constant 16 : i32
        %mul3A_200 = arith.muli %scan3A_186, %mul3A_199 : i32
        %add3A_201 = arith.constant 1 : i32
        %add3A_202 = arith.addi %mul3A_200, %add3A_201 : i32
        %mul3A_203 = arith.constant 16 : i32
        %mul3A_204 = arith.muli %scan3A_192, %mul3A_203 : i32
        %get3A_205 = arith.index_cast %add3A_202 : i32 to index
        %get3A_206 = arith.index_cast %mul3A_204 : i32 to index
        %get3A_207 = tpu.vector_load %arg16[%get3A_205, %get3A_206] {strides = array<i32>} : memref<192x256xf32, #tpu.memory_space<vmem>>, vector<16xf32>,
        %add3A_208 = arith.addf %get3A_198, %get3A_207 : vector<16xf32>
        %mul3A_209 = arith.constant 16 : i32
        %mul3A_210 = arith.muli %scan3A_186, %mul3A_209 : i32
        %add3A_211 = arith.constant 2 : i32
        %add3A_212 = arith.addi %mul3A_210, %add3A_211 : i32
        %mul3A_213 = arith.constant 16 : i32
        %mul3A_214 = arith.muli %scan3A_192, %mul3A_213 : i32
        %get3A_215 = arith.index_cast %add3A_212 : i32 to index
        %get3A_216 = arith.index_cast %mul3A_214 : i32 to index
        %get3A_217 = tpu.vector_load %arg16[%get3A_215, %get3A_216] {strides = array<i32>} : memref<192x256xf32, #tpu.memory_space<vmem>>, vector<16xf32>,
        %add3A_218 = arith.addf %add3A_208, %get3A_217 : vector<16xf32>
        %mul3A_219 = arith.constant 16 : i32
        %mul3A_220 = arith.muli %scan3A_186, %mul3A_219 : i32
        %add3A_221 = arith.constant 3 : i32
        %add3A_222 = arith.addi %mul3A_220, %add3A_221 : i32
        %mul3A_223 = arith.constant 16 : i32
        %mul3A_224 = arith.muli %scan3A_192, %mul3A_223 : i32
        %get3A_225 = arith.index_cast %add3A_222 : i32 to index
        %get3A_226 = arith.index_cast %mul3A_224 : i32 to index
        %get3A_227 = tpu.vector_load %arg16[%get3A_225, %get3A_226] {strides = array<i32>} : memref<192x256xf32, #tpu.memory_space<vmem>>, vector<16xf32>,
        %add3A_228 = arith.addf %add3A_218, %get3A_227 : vector<16xf32>
        %mul3A_229 = arith.constant 16 : i32
        %mul3A_230 = arith.muli %scan3A_186, %mul3A_229 : i32
        %add3A_231 = arith.constant 4 : i32
        %add3A_232 = arith.addi %mul3A_230, %add3A_231 : i32
        %mul3A_233 = arith.constant 16 : i32
        %mul3A_234 = arith.muli %scan3A_192, %mul3A_233 : i32
        %get3A_235 = arith.index_cast %add3A_232 : i32 to index
        %get3A_236 = arith.index_cast %mul3A_234 : i32 to index
        %get3A_237 = tpu.vector_load %arg16[%get3A_235, %get3A_236] {strides = array<i32>} : memref<192x256xf32, #tpu.memory_space<vmem>>, vector<16xf32>,
        %add3A_238 = arith.addf %add3A_228, %get3A_237 : vector<16xf32>
        %mul3A_239 = arith.constant 16 : i32
        %mul3A_240 = arith.muli %scan3A_186, %mul3A_239 : i32
        %add3A_241 = arith.constant 5 : i32
        %add3A_242 = arith.addi %mul3A_240, %add3A_241 : i32
        %mul3A_243 = arith.constant 16 : i32
        %mul3A_244 = arith.muli %scan3A_192, %mul3A_243 : i32
        %get3A_245 = arith.index_cast %add3A_242 : i32 to index
        %get3A_246 = arith.index_cast %mul3A_244 : i32 to index
        %get3A_247 = tpu.vector_load %arg16[%get3A_245, %get3A_246] {strides = array<i32>} : memref<192x256xf32, #tpu.memory_space<vmem>>, vector<16xf32>,
        %add3A_248 = arith.addf %add3A_238, %get3A_247 : vector<16xf32>
        %mul3A_249 = arith.constant 16 : i32
        %mul3A_250 = arith.muli %scan3A_186, %mul3A_249 : i32
        %add3A_251 = arith.constant 6 : i32
        %add3A_252 = arith.addi %mul3A_250, %add3A_251 : i32
        %mul3A_253 = arith.constant 16 : i32
        %mul3A_254 = arith.muli %scan3A_192, %mul3A_253 : i32
        %get3A_255 = arith.index_cast %add3A_252 : i32 to index
        %get3A_256 = arith.index_cast %mul3A_254 : i32 to index
        %get3A_257 = tpu.vector_load %arg16[%get3A_255, %get3A_256] {strides = array<i32>} : memref<192x256xf32, #tpu.memory_space<vmem>>, vector<16xf32>,
        %add3A_258 = arith.addf %add3A_248, %get3A_257 : vector<16xf32>
        %mul3A_259 = arith.constant 16 : i32
        %mul3A_260 = arith.muli %scan3A_186, %mul3A_259 : i32
        %add3A_261 = arith.constant 7 : i32
        %add3A_262 = arith.addi %mul3A_260, %add3A_261 : i32
        %mul3A_263 = arith.constant 16 : i32
        %mul3A_264 = arith.muli %scan3A_192, %mul3A_263 : i32
        %get3A_265 = arith.index_cast %add3A_262 : i32 to index
        %get3A_266 = arith.index_cast %mul3A_264 : i32 to index
        %get3A_267 = tpu.vector_load %arg16[%get3A_265, %get3A_266] {strides = array<i32>} : memref<192x256xf32, #tpu.memory_space<vmem>>, vector<16xf32>,
        %add3A_268 = arith.addf %add3A_258, %get3A_267 : vector<16xf32>
        %mul3A_269 = arith.constant 16 : i32
        %mul3A_270 = arith.muli %scan3A_186, %mul3A_269 : i32
        %add3A_271 = arith.constant 8 : i32
        %add3A_272 = arith.addi %mul3A_270, %add3A_271 : i32
        %mul3A_273 = arith.constant 16 : i32
        %mul3A_274 = arith.muli %scan3A_192, %mul3A_273 : i32
        %get3A_275 = arith.index_cast %add3A_272 : i32 to index
        %get3A_276 = arith.index_cast %mul3A_274 : i32 to index
        %get3A_277 = tpu.vector_load %arg16[%get3A_275, %get3A_276] {strides = array<i32>} : memref<192x256xf32, #tpu.memory_space<vmem>>, vector<16xf32>,
        %add3A_278 = arith.addf %add3A_268, %get3A_277 : vector<16xf32>
        %mul3A_279 = arith.constant 16 : i32
        %mul3A_280 = arith.muli %scan3A_186, %mul3A_279 : i32
        %add3A_281 = arith.constant 9 : i32
        %add3A_282 = arith.addi %mul3A_280, %add3A_281 : i32
        %mul3A_283 = arith.constant 16 : i32
        %mul3A_284 = arith.muli %scan3A_192, %mul3A_283 : i32
        %get3A_285 = arith.index_cast %add3A_282 : i32 to index
        %get3A_286 = arith.index_cast %mul3A_284 : i32 to index
        %get3A_287 = tpu.vector_load %arg16[%get3A_285, %get3A_286] {strides = array<i32>} : memref<192x256xf32, #tpu.memory_space<vmem>>, vector<16xf32>,
        %add3A_288 = arith.addf %add3A_278, %get3A_287 : vector<16xf32>
        %mul3A_289 = arith.constant 16 : i32
        %mul3A_290 = arith.muli %scan3A_186, %mul3A_289 : i32
        %add3A_291 = arith.constant 10 : i32
        %add3A_292 = arith.addi %mul3A_290, %add3A_291 : i32
        %mul3A_293 = arith.constant 16 : i32
        %mul3A_294 = arith.muli %scan3A_192, %mul3A_293 : i32
        %get3A_295 = arith.index_cast %add3A_292 : i32 to index
        %get3A_296 = arith.index_cast %mul3A_294 : i32 to index
        %get3A_297 = tpu.vector_load %arg16[%get3A_295, %get3A_296] {strides = array<i32>} : memref<192x256xf32, #tpu.memory_space<vmem>>, vector<16xf32>,
        %add3A_298 = arith.addf %add3A_288, %get3A_297 : vector<16xf32>
        %mul3A_299 = arith.constant 16 : i32
        %mul3A_300 = arith.muli %scan3A_186, %mul3A_299 : i32
        %add3A_301 = arith.constant 11 : i32
        %add3A_302 = arith.addi %mul3A_300, %add3A_301 : i32
        %mul3A_303 = arith.constant 16 : i32
        %mul3A_304 = arith.muli %scan3A_192, %mul3A_303 : i32
        %get3A_305 = arith.index_cast %add3A_302 : i32 to index
        %get3A_306 = arith.index_cast %mul3A_304 : i32 to index
        %get3A_307 = tpu.vector_load %arg16[%get3A_305, %get3A_306] {strides = array<i32>} : memref<192x256xf32, #tpu.memory_space<vmem>>, vector<16xf32>,
        %add3A_308 = arith.addf %add3A_298, %get3A_307 : vector<16xf32>
        %mul3A_309 = arith.constant 16 : i32
        %mul3A_310 = arith.muli %scan3A_186, %mul3A_309 : i32
        %add3A_311 = arith.constant 12 : i32
        %add3A_312 = arith.addi %mul3A_310, %add3A_311 : i32
        %mul3A_313 = arith.constant 16 : i32
        %mul3A_314 = arith.muli %scan3A_192, %mul3A_313 : i32
        %get3A_315 = arith.index_cast %add3A_312 : i32 to index
        %get3A_316 = arith.index_cast %mul3A_314 : i32 to index
        %get3A_317 = tpu.vector_load %arg16[%get3A_315, %get3A_316] {strides = array<i32>} : memref<192x256xf32, #tpu.memory_space<vmem>>, vector<16xf32>,
        %add3A_318 = arith.addf %add3A_308, %get3A_317 : vector<16xf32>
        %mul3A_319 = arith.constant 16 : i32
        %mul3A_320 = arith.muli %scan3A_186, %mul3A_319 : i32
        %add3A_321 = arith.constant 13 : i32
        %add3A_322 = arith.addi %mul3A_320, %add3A_321 : i32
        %mul3A_323 = arith.constant 16 : i32
        %mul3A_324 = arith.muli %scan3A_192, %mul3A_323 : i32
        %get3A_325 = arith.index_cast %add3A_322 : i32 to index
        %get3A_326 = arith.index_cast %mul3A_324 : i32 to index
        %get3A_327 = tpu.vector_load %arg16[%get3A_325, %get3A_326] {strides = array<i32>} : memref<192x256xf32, #tpu.memory_space<vmem>>, vector<16xf32>,
        %add3A_328 = arith.addf %add3A_318, %get3A_327 : vector<16xf32>
        %mul3A_329 = arith.constant 16 : i32
        %mul3A_330 = arith.muli %scan3A_186, %mul3A_329 : i32
        %add3A_331 = arith.constant 14 : i32
        %add3A_332 = arith.addi %mul3A_330, %add3A_331 : i32
        %mul3A_333 = arith.constant 16 : i32
        %mul3A_334 = arith.muli %scan3A_192, %mul3A_333 : i32
        %get3A_335 = arith.index_cast %add3A_332 : i32 to index
        %get3A_336 = arith.index_cast %mul3A_334 : i32 to index
        %get3A_337 = tpu.vector_load %arg16[%get3A_335, %get3A_336] {strides = array<i32>} : memref<192x256xf32, #tpu.memory_space<vmem>>, vector<16xf32>,
        %add3A_338 = arith.addf %add3A_328, %get3A_337 : vector<16xf32>
        %mul3A_339 = arith.constant 16 : i32
        %mul3A_340 = arith.muli %scan3A_186, %mul3A_339 : i32
        %add3A_341 = arith.constant 15 : i32
        %add3A_342 = arith.addi %mul3A_340, %add3A_341 : i32
        %mul3A_343 = arith.constant 16 : i32
        %mul3A_344 = arith.muli %scan3A_192, %mul3A_343 : i32
        %get3A_345 = arith.index_cast %add3A_342 : i32 to index
        %get3A_346 = arith.index_cast %mul3A_344 : i32 to index
        %get3A_347 = tpu.vector_load %arg16[%get3A_345, %get3A_346] {strides = array<i32>} : memref<192x256xf32, #tpu.memory_space<vmem>>, vector<16xf32>,
        %add3A_348 = arith.addf %add3A_338, %get3A_347 : vector<16xf32>
        %mul3A_349 = arith.constant 6.250000e-02 : f32
        %mul3A_350 = vector.broadcast %mul3A_349 : f32 to vector<16xf32>
        %mul3A_351 = arith.mulf %add3A_348, %mul3A_350 : vector<16xf32>
        %mul3A_352 = arith.constant 16 : i32
        %mul3A_353 = arith.muli %scan3A_192, %mul3A_352 : i32
        %swap3A = arith.index_cast %scan3A_186 : i32 to index
        %swap3A_354 = arith.index_cast %mul3A_353 : i32 to index
        %swap3A_355 = tpu.vector_load %arg17[%swap3A, %swap3A_354] {strides = array<i32>} : memref<12x256xf32, #tpu.memory_space<vmem>>, vector<16xf32>,
        tpu.vector_store %arg17[%swap3A, %swap3A_354], %mul3A_351 {strides = array<i32>} : memref<12x256xf32, #tpu.memory_space<vmem>>, vector<16xf32>,
      }
      %scan3A_191 = arith.constant 16 : i32
    }
    %scan3A_53 = arith.constant 12 : i32
    %mul3A_54 = arith.constant 96 : i32
    %mul3A_55 = arith.muli %add3A, %mul3A_54 : i32
    %add3A_56 = arith.constant 12 : i32
    %add3A_57 = arith.addi %mul3A_55, %add3A_56 : i32
    "tpu.region"() ({
      %run_scoped3A_186 = tpu.sem_alloc : memref<!tpu.dma_semaphore, #tpu.memory_space<semaphore_mem>>
      %dma_start3A_187 = arith.constant 0 : i32
      %dma_start3A_188 = tpu.memref_slice %arg6[%add3A_57, %dma_start3A_187] : memref<3072x256xf32, #tpu.memory_space<hbm>> -> memref<12x256xf32, #tpu.memory_space<hbm>>
      %dma_start3A_189 = arith.constant 0 : i32
      %dma_start3A_190 = tpu.memref_slice %arg6[%add3A_57, %dma_start3A_189] : memref<3072x256xf32, #tpu.memory_space<hbm>> -> memref<12x256xf32, #tpu.memory_space<hbm>>
      tpu.enqueue_dma source(%arg17 : memref<12x256xf32, #tpu.memory_space<vmem>>) target(%dma_start3A_190 : memref<12x256xf32, #tpu.memory_space<hbm>>) target_semaphore(%run_scoped3A_186 : memref<!tpu.dma_semaphore, #tpu.memory_space<semaphore_mem>>)
      %dma_wait3A_191 = arith.constant 0 : i32
      %dma_wait3A_192 = tpu.memref_slice %arg6[%add3A_57, %dma_wait3A_191] : memref<3072x256xf32, #tpu.memory_space<hbm>> -> memref<12x256xf32, #tpu.memory_space<hbm>>
      %dma_wait3A_193 = arith.constant 0 : i32
      %dma_wait3A_194 = tpu.memref_slice %arg6[%add3A_57, %dma_wait3A_193] : memref<3072x256xf32, #tpu.memory_space<hbm>> -> memref<12x256xf32, #tpu.memory_space<hbm>>
      tpu.wait_dma2 semaphore(%run_scoped3A_186 : memref<!tpu.dma_semaphore, #tpu.memory_space<semaphore_mem>>) src(%arg17 : memref<12x256xf32, #tpu.memory_space<vmem>>) dst(%dma_wait3A_194 : memref<12x256xf32, #tpu.memory_space<hbm>>)
      tpu.yield
    }) : () -> ()
    %scan3A_58 = arith.constant 0 : i32
    %scan3A_59 = arith.constant 0 : i32
    %scan3A_60 = arith.constant 12 : i32
    %scan3A_61 = arith.addi %scan3A_59, %scan3A_60 : i32
    %scan3A_62 = arith.constant 1 : i32
    scf.for %scan3A_186 = %scan3A_59 to %scan3A_61 step %scan3A_62  : i32 {
      %add3A_187 = arith.constant 36 : i32
      %add3A_188 = arith.addi %add3A_187, %scan3A_186 : i32
      %mul3A_189 = arith.constant 96 : i32
      %mul3A_190 = arith.muli %add3A, %mul3A_189 : i32
      %add3A_191 = arith.addi %mul3A_190, %add3A_188 : i32
      %rem3A = arith.constant 1024 : i32
      %rem3A_192 = arith.remsi %add3A_191, %rem3A : i32
      %broadcast_in_dim3A = vector.broadcast %rem3A_192 : i32 to vector<16xi32>
      %gather3A = tpu.vector_load_idx %arg9[%broadcast_in_dim3A] : memref<1024xi32, #tpu.memory_space<vmem>>[vector<16xi32>], vector<16xi32>,
      %gather3A_193 = tpu.vector_load_idx %arg8[%gather3A] : memref<10000xf32, #tpu.memory_space<vmem>>[vector<16xi32>], vector<16xf32>,
      %mul3A_194 = arith.constant 32 : i32
      %mul3A_195 = arith.muli %add3A_188, %mul3A_194 : i32
      %get3A = arith.index_cast %mul3A_195 : i32 to index
      %get3A_196 = tpu.vector_load %arg10[%get3A] {strides = array<i32>} : memref<3072xi32, #tpu.memory_space<vmem>>, vector<16xi32>,
      %mul3A_197 = arith.constant 32 : i32
      %mul3A_198 = arith.muli %add3A_188, %mul3A_197 : i32
      %add3A_199 = arith.constant 16 : i32
      %add3A_200 = arith.addi %mul3A_198, %add3A_199 : i32
      %get3A_201 = arith.index_cast %add3A_200 : i32 to index
      %get3A_202 = tpu.vector_load %arg10[%get3A_201] {strides = array<i32>} : memref<3072xi32, #tpu.memory_space<vmem>>, vector<16xi32>,
      %gather3A_203 = tpu.vector_load_idx %arg8[%get3A_196] : memref<10000xf32, #tpu.memory_space<vmem>>[vector<16xi32>], vector<16xf32>,
      %sub3A = arith.subf %gather3A_203, %gather3A_193 : vector<16xf32>
      %abs3A = math.absf %sub3A : vector<16xf32>
      %gather3A_204 = tpu.vector_load_idx %arg8[%get3A_202] : memref<10000xf32, #tpu.memory_space<vmem>>[vector<16xi32>], vector<16xf32>,
      %sub3A_205 = arith.subf %gather3A_204, %gather3A_193 : vector<16xf32>
      %abs3A_206 = math.absf %sub3A_205 : vector<16xf32>
      %masked_sort3A = arith.constant dense<true> : vector<16xi1>
      %masked_sort3A_207, %masked_sort3A_208, %masked_sort3A_209 = tpu.sort %abs3A, %get3A_196 masked %masked_sort3A : (vector<16xf32>, vector<16xi32>, vector<16xi1>) -> (vector<16xi1>, vector<16xf32>, vector<16xi32>)
      %masked_sort3A_210 = arith.constant dense<true> : vector<16xi1>
      %masked_sort3A_211, %masked_sort3A_212, %masked_sort3A_213 = tpu.sort %abs3A_206, %get3A_202 masked %masked_sort3A_210 : (vector<16xf32>, vector<16xi32>, vector<16xi1>) -> (vector<16xi1>, vector<16xf32>, vector<16xi32>)
      %rev3A = arith.constant 15 : i32
      %rev3A_214 = vector.broadcast %rev3A : i32 to vector<16xi32>
      %rev3A_215 = tpu.iota {dimensions = array<i32: 0>} : vector<16xi32>
      %rev3A_216 = arith.subi %rev3A_214, %rev3A_215 : vector<16xi32>
      %rev3A_217 = tpu.dynamic_gather %masked_sort3A_212[%rev3A_216] in [0] : vector<16xf32>, vector<16xi32> -> vector<16xf32>
      %rev3A_218 = arith.constant 15 : i32
      %rev3A_219 = vector.broadcast %rev3A_218 : i32 to vector<16xi32>
      %rev3A_220 = tpu.iota {dimensions = array<i32: 0>} : vector<16xi32>
      %rev3A_221 = arith.subi %rev3A_219, %rev3A_220 : vector<16xi32>
      %rev3A_222 = tpu.dynamic_gather %masked_sort3A_213[%rev3A_221] in [0] : vector<16xi32>, vector<16xi32> -> vector<16xi32>
      %le3A = arith.cmpf ole, %masked_sort3A_208, %rev3A_217 : vector<16xf32>
      %select_n3A = arith.select %le3A, %masked_sort3A_209, %rev3A_222 : vector<16xi1>, vector<16xi32>
      %mul3A_223 = arith.constant 16 : i32
      %mul3A_224 = arith.muli %scan3A_186, %mul3A_223 : i32
      %swap3A = arith.index_cast %mul3A_224 : i32 to index
      %swap3A_225 = tpu.vector_load %arg12[%swap3A] {strides = array<i32>} : memref<192xi32, #tpu.memory_space<vmem>>, vector<16xi32>,
      tpu.vector_store %arg12[%swap3A], %select_n3A {strides = array<i32>} : memref<192xi32, #tpu.memory_space<vmem>>, vector<16xi32>,
    }
    %scan3A_63 = arith.constant 12 : i32
    %dma_start3A_64 = arith.constant 0 : i32
    %dma_start3A_65 = arith.constant 0 : i32
    %dma_start3A_66 = tpu.memref_slice %arg5[%dma_start3A_64, %dma_start3A_65] : memref<10000x256xf32, #tpu.memory_space<hbm>> -> memref<10000x256xf32, #tpu.memory_space<hbm>>
    tpu.enqueue_indirect_dma source(%dma_start3A_66 : memref<10000x256xf32, #tpu.memory_space<hbm>>) target(%arg16 : memref<192x256xf32, #tpu.memory_space<vmem>>) offsets(%arg12 : memref<192xi32, #tpu.memory_space<vmem>>) semaphore(%arg20 : memref<!tpu.dma_semaphore, #tpu.memory_space<semaphore_mem>>)
    %dma_wait3A_67 = arith.constant 0 : i32
    %dma_wait3A_68 = arith.constant 0 : i32
    %dma_wait3A_69 = tpu.memref_slice %arg5[%dma_wait3A_67, %dma_wait3A_68] : memref<10000x256xf32, #tpu.memory_space<hbm>> -> memref<10000x256xf32, #tpu.memory_space<hbm>>
    tpu.wait_indirect_dma semaphore(%arg19 : memref<!tpu.dma_semaphore, #tpu.memory_space<semaphore_mem>>) src(%dma_wait3A_69 : memref<10000x256xf32, #tpu.memory_space<hbm>>) dst(%arg15 : memref<192x256xf32, #tpu.memory_space<vmem>>)
    %scan3A_70 = arith.constant 0 : i32
    %scan3A_71 = arith.constant 0 : i32
    %scan3A_72 = arith.constant 12 : i32
    %scan3A_73 = arith.addi %scan3A_71, %scan3A_72 : i32
    %scan3A_74 = arith.constant 1 : i32
    scf.for %scan3A_186 = %scan3A_71 to %scan3A_73 step %scan3A_74  : i32 {
      %scan3A_187 = arith.constant 0 : i32
      %scan3A_188 = arith.constant 16 : i32
      %scan3A_189 = arith.addi %scan3A_187, %scan3A_188 : i32
      %scan3A_190 = arith.constant 1 : i32
      scf.for %scan3A_192 = %scan3A_187 to %scan3A_189 step %scan3A_190  : i32 {
        %mul3A_193 = arith.constant 16 : i32
        %mul3A_194 = arith.muli %scan3A_186, %mul3A_193 : i32
        %mul3A_195 = arith.constant 16 : i32
        %mul3A_196 = arith.muli %scan3A_192, %mul3A_195 : i32
        %get3A = arith.index_cast %mul3A_194 : i32 to index
        %get3A_197 = arith.index_cast %mul3A_196 : i32 to index
        %get3A_198 = tpu.vector_load %arg15[%get3A, %get3A_197] {strides = array<i32>} : memref<192x256xf32, #tpu.memory_space<vmem>>, vector<16xf32>,
        %mul3A_199 = arith.constant 16 : i32
        %mul3A_200 = arith.muli %scan3A_186, %mul3A_199 : i32
        %add3A_201 = arith.constant 1 : i32
        %add3A_202 = arith.addi %mul3A_200, %add3A_201 : i32
        %mul3A_203 = arith.constant 16 : i32
        %mul3A_204 = arith.muli %scan3A_192, %mul3A_203 : i32
        %get3A_205 = arith.index_cast %add3A_202 : i32 to index
        %get3A_206 = arith.index_cast %mul3A_204 : i32 to index
        %get3A_207 = tpu.vector_load %arg15[%get3A_205, %get3A_206] {strides = array<i32>} : memref<192x256xf32, #tpu.memory_space<vmem>>, vector<16xf32>,
        %add3A_208 = arith.addf %get3A_198, %get3A_207 : vector<16xf32>
        %mul3A_209 = arith.constant 16 : i32
        %mul3A_210 = arith.muli %scan3A_186, %mul3A_209 : i32
        %add3A_211 = arith.constant 2 : i32
        %add3A_212 = arith.addi %mul3A_210, %add3A_211 : i32
        %mul3A_213 = arith.constant 16 : i32
        %mul3A_214 = arith.muli %scan3A_192, %mul3A_213 : i32
        %get3A_215 = arith.index_cast %add3A_212 : i32 to index
        %get3A_216 = arith.index_cast %mul3A_214 : i32 to index
        %get3A_217 = tpu.vector_load %arg15[%get3A_215, %get3A_216] {strides = array<i32>} : memref<192x256xf32, #tpu.memory_space<vmem>>, vector<16xf32>,
        %add3A_218 = arith.addf %add3A_208, %get3A_217 : vector<16xf32>
        %mul3A_219 = arith.constant 16 : i32
        %mul3A_220 = arith.muli %scan3A_186, %mul3A_219 : i32
        %add3A_221 = arith.constant 3 : i32
        %add3A_222 = arith.addi %mul3A_220, %add3A_221 : i32
        %mul3A_223 = arith.constant 16 : i32
        %mul3A_224 = arith.muli %scan3A_192, %mul3A_223 : i32
        %get3A_225 = arith.index_cast %add3A_222 : i32 to index
        %get3A_226 = arith.index_cast %mul3A_224 : i32 to index
        %get3A_227 = tpu.vector_load %arg15[%get3A_225, %get3A_226] {strides = array<i32>} : memref<192x256xf32, #tpu.memory_space<vmem>>, vector<16xf32>,
        %add3A_228 = arith.addf %add3A_218, %get3A_227 : vector<16xf32>
        %mul3A_229 = arith.constant 16 : i32
        %mul3A_230 = arith.muli %scan3A_186, %mul3A_229 : i32
        %add3A_231 = arith.constant 4 : i32
        %add3A_232 = arith.addi %mul3A_230, %add3A_231 : i32
        %mul3A_233 = arith.constant 16 : i32
        %mul3A_234 = arith.muli %scan3A_192, %mul3A_233 : i32
        %get3A_235 = arith.index_cast %add3A_232 : i32 to index
        %get3A_236 = arith.index_cast %mul3A_234 : i32 to index
        %get3A_237 = tpu.vector_load %arg15[%get3A_235, %get3A_236] {strides = array<i32>} : memref<192x256xf32, #tpu.memory_space<vmem>>, vector<16xf32>,
        %add3A_238 = arith.addf %add3A_228, %get3A_237 : vector<16xf32>
        %mul3A_239 = arith.constant 16 : i32
        %mul3A_240 = arith.muli %scan3A_186, %mul3A_239 : i32
        %add3A_241 = arith.constant 5 : i32
        %add3A_242 = arith.addi %mul3A_240, %add3A_241 : i32
        %mul3A_243 = arith.constant 16 : i32
        %mul3A_244 = arith.muli %scan3A_192, %mul3A_243 : i32
        %get3A_245 = arith.index_cast %add3A_242 : i32 to index
        %get3A_246 = arith.index_cast %mul3A_244 : i32 to index
        %get3A_247 = tpu.vector_load %arg15[%get3A_245, %get3A_246] {strides = array<i32>} : memref<192x256xf32, #tpu.memory_space<vmem>>, vector<16xf32>,
        %add3A_248 = arith.addf %add3A_238, %get3A_247 : vector<16xf32>
        %mul3A_249 = arith.constant 16 : i32
        %mul3A_250 = arith.muli %scan3A_186, %mul3A_249 : i32
        %add3A_251 = arith.constant 6 : i32
        %add3A_252 = arith.addi %mul3A_250, %add3A_251 : i32
        %mul3A_253 = arith.constant 16 : i32
        %mul3A_254 = arith.muli %scan3A_192, %mul3A_253 : i32
        %get3A_255 = arith.index_cast %add3A_252 : i32 to index
        %get3A_256 = arith.index_cast %mul3A_254 : i32 to index
        %get3A_257 = tpu.vector_load %arg15[%get3A_255, %get3A_256] {strides = array<i32>} : memref<192x256xf32, #tpu.memory_space<vmem>>, vector<16xf32>,
        %add3A_258 = arith.addf %add3A_248, %get3A_257 : vector<16xf32>
        %mul3A_259 = arith.constant 16 : i32
        %mul3A_260 = arith.muli %scan3A_186, %mul3A_259 : i32
        %add3A_261 = arith.constant 7 : i32
        %add3A_262 = arith.addi %mul3A_260, %add3A_261 : i32
        %mul3A_263 = arith.constant 16 : i32
        %mul3A_264 = arith.muli %scan3A_192, %mul3A_263 : i32
        %get3A_265 = arith.index_cast %add3A_262 : i32 to index
        %get3A_266 = arith.index_cast %mul3A_264 : i32 to index
        %get3A_267 = tpu.vector_load %arg15[%get3A_265, %get3A_266] {strides = array<i32>} : memref<192x256xf32, #tpu.memory_space<vmem>>, vector<16xf32>,
        %add3A_268 = arith.addf %add3A_258, %get3A_267 : vector<16xf32>
        %mul3A_269 = arith.constant 16 : i32
        %mul3A_270 = arith.muli %scan3A_186, %mul3A_269 : i32
        %add3A_271 = arith.constant 8 : i32
        %add3A_272 = arith.addi %mul3A_270, %add3A_271 : i32
        %mul3A_273 = arith.constant 16 : i32
        %mul3A_274 = arith.muli %scan3A_192, %mul3A_273 : i32
        %get3A_275 = arith.index_cast %add3A_272 : i32 to index
        %get3A_276 = arith.index_cast %mul3A_274 : i32 to index
        %get3A_277 = tpu.vector_load %arg15[%get3A_275, %get3A_276] {strides = array<i32>} : memref<192x256xf32, #tpu.memory_space<vmem>>, vector<16xf32>,
        %add3A_278 = arith.addf %add3A_268, %get3A_277 : vector<16xf32>
        %mul3A_279 = arith.constant 16 : i32
        %mul3A_280 = arith.muli %scan3A_186, %mul3A_279 : i32
        %add3A_281 = arith.constant 9 : i32
        %add3A_282 = arith.addi %mul3A_280, %add3A_281 : i32
        %mul3A_283 = arith.constant 16 : i32
        %mul3A_284 = arith.muli %scan3A_192, %mul3A_283 : i32
        %get3A_285 = arith.index_cast %add3A_282 : i32 to index
        %get3A_286 = arith.index_cast %mul3A_284 : i32 to index
        %get3A_287 = tpu.vector_load %arg15[%get3A_285, %get3A_286] {strides = array<i32>} : memref<192x256xf32, #tpu.memory_space<vmem>>, vector<16xf32>,
        %add3A_288 = arith.addf %add3A_278, %get3A_287 : vector<16xf32>
        %mul3A_289 = arith.constant 16 : i32
        %mul3A_290 = arith.muli %scan3A_186, %mul3A_289 : i32
        %add3A_291 = arith.constant 10 : i32
        %add3A_292 = arith.addi %mul3A_290, %add3A_291 : i32
        %mul3A_293 = arith.constant 16 : i32
        %mul3A_294 = arith.muli %scan3A_192, %mul3A_293 : i32
        %get3A_295 = arith.index_cast %add3A_292 : i32 to index
        %get3A_296 = arith.index_cast %mul3A_294 : i32 to index
        %get3A_297 = tpu.vector_load %arg15[%get3A_295, %get3A_296] {strides = array<i32>} : memref<192x256xf32, #tpu.memory_space<vmem>>, vector<16xf32>,
        %add3A_298 = arith.addf %add3A_288, %get3A_297 : vector<16xf32>
        %mul3A_299 = arith.constant 16 : i32
        %mul3A_300 = arith.muli %scan3A_186, %mul3A_299 : i32
        %add3A_301 = arith.constant 11 : i32
        %add3A_302 = arith.addi %mul3A_300, %add3A_301 : i32
        %mul3A_303 = arith.constant 16 : i32
        %mul3A_304 = arith.muli %scan3A_192, %mul3A_303 : i32
        %get3A_305 = arith.index_cast %add3A_302 : i32 to index
        %get3A_306 = arith.index_cast %mul3A_304 : i32 to index
        %get3A_307 = tpu.vector_load %arg15[%get3A_305, %get3A_306] {strides = array<i32>} : memref<192x256xf32, #tpu.memory_space<vmem>>, vector<16xf32>,
        %add3A_308 = arith.addf %add3A_298, %get3A_307 : vector<16xf32>
        %mul3A_309 = arith.constant 16 : i32
        %mul3A_310 = arith.muli %scan3A_186, %mul3A_309 : i32
        %add3A_311 = arith.constant 12 : i32
        %add3A_312 = arith.addi %mul3A_310, %add3A_311 : i32
        %mul3A_313 = arith.constant 16 : i32
        %mul3A_314 = arith.muli %scan3A_192, %mul3A_313 : i32
        %get3A_315 = arith.index_cast %add3A_312 : i32 to index
        %get3A_316 = arith.index_cast %mul3A_314 : i32 to index
        %get3A_317 = tpu.vector_load %arg15[%get3A_315, %get3A_316] {strides = array<i32>} : memref<192x256xf32, #tpu.memory_space<vmem>>, vector<16xf32>,
        %add3A_318 = arith.addf %add3A_308, %get3A_317 : vector<16xf32>
        %mul3A_319 = arith.constant 16 : i32
        %mul3A_320 = arith.muli %scan3A_186, %mul3A_319 : i32
        %add3A_321 = arith.constant 13 : i32
        %add3A_322 = arith.addi %mul3A_320, %add3A_321 : i32
        %mul3A_323 = arith.constant 16 : i32
        %mul3A_324 = arith.muli %scan3A_192, %mul3A_323 : i32
        %get3A_325 = arith.index_cast %add3A_322 : i32 to index
        %get3A_326 = arith.index_cast %mul3A_324 : i32 to index
        %get3A_327 = tpu.vector_load %arg15[%get3A_325, %get3A_326] {strides = array<i32>} : memref<192x256xf32, #tpu.memory_space<vmem>>, vector<16xf32>,
        %add3A_328 = arith.addf %add3A_318, %get3A_327 : vector<16xf32>
        %mul3A_329 = arith.constant 16 : i32
        %mul3A_330 = arith.muli %scan3A_186, %mul3A_329 : i32
        %add3A_331 = arith.constant 14 : i32
        %add3A_332 = arith.addi %mul3A_330, %add3A_331 : i32
        %mul3A_333 = arith.constant 16 : i32
        %mul3A_334 = arith.muli %scan3A_192, %mul3A_333 : i32
        %get3A_335 = arith.index_cast %add3A_332 : i32 to index
        %get3A_336 = arith.index_cast %mul3A_334 : i32 to index
        %get3A_337 = tpu.vector_load %arg15[%get3A_335, %get3A_336] {strides = array<i32>} : memref<192x256xf32, #tpu.memory_space<vmem>>, vector<16xf32>,
        %add3A_338 = arith.addf %add3A_328, %get3A_337 : vector<16xf32>
        %mul3A_339 = arith.constant 16 : i32
        %mul3A_340 = arith.muli %scan3A_186, %mul3A_339 : i32
        %add3A_341 = arith.constant 15 : i32
        %add3A_342 = arith.addi %mul3A_340, %add3A_341 : i32
        %mul3A_343 = arith.constant 16 : i32
        %mul3A_344 = arith.muli %scan3A_192, %mul3A_343 : i32
        %get3A_345 = arith.index_cast %add3A_342 : i32 to index
        %get3A_346 = arith.index_cast %mul3A_344 : i32 to index
        %get3A_347 = tpu.vector_load %arg15[%get3A_345, %get3A_346] {strides = array<i32>} : memref<192x256xf32, #tpu.memory_space<vmem>>, vector<16xf32>,
        %add3A_348 = arith.addf %add3A_338, %get3A_347 : vector<16xf32>
        %mul3A_349 = arith.constant 6.250000e-02 : f32
        %mul3A_350 = vector.broadcast %mul3A_349 : f32 to vector<16xf32>
        %mul3A_351 = arith.mulf %add3A_348, %mul3A_350 : vector<16xf32>
        %mul3A_352 = arith.constant 16 : i32
        %mul3A_353 = arith.muli %scan3A_192, %mul3A_352 : i32
        %swap3A = arith.index_cast %scan3A_186 : i32 to index
        %swap3A_354 = arith.index_cast %mul3A_353 : i32 to index
        %swap3A_355 = tpu.vector_load %arg17[%swap3A, %swap3A_354] {strides = array<i32>} : memref<12x256xf32, #tpu.memory_space<vmem>>, vector<16xf32>,
        tpu.vector_store %arg17[%swap3A, %swap3A_354], %mul3A_351 {strides = array<i32>} : memref<12x256xf32, #tpu.memory_space<vmem>>, vector<16xf32>,
      }
      %scan3A_191 = arith.constant 16 : i32
    }
    %scan3A_75 = arith.constant 12 : i32
    %mul3A_76 = arith.constant 96 : i32
    %mul3A_77 = arith.muli %add3A, %mul3A_76 : i32
    %add3A_78 = arith.constant 24 : i32
    %add3A_79 = arith.addi %mul3A_77, %add3A_78 : i32
    "tpu.region"() ({
      %run_scoped3A_186 = tpu.sem_alloc : memref<!tpu.dma_semaphore, #tpu.memory_space<semaphore_mem>>
      %dma_start3A_187 = arith.constant 0 : i32
      %dma_start3A_188 = tpu.memref_slice %arg6[%add3A_79, %dma_start3A_187] : memref<3072x256xf32, #tpu.memory_space<hbm>> -> memref<12x256xf32, #tpu.memory_space<hbm>>
      %dma_start3A_189 = arith.constant 0 : i32
      %dma_start3A_190 = tpu.memref_slice %arg6[%add3A_79, %dma_start3A_189] : memref<3072x256xf32, #tpu.memory_space<hbm>> -> memref<12x256xf32, #tpu.memory_space<hbm>>
      tpu.enqueue_dma source(%arg17 : memref<12x256xf32, #tpu.memory_space<vmem>>) target(%dma_start3A_190 : memref<12x256xf32, #tpu.memory_space<hbm>>) target_semaphore(%run_scoped3A_186 : memref<!tpu.dma_semaphore, #tpu.memory_space<semaphore_mem>>)
      %dma_wait3A_191 = arith.constant 0 : i32
      %dma_wait3A_192 = tpu.memref_slice %arg6[%add3A_79, %dma_wait3A_191] : memref<3072x256xf32, #tpu.memory_space<hbm>> -> memref<12x256xf32, #tpu.memory_space<hbm>>
      %dma_wait3A_193 = arith.constant 0 : i32
      %dma_wait3A_194 = tpu.memref_slice %arg6[%add3A_79, %dma_wait3A_193] : memref<3072x256xf32, #tpu.memory_space<hbm>> -> memref<12x256xf32, #tpu.memory_space<hbm>>
      tpu.wait_dma2 semaphore(%run_scoped3A_186 : memref<!tpu.dma_semaphore, #tpu.memory_space<semaphore_mem>>) src(%arg17 : memref<12x256xf32, #tpu.memory_space<vmem>>) dst(%dma_wait3A_194 : memref<12x256xf32, #tpu.memory_space<hbm>>)
      tpu.yield
    }) : () -> ()
    %scan3A_80 = arith.constant 0 : i32
    %scan3A_81 = arith.constant 0 : i32
    %scan3A_82 = arith.constant 12 : i32
    %scan3A_83 = arith.addi %scan3A_81, %scan3A_82 : i32
    %scan3A_84 = arith.constant 1 : i32
    scf.for %scan3A_186 = %scan3A_81 to %scan3A_83 step %scan3A_84  : i32 {
      %add3A_187 = arith.constant 48 : i32
      %add3A_188 = arith.addi %add3A_187, %scan3A_186 : i32
      %mul3A_189 = arith.constant 96 : i32
      %mul3A_190 = arith.muli %add3A, %mul3A_189 : i32
      %add3A_191 = arith.addi %mul3A_190, %add3A_188 : i32
      %rem3A = arith.constant 1024 : i32
      %rem3A_192 = arith.remsi %add3A_191, %rem3A : i32
      %broadcast_in_dim3A = vector.broadcast %rem3A_192 : i32 to vector<16xi32>
      %gather3A = tpu.vector_load_idx %arg9[%broadcast_in_dim3A] : memref<1024xi32, #tpu.memory_space<vmem>>[vector<16xi32>], vector<16xi32>,
      %gather3A_193 = tpu.vector_load_idx %arg8[%gather3A] : memref<10000xf32, #tpu.memory_space<vmem>>[vector<16xi32>], vector<16xf32>,
      %mul3A_194 = arith.constant 32 : i32
      %mul3A_195 = arith.muli %add3A_188, %mul3A_194 : i32
      %get3A = arith.index_cast %mul3A_195 : i32 to index
      %get3A_196 = tpu.vector_load %arg10[%get3A] {strides = array<i32>} : memref<3072xi32, #tpu.memory_space<vmem>>, vector<16xi32>,
      %mul3A_197 = arith.constant 32 : i32
      %mul3A_198 = arith.muli %add3A_188, %mul3A_197 : i32
      %add3A_199 = arith.constant 16 : i32
      %add3A_200 = arith.addi %mul3A_198, %add3A_199 : i32
      %get3A_201 = arith.index_cast %add3A_200 : i32 to index
      %get3A_202 = tpu.vector_load %arg10[%get3A_201] {strides = array<i32>} : memref<3072xi32, #tpu.memory_space<vmem>>, vector<16xi32>,
      %gather3A_203 = tpu.vector_load_idx %arg8[%get3A_196] : memref<10000xf32, #tpu.memory_space<vmem>>[vector<16xi32>], vector<16xf32>,
      %sub3A = arith.subf %gather3A_203, %gather3A_193 : vector<16xf32>
      %abs3A = math.absf %sub3A : vector<16xf32>
      %gather3A_204 = tpu.vector_load_idx %arg8[%get3A_202] : memref<10000xf32, #tpu.memory_space<vmem>>[vector<16xi32>], vector<16xf32>,
      %sub3A_205 = arith.subf %gather3A_204, %gather3A_193 : vector<16xf32>
      %abs3A_206 = math.absf %sub3A_205 : vector<16xf32>
      %masked_sort3A = arith.constant dense<true> : vector<16xi1>
      %masked_sort3A_207, %masked_sort3A_208, %masked_sort3A_209 = tpu.sort %abs3A, %get3A_196 masked %masked_sort3A : (vector<16xf32>, vector<16xi32>, vector<16xi1>) -> (vector<16xi1>, vector<16xf32>, vector<16xi32>)
      %masked_sort3A_210 = arith.constant dense<true> : vector<16xi1>
      %masked_sort3A_211, %masked_sort3A_212, %masked_sort3A_213 = tpu.sort %abs3A_206, %get3A_202 masked %masked_sort3A_210 : (vector<16xf32>, vector<16xi32>, vector<16xi1>) -> (vector<16xi1>, vector<16xf32>, vector<16xi32>)
      %rev3A = arith.constant 15 : i32
      %rev3A_214 = vector.broadcast %rev3A : i32 to vector<16xi32>
      %rev3A_215 = tpu.iota {dimensions = array<i32: 0>} : vector<16xi32>
      %rev3A_216 = arith.subi %rev3A_214, %rev3A_215 : vector<16xi32>
      %rev3A_217 = tpu.dynamic_gather %masked_sort3A_212[%rev3A_216] in [0] : vector<16xf32>, vector<16xi32> -> vector<16xf32>
      %rev3A_218 = arith.constant 15 : i32
      %rev3A_219 = vector.broadcast %rev3A_218 : i32 to vector<16xi32>
      %rev3A_220 = tpu.iota {dimensions = array<i32: 0>} : vector<16xi32>
      %rev3A_221 = arith.subi %rev3A_219, %rev3A_220 : vector<16xi32>
      %rev3A_222 = tpu.dynamic_gather %masked_sort3A_213[%rev3A_221] in [0] : vector<16xi32>, vector<16xi32> -> vector<16xi32>
      %le3A = arith.cmpf ole, %masked_sort3A_208, %rev3A_217 : vector<16xf32>
      %select_n3A = arith.select %le3A, %masked_sort3A_209, %rev3A_222 : vector<16xi1>, vector<16xi32>
      %mul3A_223 = arith.constant 16 : i32
      %mul3A_224 = arith.muli %scan3A_186, %mul3A_223 : i32
      %swap3A = arith.index_cast %mul3A_224 : i32 to index
      %swap3A_225 = tpu.vector_load %arg11[%swap3A] {strides = array<i32>} : memref<192xi32, #tpu.memory_space<vmem>>, vector<16xi32>,
      tpu.vector_store %arg11[%swap3A], %select_n3A {strides = array<i32>} : memref<192xi32, #tpu.memory_space<vmem>>, vector<16xi32>,
    }
    %scan3A_85 = arith.constant 12 : i32
    %dma_start3A_86 = arith.constant 0 : i32
    %dma_start3A_87 = arith.constant 0 : i32
    %dma_start3A_88 = tpu.memref_slice %arg5[%dma_start3A_86, %dma_start3A_87] : memref<10000x256xf32, #tpu.memory_space<hbm>> -> memref<10000x256xf32, #tpu.memory_space<hbm>>
    tpu.enqueue_indirect_dma source(%dma_start3A_88 : memref<10000x256xf32, #tpu.memory_space<hbm>>) target(%arg15 : memref<192x256xf32, #tpu.memory_space<vmem>>) offsets(%arg11 : memref<192xi32, #tpu.memory_space<vmem>>) semaphore(%arg19 : memref<!tpu.dma_semaphore, #tpu.memory_space<semaphore_mem>>)
    %dma_wait3A_89 = arith.constant 0 : i32
    %dma_wait3A_90 = arith.constant 0 : i32
    %dma_wait3A_91 = tpu.memref_slice %arg5[%dma_wait3A_89, %dma_wait3A_90] : memref<10000x256xf32, #tpu.memory_space<hbm>> -> memref<10000x256xf32, #tpu.memory_space<hbm>>
    tpu.wait_indirect_dma semaphore(%arg20 : memref<!tpu.dma_semaphore, #tpu.memory_space<semaphore_mem>>) src(%dma_wait3A_91 : memref<10000x256xf32, #tpu.memory_space<hbm>>) dst(%arg16 : memref<192x256xf32, #tpu.memory_space<vmem>>)
    %scan3A_92 = arith.constant 0 : i32
    %scan3A_93 = arith.constant 0 : i32
    %scan3A_94 = arith.constant 12 : i32
    %scan3A_95 = arith.addi %scan3A_93, %scan3A_94 : i32
    %scan3A_96 = arith.constant 1 : i32
    scf.for %scan3A_186 = %scan3A_93 to %scan3A_95 step %scan3A_96  : i32 {
      %scan3A_187 = arith.constant 0 : i32
      %scan3A_188 = arith.constant 16 : i32
      %scan3A_189 = arith.addi %scan3A_187, %scan3A_188 : i32
      %scan3A_190 = arith.constant 1 : i32
      scf.for %scan3A_192 = %scan3A_187 to %scan3A_189 step %scan3A_190  : i32 {
        %mul3A_193 = arith.constant 16 : i32
        %mul3A_194 = arith.muli %scan3A_186, %mul3A_193 : i32
        %mul3A_195 = arith.constant 16 : i32
        %mul3A_196 = arith.muli %scan3A_192, %mul3A_195 : i32
        %get3A = arith.index_cast %mul3A_194 : i32 to index
        %get3A_197 = arith.index_cast %mul3A_196 : i32 to index
        %get3A_198 = tpu.vector_load %arg16[%get3A, %get3A_197] {strides = array<i32>} : memref<192x256xf32, #tpu.memory_space<vmem>>, vector<16xf32>,
        %mul3A_199 = arith.constant 16 : i32
        %mul3A_200 = arith.muli %scan3A_186, %mul3A_199 : i32
        %add3A_201 = arith.constant 1 : i32
        %add3A_202 = arith.addi %mul3A_200, %add3A_201 : i32
        %mul3A_203 = arith.constant 16 : i32
        %mul3A_204 = arith.muli %scan3A_192, %mul3A_203 : i32
        %get3A_205 = arith.index_cast %add3A_202 : i32 to index
        %get3A_206 = arith.index_cast %mul3A_204 : i32 to index
        %get3A_207 = tpu.vector_load %arg16[%get3A_205, %get3A_206] {strides = array<i32>} : memref<192x256xf32, #tpu.memory_space<vmem>>, vector<16xf32>,
        %add3A_208 = arith.addf %get3A_198, %get3A_207 : vector<16xf32>
        %mul3A_209 = arith.constant 16 : i32
        %mul3A_210 = arith.muli %scan3A_186, %mul3A_209 : i32
        %add3A_211 = arith.constant 2 : i32
        %add3A_212 = arith.addi %mul3A_210, %add3A_211 : i32
        %mul3A_213 = arith.constant 16 : i32
        %mul3A_214 = arith.muli %scan3A_192, %mul3A_213 : i32
        %get3A_215 = arith.index_cast %add3A_212 : i32 to index
        %get3A_216 = arith.index_cast %mul3A_214 : i32 to index
        %get3A_217 = tpu.vector_load %arg16[%get3A_215, %get3A_216] {strides = array<i32>} : memref<192x256xf32, #tpu.memory_space<vmem>>, vector<16xf32>,
        %add3A_218 = arith.addf %add3A_208, %get3A_217 : vector<16xf32>
        %mul3A_219 = arith.constant 16 : i32
        %mul3A_220 = arith.muli %scan3A_186, %mul3A_219 : i32
        %add3A_221 = arith.constant 3 : i32
        %add3A_222 = arith.addi %mul3A_220, %add3A_221 : i32
        %mul3A_223 = arith.constant 16 : i32
        %mul3A_224 = arith.muli %scan3A_192, %mul3A_223 : i32
        %get3A_225 = arith.index_cast %add3A_222 : i32 to index
        %get3A_226 = arith.index_cast %mul3A_224 : i32 to index
        %get3A_227 = tpu.vector_load %arg16[%get3A_225, %get3A_226] {strides = array<i32>} : memref<192x256xf32, #tpu.memory_space<vmem>>, vector<16xf32>,
        %add3A_228 = arith.addf %add3A_218, %get3A_227 : vector<16xf32>
        %mul3A_229 = arith.constant 16 : i32
        %mul3A_230 = arith.muli %scan3A_186, %mul3A_229 : i32
        %add3A_231 = arith.constant 4 : i32
        %add3A_232 = arith.addi %mul3A_230, %add3A_231 : i32
        %mul3A_233 = arith.constant 16 : i32
        %mul3A_234 = arith.muli %scan3A_192, %mul3A_233 : i32
        %get3A_235 = arith.index_cast %add3A_232 : i32 to index
        %get3A_236 = arith.index_cast %mul3A_234 : i32 to index
        %get3A_237 = tpu.vector_load %arg16[%get3A_235, %get3A_236] {strides = array<i32>} : memref<192x256xf32, #tpu.memory_space<vmem>>, vector<16xf32>,
        %add3A_238 = arith.addf %add3A_228, %get3A_237 : vector<16xf32>
        %mul3A_239 = arith.constant 16 : i32
        %mul3A_240 = arith.muli %scan3A_186, %mul3A_239 : i32
        %add3A_241 = arith.constant 5 : i32
        %add3A_242 = arith.addi %mul3A_240, %add3A_241 : i32
        %mul3A_243 = arith.constant 16 : i32
        %mul3A_244 = arith.muli %scan3A_192, %mul3A_243 : i32
        %get3A_245 = arith.index_cast %add3A_242 : i32 to index
        %get3A_246 = arith.index_cast %mul3A_244 : i32 to index
        %get3A_247 = tpu.vector_load %arg16[%get3A_245, %get3A_246] {strides = array<i32>} : memref<192x256xf32, #tpu.memory_space<vmem>>, vector<16xf32>,
        %add3A_248 = arith.addf %add3A_238, %get3A_247 : vector<16xf32>
        %mul3A_249 = arith.constant 16 : i32
        %mul3A_250 = arith.muli %scan3A_186, %mul3A_249 : i32
        %add3A_251 = arith.constant 6 : i32
        %add3A_252 = arith.addi %mul3A_250, %add3A_251 : i32
        %mul3A_253 = arith.constant 16 : i32
        %mul3A_254 = arith.muli %scan3A_192, %mul3A_253 : i32
        %get3A_255 = arith.index_cast %add3A_252 : i32 to index
        %get3A_256 = arith.index_cast %mul3A_254 : i32 to index
        %get3A_257 = tpu.vector_load %arg16[%get3A_255, %get3A_256] {strides = array<i32>} : memref<192x256xf32, #tpu.memory_space<vmem>>, vector<16xf32>,
        %add3A_258 = arith.addf %add3A_248, %get3A_257 : vector<16xf32>
        %mul3A_259 = arith.constant 16 : i32
        %mul3A_260 = arith.muli %scan3A_186, %mul3A_259 : i32
        %add3A_261 = arith.constant 7 : i32
        %add3A_262 = arith.addi %mul3A_260, %add3A_261 : i32
        %mul3A_263 = arith.constant 16 : i32
        %mul3A_264 = arith.muli %scan3A_192, %mul3A_263 : i32
        %get3A_265 = arith.index_cast %add3A_262 : i32 to index
        %get3A_266 = arith.index_cast %mul3A_264 : i32 to index
        %get3A_267 = tpu.vector_load %arg16[%get3A_265, %get3A_266] {strides = array<i32>} : memref<192x256xf32, #tpu.memory_space<vmem>>, vector<16xf32>,
        %add3A_268 = arith.addf %add3A_258, %get3A_267 : vector<16xf32>
        %mul3A_269 = arith.constant 16 : i32
        %mul3A_270 = arith.muli %scan3A_186, %mul3A_269 : i32
        %add3A_271 = arith.constant 8 : i32
        %add3A_272 = arith.addi %mul3A_270, %add3A_271 : i32
        %mul3A_273 = arith.constant 16 : i32
        %mul3A_274 = arith.muli %scan3A_192, %mul3A_273 : i32
        %get3A_275 = arith.index_cast %add3A_272 : i32 to index
        %get3A_276 = arith.index_cast %mul3A_274 : i32 to index
        %get3A_277 = tpu.vector_load %arg16[%get3A_275, %get3A_276] {strides = array<i32>} : memref<192x256xf32, #tpu.memory_space<vmem>>, vector<16xf32>,
        %add3A_278 = arith.addf %add3A_268, %get3A_277 : vector<16xf32>
        %mul3A_279 = arith.constant 16 : i32
        %mul3A_280 = arith.muli %scan3A_186, %mul3A_279 : i32
        %add3A_281 = arith.constant 9 : i32
        %add3A_282 = arith.addi %mul3A_280, %add3A_281 : i32
        %mul3A_283 = arith.constant 16 : i32
        %mul3A_284 = arith.muli %scan3A_192, %mul3A_283 : i32
        %get3A_285 = arith.index_cast %add3A_282 : i32 to index
        %get3A_286 = arith.index_cast %mul3A_284 : i32 to index
        %get3A_287 = tpu.vector_load %arg16[%get3A_285, %get3A_286] {strides = array<i32>} : memref<192x256xf32, #tpu.memory_space<vmem>>, vector<16xf32>,
        %add3A_288 = arith.addf %add3A_278, %get3A_287 : vector<16xf32>
        %mul3A_289 = arith.constant 16 : i32
        %mul3A_290 = arith.muli %scan3A_186, %mul3A_289 : i32
        %add3A_291 = arith.constant 10 : i32
        %add3A_292 = arith.addi %mul3A_290, %add3A_291 : i32
        %mul3A_293 = arith.constant 16 : i32
        %mul3A_294 = arith.muli %scan3A_192, %mul3A_293 : i32
        %get3A_295 = arith.index_cast %add3A_292 : i32 to index
        %get3A_296 = arith.index_cast %mul3A_294 : i32 to index
        %get3A_297 = tpu.vector_load %arg16[%get3A_295, %get3A_296] {strides = array<i32>} : memref<192x256xf32, #tpu.memory_space<vmem>>, vector<16xf32>,
        %add3A_298 = arith.addf %add3A_288, %get3A_297 : vector<16xf32>
        %mul3A_299 = arith.constant 16 : i32
        %mul3A_300 = arith.muli %scan3A_186, %mul3A_299 : i32
        %add3A_301 = arith.constant 11 : i32
        %add3A_302 = arith.addi %mul3A_300, %add3A_301 : i32
        %mul3A_303 = arith.constant 16 : i32
        %mul3A_304 = arith.muli %scan3A_192, %mul3A_303 : i32
        %get3A_305 = arith.index_cast %add3A_302 : i32 to index
        %get3A_306 = arith.index_cast %mul3A_304 : i32 to index
        %get3A_307 = tpu.vector_load %arg16[%get3A_305, %get3A_306] {strides = array<i32>} : memref<192x256xf32, #tpu.memory_space<vmem>>, vector<16xf32>,
        %add3A_308 = arith.addf %add3A_298, %get3A_307 : vector<16xf32>
        %mul3A_309 = arith.constant 16 : i32
        %mul3A_310 = arith.muli %scan3A_186, %mul3A_309 : i32
        %add3A_311 = arith.constant 12 : i32
        %add3A_312 = arith.addi %mul3A_310, %add3A_311 : i32
        %mul3A_313 = arith.constant 16 : i32
        %mul3A_314 = arith.muli %scan3A_192, %mul3A_313 : i32
        %get3A_315 = arith.index_cast %add3A_312 : i32 to index
        %get3A_316 = arith.index_cast %mul3A_314 : i32 to index
        %get3A_317 = tpu.vector_load %arg16[%get3A_315, %get3A_316] {strides = array<i32>} : memref<192x256xf32, #tpu.memory_space<vmem>>, vector<16xf32>,
        %add3A_318 = arith.addf %add3A_308, %get3A_317 : vector<16xf32>
        %mul3A_319 = arith.constant 16 : i32
        %mul3A_320 = arith.muli %scan3A_186, %mul3A_319 : i32
        %add3A_321 = arith.constant 13 : i32
        %add3A_322 = arith.addi %mul3A_320, %add3A_321 : i32
        %mul3A_323 = arith.constant 16 : i32
        %mul3A_324 = arith.muli %scan3A_192, %mul3A_323 : i32
        %get3A_325 = arith.index_cast %add3A_322 : i32 to index
        %get3A_326 = arith.index_cast %mul3A_324 : i32 to index
        %get3A_327 = tpu.vector_load %arg16[%get3A_325, %get3A_326] {strides = array<i32>} : memref<192x256xf32, #tpu.memory_space<vmem>>, vector<16xf32>,
        %add3A_328 = arith.addf %add3A_318, %get3A_327 : vector<16xf32>
        %mul3A_329 = arith.constant 16 : i32
        %mul3A_330 = arith.muli %scan3A_186, %mul3A_329 : i32
        %add3A_331 = arith.constant 14 : i32
        %add3A_332 = arith.addi %mul3A_330, %add3A_331 : i32
        %mul3A_333 = arith.constant 16 : i32
        %mul3A_334 = arith.muli %scan3A_192, %mul3A_333 : i32
        %get3A_335 = arith.index_cast %add3A_332 : i32 to index
        %get3A_336 = arith.index_cast %mul3A_334 : i32 to index
        %get3A_337 = tpu.vector_load %arg16[%get3A_335, %get3A_336] {strides = array<i32>} : memref<192x256xf32, #tpu.memory_space<vmem>>, vector<16xf32>,
        %add3A_338 = arith.addf %add3A_328, %get3A_337 : vector<16xf32>
        %mul3A_339 = arith.constant 16 : i32
        %mul3A_340 = arith.muli %scan3A_186, %mul3A_339 : i32
        %add3A_341 = arith.constant 15 : i32
        %add3A_342 = arith.addi %mul3A_340, %add3A_341 : i32
        %mul3A_343 = arith.constant 16 : i32
        %mul3A_344 = arith.muli %scan3A_192, %mul3A_343 : i32
        %get3A_345 = arith.index_cast %add3A_342 : i32 to index
        %get3A_346 = arith.index_cast %mul3A_344 : i32 to index
        %get3A_347 = tpu.vector_load %arg16[%get3A_345, %get3A_346] {strides = array<i32>} : memref<192x256xf32, #tpu.memory_space<vmem>>, vector<16xf32>,
        %add3A_348 = arith.addf %add3A_338, %get3A_347 : vector<16xf32>
        %mul3A_349 = arith.constant 6.250000e-02 : f32
        %mul3A_350 = vector.broadcast %mul3A_349 : f32 to vector<16xf32>
        %mul3A_351 = arith.mulf %add3A_348, %mul3A_350 : vector<16xf32>
        %mul3A_352 = arith.constant 16 : i32
        %mul3A_353 = arith.muli %scan3A_192, %mul3A_352 : i32
        %swap3A = arith.index_cast %scan3A_186 : i32 to index
        %swap3A_354 = arith.index_cast %mul3A_353 : i32 to index
        %swap3A_355 = tpu.vector_load %arg17[%swap3A, %swap3A_354] {strides = array<i32>} : memref<12x256xf32, #tpu.memory_space<vmem>>, vector<16xf32>,
        tpu.vector_store %arg17[%swap3A, %swap3A_354], %mul3A_351 {strides = array<i32>} : memref<12x256xf32, #tpu.memory_space<vmem>>, vector<16xf32>,
      }
      %scan3A_191 = arith.constant 16 : i32
    }
    %scan3A_97 = arith.constant 12 : i32
    %mul3A_98 = arith.constant 96 : i32
    %mul3A_99 = arith.muli %add3A, %mul3A_98 : i32
    %add3A_100 = arith.constant 36 : i32
    %add3A_101 = arith.addi %mul3A_99, %add3A_100 : i32
    "tpu.region"() ({
      %run_scoped3A_186 = tpu.sem_alloc : memref<!tpu.dma_semaphore, #tpu.memory_space<semaphore_mem>>
      %dma_start3A_187 = arith.constant 0 : i32
      %dma_start3A_188 = tpu.memref_slice %arg6[%add3A_101, %dma_start3A_187] : memref<3072x256xf32, #tpu.memory_space<hbm>> -> memref<12x256xf32, #tpu.memory_space<hbm>>
      %dma_start3A_189 = arith.constant 0 : i32
      %dma_start3A_190 = tpu.memref_slice %arg6[%add3A_101, %dma_start3A_189] : memref<3072x256xf32, #tpu.memory_space<hbm>> -> memref<12x256xf32, #tpu.memory_space<hbm>>
      tpu.enqueue_dma source(%arg17 : memref<12x256xf32, #tpu.memory_space<vmem>>) target(%dma_start3A_190 : memref<12x256xf32, #tpu.memory_space<hbm>>) target_semaphore(%run_scoped3A_186 : memref<!tpu.dma_semaphore, #tpu.memory_space<semaphore_mem>>)
      %dma_wait3A_191 = arith.constant 0 : i32
      %dma_wait3A_192 = tpu.memref_slice %arg6[%add3A_101, %dma_wait3A_191] : memref<3072x256xf32, #tpu.memory_space<hbm>> -> memref<12x256xf32, #tpu.memory_space<hbm>>
      %dma_wait3A_193 = arith.constant 0 : i32
      %dma_wait3A_194 = tpu.memref_slice %arg6[%add3A_101, %dma_wait3A_193] : memref<3072x256xf32, #tpu.memory_space<hbm>> -> memref<12x256xf32, #tpu.memory_space<hbm>>
      tpu.wait_dma2 semaphore(%run_scoped3A_186 : memref<!tpu.dma_semaphore, #tpu.memory_space<semaphore_mem>>) src(%arg17 : memref<12x256xf32, #tpu.memory_space<vmem>>) dst(%dma_wait3A_194 : memref<12x256xf32, #tpu.memory_space<hbm>>)
      tpu.yield
    }) : () -> ()
    %scan3A_102 = arith.constant 0 : i32
    %scan3A_103 = arith.constant 0 : i32
    %scan3A_104 = arith.constant 12 : i32
    %scan3A_105 = arith.addi %scan3A_103, %scan3A_104 : i32
    %scan3A_106 = arith.constant 1 : i32
    scf.for %scan3A_186 = %scan3A_103 to %scan3A_105 step %scan3A_106  : i32 {
      %add3A_187 = arith.constant 60 : i32
      %add3A_188 = arith.addi %add3A_187, %scan3A_186 : i32
      %mul3A_189 = arith.constant 96 : i32
      %mul3A_190 = arith.muli %add3A, %mul3A_189 : i32
      %add3A_191 = arith.addi %mul3A_190, %add3A_188 : i32
      %rem3A = arith.constant 1024 : i32
      %rem3A_192 = arith.remsi %add3A_191, %rem3A : i32
      %broadcast_in_dim3A = vector.broadcast %rem3A_192 : i32 to vector<16xi32>
      %gather3A = tpu.vector_load_idx %arg9[%broadcast_in_dim3A] : memref<1024xi32, #tpu.memory_space<vmem>>[vector<16xi32>], vector<16xi32>,
      %gather3A_193 = tpu.vector_load_idx %arg8[%gather3A] : memref<10000xf32, #tpu.memory_space<vmem>>[vector<16xi32>], vector<16xf32>,
      %mul3A_194 = arith.constant 32 : i32
      %mul3A_195 = arith.muli %add3A_188, %mul3A_194 : i32
      %get3A = arith.index_cast %mul3A_195 : i32 to index
      %get3A_196 = tpu.vector_load %arg10[%get3A] {strides = array<i32>} : memref<3072xi32, #tpu.memory_space<vmem>>, vector<16xi32>,
      %mul3A_197 = arith.constant 32 : i32
      %mul3A_198 = arith.muli %add3A_188, %mul3A_197 : i32
      %add3A_199 = arith.constant 16 : i32
      %add3A_200 = arith.addi %mul3A_198, %add3A_199 : i32
      %get3A_201 = arith.index_cast %add3A_200 : i32 to index
      %get3A_202 = tpu.vector_load %arg10[%get3A_201] {strides = array<i32>} : memref<3072xi32, #tpu.memory_space<vmem>>, vector<16xi32>,
      %gather3A_203 = tpu.vector_load_idx %arg8[%get3A_196] : memref<10000xf32, #tpu.memory_space<vmem>>[vector<16xi32>], vector<16xf32>,
      %sub3A = arith.subf %gather3A_203, %gather3A_193 : vector<16xf32>
      %abs3A = math.absf %sub3A : vector<16xf32>
      %gather3A_204 = tpu.vector_load_idx %arg8[%get3A_202] : memref<10000xf32, #tpu.memory_space<vmem>>[vector<16xi32>], vector<16xf32>,
      %sub3A_205 = arith.subf %gather3A_204, %gather3A_193 : vector<16xf32>
      %abs3A_206 = math.absf %sub3A_205 : vector<16xf32>
      %masked_sort3A = arith.constant dense<true> : vector<16xi1>
      %masked_sort3A_207, %masked_sort3A_208, %masked_sort3A_209 = tpu.sort %abs3A, %get3A_196 masked %masked_sort3A : (vector<16xf32>, vector<16xi32>, vector<16xi1>) -> (vector<16xi1>, vector<16xf32>, vector<16xi32>)
      %masked_sort3A_210 = arith.constant dense<true> : vector<16xi1>
      %masked_sort3A_211, %masked_sort3A_212, %masked_sort3A_213 = tpu.sort %abs3A_206, %get3A_202 masked %masked_sort3A_210 : (vector<16xf32>, vector<16xi32>, vector<16xi1>) -> (vector<16xi1>, vector<16xf32>, vector<16xi32>)
      %rev3A = arith.constant 15 : i32
      %rev3A_214 = vector.broadcast %rev3A : i32 to vector<16xi32>
      %rev3A_215 = tpu.iota {dimensions = array<i32: 0>} : vector<16xi32>
      %rev3A_216 = arith.subi %rev3A_214, %rev3A_215 : vector<16xi32>
      %rev3A_217 = tpu.dynamic_gather %masked_sort3A_212[%rev3A_216] in [0] : vector<16xf32>, vector<16xi32> -> vector<16xf32>
      %rev3A_218 = arith.constant 15 : i32
      %rev3A_219 = vector.broadcast %rev3A_218 : i32 to vector<16xi32>
      %rev3A_220 = tpu.iota {dimensions = array<i32: 0>} : vector<16xi32>
      %rev3A_221 = arith.subi %rev3A_219, %rev3A_220 : vector<16xi32>
      %rev3A_222 = tpu.dynamic_gather %masked_sort3A_213[%rev3A_221] in [0] : vector<16xi32>, vector<16xi32> -> vector<16xi32>
      %le3A = arith.cmpf ole, %masked_sort3A_208, %rev3A_217 : vector<16xf32>
      %select_n3A = arith.select %le3A, %masked_sort3A_209, %rev3A_222 : vector<16xi1>, vector<16xi32>
      %mul3A_223 = arith.constant 16 : i32
      %mul3A_224 = arith.muli %scan3A_186, %mul3A_223 : i32
      %swap3A = arith.index_cast %mul3A_224 : i32 to index
      %swap3A_225 = tpu.vector_load %arg12[%swap3A] {strides = array<i32>} : memref<192xi32, #tpu.memory_space<vmem>>, vector<16xi32>,
      tpu.vector_store %arg12[%swap3A], %select_n3A {strides = array<i32>} : memref<192xi32, #tpu.memory_space<vmem>>, vector<16xi32>,
    }
    %scan3A_107 = arith.constant 12 : i32
    %dma_start3A_108 = arith.constant 0 : i32
    %dma_start3A_109 = arith.constant 0 : i32
    %dma_start3A_110 = tpu.memref_slice %arg5[%dma_start3A_108, %dma_start3A_109] : memref<10000x256xf32, #tpu.memory_space<hbm>> -> memref<10000x256xf32, #tpu.memory_space<hbm>>
    tpu.enqueue_indirect_dma source(%dma_start3A_110 : memref<10000x256xf32, #tpu.memory_space<hbm>>) target(%arg16 : memref<192x256xf32, #tpu.memory_space<vmem>>) offsets(%arg12 : memref<192xi32, #tpu.memory_space<vmem>>) semaphore(%arg20 : memref<!tpu.dma_semaphore, #tpu.memory_space<semaphore_mem>>)
    %dma_wait3A_111 = arith.constant 0 : i32
    %dma_wait3A_112 = arith.constant 0 : i32
    %dma_wait3A_113 = tpu.memref_slice %arg5[%dma_wait3A_111, %dma_wait3A_112] : memref<10000x256xf32, #tpu.memory_space<hbm>> -> memref<10000x256xf32, #tpu.memory_space<hbm>>
    tpu.wait_indirect_dma semaphore(%arg19 : memref<!tpu.dma_semaphore, #tpu.memory_space<semaphore_mem>>) src(%dma_wait3A_113 : memref<10000x256xf32, #tpu.memory_space<hbm>>) dst(%arg15 : memref<192x256xf32, #tpu.memory_space<vmem>>)
    %scan3A_114 = arith.constant 0 : i32
    %scan3A_115 = arith.constant 0 : i32
    %scan3A_116 = arith.constant 12 : i32
    %scan3A_117 = arith.addi %scan3A_115, %scan3A_116 : i32
    %scan3A_118 = arith.constant 1 : i32
    scf.for %scan3A_186 = %scan3A_115 to %scan3A_117 step %scan3A_118  : i32 {
      %scan3A_187 = arith.constant 0 : i32
      %scan3A_188 = arith.constant 16 : i32
      %scan3A_189 = arith.addi %scan3A_187, %scan3A_188 : i32
      %scan3A_190 = arith.constant 1 : i32
      scf.for %scan3A_192 = %scan3A_187 to %scan3A_189 step %scan3A_190  : i32 {
        %mul3A_193 = arith.constant 16 : i32
        %mul3A_194 = arith.muli %scan3A_186, %mul3A_193 : i32
        %mul3A_195 = arith.constant 16 : i32
        %mul3A_196 = arith.muli %scan3A_192, %mul3A_195 : i32
        %get3A = arith.index_cast %mul3A_194 : i32 to index
        %get3A_197 = arith.index_cast %mul3A_196 : i32 to index
        %get3A_198 = tpu.vector_load %arg15[%get3A, %get3A_197] {strides = array<i32>} : memref<192x256xf32, #tpu.memory_space<vmem>>, vector<16xf32>,
        %mul3A_199 = arith.constant 16 : i32
        %mul3A_200 = arith.muli %scan3A_186, %mul3A_199 : i32
        %add3A_201 = arith.constant 1 : i32
        %add3A_202 = arith.addi %mul3A_200, %add3A_201 : i32
        %mul3A_203 = arith.constant 16 : i32
        %mul3A_204 = arith.muli %scan3A_192, %mul3A_203 : i32
        %get3A_205 = arith.index_cast %add3A_202 : i32 to index
        %get3A_206 = arith.index_cast %mul3A_204 : i32 to index
        %get3A_207 = tpu.vector_load %arg15[%get3A_205, %get3A_206] {strides = array<i32>} : memref<192x256xf32, #tpu.memory_space<vmem>>, vector<16xf32>,
        %add3A_208 = arith.addf %get3A_198, %get3A_207 : vector<16xf32>
        %mul3A_209 = arith.constant 16 : i32
        %mul3A_210 = arith.muli %scan3A_186, %mul3A_209 : i32
        %add3A_211 = arith.constant 2 : i32
        %add3A_212 = arith.addi %mul3A_210, %add3A_211 : i32
        %mul3A_213 = arith.constant 16 : i32
        %mul3A_214 = arith.muli %scan3A_192, %mul3A_213 : i32
        %get3A_215 = arith.index_cast %add3A_212 : i32 to index
        %get3A_216 = arith.index_cast %mul3A_214 : i32 to index
        %get3A_217 = tpu.vector_load %arg15[%get3A_215, %get3A_216] {strides = array<i32>} : memref<192x256xf32, #tpu.memory_space<vmem>>, vector<16xf32>,
        %add3A_218 = arith.addf %add3A_208, %get3A_217 : vector<16xf32>
        %mul3A_219 = arith.constant 16 : i32
        %mul3A_220 = arith.muli %scan3A_186, %mul3A_219 : i32
        %add3A_221 = arith.constant 3 : i32
        %add3A_222 = arith.addi %mul3A_220, %add3A_221 : i32
        %mul3A_223 = arith.constant 16 : i32
        %mul3A_224 = arith.muli %scan3A_192, %mul3A_223 : i32
        %get3A_225 = arith.index_cast %add3A_222 : i32 to index
        %get3A_226 = arith.index_cast %mul3A_224 : i32 to index
        %get3A_227 = tpu.vector_load %arg15[%get3A_225, %get3A_226] {strides = array<i32>} : memref<192x256xf32, #tpu.memory_space<vmem>>, vector<16xf32>,
        %add3A_228 = arith.addf %add3A_218, %get3A_227 : vector<16xf32>
        %mul3A_229 = arith.constant 16 : i32
        %mul3A_230 = arith.muli %scan3A_186, %mul3A_229 : i32
        %add3A_231 = arith.constant 4 : i32
        %add3A_232 = arith.addi %mul3A_230, %add3A_231 : i32
        %mul3A_233 = arith.constant 16 : i32
        %mul3A_234 = arith.muli %scan3A_192, %mul3A_233 : i32
        %get3A_235 = arith.index_cast %add3A_232 : i32 to index
        %get3A_236 = arith.index_cast %mul3A_234 : i32 to index
        %get3A_237 = tpu.vector_load %arg15[%get3A_235, %get3A_236] {strides = array<i32>} : memref<192x256xf32, #tpu.memory_space<vmem>>, vector<16xf32>,
        %add3A_238 = arith.addf %add3A_228, %get3A_237 : vector<16xf32>
        %mul3A_239 = arith.constant 16 : i32
        %mul3A_240 = arith.muli %scan3A_186, %mul3A_239 : i32
        %add3A_241 = arith.constant 5 : i32
        %add3A_242 = arith.addi %mul3A_240, %add3A_241 : i32
        %mul3A_243 = arith.constant 16 : i32
        %mul3A_244 = arith.muli %scan3A_192, %mul3A_243 : i32
        %get3A_245 = arith.index_cast %add3A_242 : i32 to index
        %get3A_246 = arith.index_cast %mul3A_244 : i32 to index
        %get3A_247 = tpu.vector_load %arg15[%get3A_245, %get3A_246] {strides = array<i32>} : memref<192x256xf32, #tpu.memory_space<vmem>>, vector<16xf32>,
        %add3A_248 = arith.addf %add3A_238, %get3A_247 : vector<16xf32>
        %mul3A_249 = arith.constant 16 : i32
        %mul3A_250 = arith.muli %scan3A_186, %mul3A_249 : i32
        %add3A_251 = arith.constant 6 : i32
        %add3A_252 = arith.addi %mul3A_250, %add3A_251 : i32
        %mul3A_253 = arith.constant 16 : i32
        %mul3A_254 = arith.muli %scan3A_192, %mul3A_253 : i32
        %get3A_255 = arith.index_cast %add3A_252 : i32 to index
        %get3A_256 = arith.index_cast %mul3A_254 : i32 to index
        %get3A_257 = tpu.vector_load %arg15[%get3A_255, %get3A_256] {strides = array<i32>} : memref<192x256xf32, #tpu.memory_space<vmem>>, vector<16xf32>,
        %add3A_258 = arith.addf %add3A_248, %get3A_257 : vector<16xf32>
        %mul3A_259 = arith.constant 16 : i32
        %mul3A_260 = arith.muli %scan3A_186, %mul3A_259 : i32
        %add3A_261 = arith.constant 7 : i32
        %add3A_262 = arith.addi %mul3A_260, %add3A_261 : i32
        %mul3A_263 = arith.constant 16 : i32
        %mul3A_264 = arith.muli %scan3A_192, %mul3A_263 : i32
        %get3A_265 = arith.index_cast %add3A_262 : i32 to index
        %get3A_266 = arith.index_cast %mul3A_264 : i32 to index
        %get3A_267 = tpu.vector_load %arg15[%get3A_265, %get3A_266] {strides = array<i32>} : memref<192x256xf32, #tpu.memory_space<vmem>>, vector<16xf32>,
        %add3A_268 = arith.addf %add3A_258, %get3A_267 : vector<16xf32>
        %mul3A_269 = arith.constant 16 : i32
        %mul3A_270 = arith.muli %scan3A_186, %mul3A_269 : i32
        %add3A_271 = arith.constant 8 : i32
        %add3A_272 = arith.addi %mul3A_270, %add3A_271 : i32
        %mul3A_273 = arith.constant 16 : i32
        %mul3A_274 = arith.muli %scan3A_192, %mul3A_273 : i32
        %get3A_275 = arith.index_cast %add3A_272 : i32 to index
        %get3A_276 = arith.index_cast %mul3A_274 : i32 to index
        %get3A_277 = tpu.vector_load %arg15[%get3A_275, %get3A_276] {strides = array<i32>} : memref<192x256xf32, #tpu.memory_space<vmem>>, vector<16xf32>,
        %add3A_278 = arith.addf %add3A_268, %get3A_277 : vector<16xf32>
        %mul3A_279 = arith.constant 16 : i32
        %mul3A_280 = arith.muli %scan3A_186, %mul3A_279 : i32
        %add3A_281 = arith.constant 9 : i32
        %add3A_282 = arith.addi %mul3A_280, %add3A_281 : i32
        %mul3A_283 = arith.constant 16 : i32
        %mul3A_284 = arith.muli %scan3A_192, %mul3A_283 : i32
        %get3A_285 = arith.index_cast %add3A_282 : i32 to index
        %get3A_286 = arith.index_cast %mul3A_284 : i32 to index
        %get3A_287 = tpu.vector_load %arg15[%get3A_285, %get3A_286] {strides = array<i32>} : memref<192x256xf32, #tpu.memory_space<vmem>>, vector<16xf32>,
        %add3A_288 = arith.addf %add3A_278, %get3A_287 : vector<16xf32>
        %mul3A_289 = arith.constant 16 : i32
        %mul3A_290 = arith.muli %scan3A_186, %mul3A_289 : i32
        %add3A_291 = arith.constant 10 : i32
        %add3A_292 = arith.addi %mul3A_290, %add3A_291 : i32
        %mul3A_293 = arith.constant 16 : i32
        %mul3A_294 = arith.muli %scan3A_192, %mul3A_293 : i32
        %get3A_295 = arith.index_cast %add3A_292 : i32 to index
        %get3A_296 = arith.index_cast %mul3A_294 : i32 to index
        %get3A_297 = tpu.vector_load %arg15[%get3A_295, %get3A_296] {strides = array<i32>} : memref<192x256xf32, #tpu.memory_space<vmem>>, vector<16xf32>,
        %add3A_298 = arith.addf %add3A_288, %get3A_297 : vector<16xf32>
        %mul3A_299 = arith.constant 16 : i32
        %mul3A_300 = arith.muli %scan3A_186, %mul3A_299 : i32
        %add3A_301 = arith.constant 11 : i32
        %add3A_302 = arith.addi %mul3A_300, %add3A_301 : i32
        %mul3A_303 = arith.constant 16 : i32
        %mul3A_304 = arith.muli %scan3A_192, %mul3A_303 : i32
        %get3A_305 = arith.index_cast %add3A_302 : i32 to index
        %get3A_306 = arith.index_cast %mul3A_304 : i32 to index
        %get3A_307 = tpu.vector_load %arg15[%get3A_305, %get3A_306] {strides = array<i32>} : memref<192x256xf32, #tpu.memory_space<vmem>>, vector<16xf32>,
        %add3A_308 = arith.addf %add3A_298, %get3A_307 : vector<16xf32>
        %mul3A_309 = arith.constant 16 : i32
        %mul3A_310 = arith.muli %scan3A_186, %mul3A_309 : i32
        %add3A_311 = arith.constant 12 : i32
        %add3A_312 = arith.addi %mul3A_310, %add3A_311 : i32
        %mul3A_313 = arith.constant 16 : i32
        %mul3A_314 = arith.muli %scan3A_192, %mul3A_313 : i32
        %get3A_315 = arith.index_cast %add3A_312 : i32 to index
        %get3A_316 = arith.index_cast %mul3A_314 : i32 to index
        %get3A_317 = tpu.vector_load %arg15[%get3A_315, %get3A_316] {strides = array<i32>} : memref<192x256xf32, #tpu.memory_space<vmem>>, vector<16xf32>,
        %add3A_318 = arith.addf %add3A_308, %get3A_317 : vector<16xf32>
        %mul3A_319 = arith.constant 16 : i32
        %mul3A_320 = arith.muli %scan3A_186, %mul3A_319 : i32
        %add3A_321 = arith.constant 13 : i32
        %add3A_322 = arith.addi %mul3A_320, %add3A_321 : i32
        %mul3A_323 = arith.constant 16 : i32
        %mul3A_324 = arith.muli %scan3A_192, %mul3A_323 : i32
        %get3A_325 = arith.index_cast %add3A_322 : i32 to index
        %get3A_326 = arith.index_cast %mul3A_324 : i32 to index
        %get3A_327 = tpu.vector_load %arg15[%get3A_325, %get3A_326] {strides = array<i32>} : memref<192x256xf32, #tpu.memory_space<vmem>>, vector<16xf32>,
        %add3A_328 = arith.addf %add3A_318, %get3A_327 : vector<16xf32>
        %mul3A_329 = arith.constant 16 : i32
        %mul3A_330 = arith.muli %scan3A_186, %mul3A_329 : i32
        %add3A_331 = arith.constant 14 : i32
        %add3A_332 = arith.addi %mul3A_330, %add3A_331 : i32
        %mul3A_333 = arith.constant 16 : i32
        %mul3A_334 = arith.muli %scan3A_192, %mul3A_333 : i32
        %get3A_335 = arith.index_cast %add3A_332 : i32 to index
        %get3A_336 = arith.index_cast %mul3A_334 : i32 to index
        %get3A_337 = tpu.vector_load %arg15[%get3A_335, %get3A_336] {strides = array<i32>} : memref<192x256xf32, #tpu.memory_space<vmem>>, vector<16xf32>,
        %add3A_338 = arith.addf %add3A_328, %get3A_337 : vector<16xf32>
        %mul3A_339 = arith.constant 16 : i32
        %mul3A_340 = arith.muli %scan3A_186, %mul3A_339 : i32
        %add3A_341 = arith.constant 15 : i32
        %add3A_342 = arith.addi %mul3A_340, %add3A_341 : i32
        %mul3A_343 = arith.constant 16 : i32
        %mul3A_344 = arith.muli %scan3A_192, %mul3A_343 : i32
        %get3A_345 = arith.index_cast %add3A_342 : i32 to index
        %get3A_346 = arith.index_cast %mul3A_344 : i32 to index
        %get3A_347 = tpu.vector_load %arg15[%get3A_345, %get3A_346] {strides = array<i32>} : memref<192x256xf32, #tpu.memory_space<vmem>>, vector<16xf32>,
        %add3A_348 = arith.addf %add3A_338, %get3A_347 : vector<16xf32>
        %mul3A_349 = arith.constant 6.250000e-02 : f32
        %mul3A_350 = vector.broadcast %mul3A_349 : f32 to vector<16xf32>
        %mul3A_351 = arith.mulf %add3A_348, %mul3A_350 : vector<16xf32>
        %mul3A_352 = arith.constant 16 : i32
        %mul3A_353 = arith.muli %scan3A_192, %mul3A_352 : i32
        %swap3A = arith.index_cast %scan3A_186 : i32 to index
        %swap3A_354 = arith.index_cast %mul3A_353 : i32 to index
        %swap3A_355 = tpu.vector_load %arg17[%swap3A, %swap3A_354] {strides = array<i32>} : memref<12x256xf32, #tpu.memory_space<vmem>>, vector<16xf32>,
        tpu.vector_store %arg17[%swap3A, %swap3A_354], %mul3A_351 {strides = array<i32>} : memref<12x256xf32, #tpu.memory_space<vmem>>, vector<16xf32>,
      }
      %scan3A_191 = arith.constant 16 : i32
    }
    %scan3A_119 = arith.constant 12 : i32
    %mul3A_120 = arith.constant 96 : i32
    %mul3A_121 = arith.muli %add3A, %mul3A_120 : i32
    %add3A_122 = arith.constant 48 : i32
    %add3A_123 = arith.addi %mul3A_121, %add3A_122 : i32
    "tpu.region"() ({
      %run_scoped3A_186 = tpu.sem_alloc : memref<!tpu.dma_semaphore, #tpu.memory_space<semaphore_mem>>
      %dma_start3A_187 = arith.constant 0 : i32
      %dma_start3A_188 = tpu.memref_slice %arg6[%add3A_123, %dma_start3A_187] : memref<3072x256xf32, #tpu.memory_space<hbm>> -> memref<12x256xf32, #tpu.memory_space<hbm>>
      %dma_start3A_189 = arith.constant 0 : i32
      %dma_start3A_190 = tpu.memref_slice %arg6[%add3A_123, %dma_start3A_189] : memref<3072x256xf32, #tpu.memory_space<hbm>> -> memref<12x256xf32, #tpu.memory_space<hbm>>
      tpu.enqueue_dma source(%arg17 : memref<12x256xf32, #tpu.memory_space<vmem>>) target(%dma_start3A_190 : memref<12x256xf32, #tpu.memory_space<hbm>>) target_semaphore(%run_scoped3A_186 : memref<!tpu.dma_semaphore, #tpu.memory_space<semaphore_mem>>)
      %dma_wait3A_191 = arith.constant 0 : i32
      %dma_wait3A_192 = tpu.memref_slice %arg6[%add3A_123, %dma_wait3A_191] : memref<3072x256xf32, #tpu.memory_space<hbm>> -> memref<12x256xf32, #tpu.memory_space<hbm>>
      %dma_wait3A_193 = arith.constant 0 : i32
      %dma_wait3A_194 = tpu.memref_slice %arg6[%add3A_123, %dma_wait3A_193] : memref<3072x256xf32, #tpu.memory_space<hbm>> -> memref<12x256xf32, #tpu.memory_space<hbm>>
      tpu.wait_dma2 semaphore(%run_scoped3A_186 : memref<!tpu.dma_semaphore, #tpu.memory_space<semaphore_mem>>) src(%arg17 : memref<12x256xf32, #tpu.memory_space<vmem>>) dst(%dma_wait3A_194 : memref<12x256xf32, #tpu.memory_space<hbm>>)
      tpu.yield
    }) : () -> ()
    %scan3A_124 = arith.constant 0 : i32
    %scan3A_125 = arith.constant 0 : i32
    %scan3A_126 = arith.constant 12 : i32
    %scan3A_127 = arith.addi %scan3A_125, %scan3A_126 : i32
    %scan3A_128 = arith.constant 1 : i32
    scf.for %scan3A_186 = %scan3A_125 to %scan3A_127 step %scan3A_128  : i32 {
      %add3A_187 = arith.constant 72 : i32
      %add3A_188 = arith.addi %add3A_187, %scan3A_186 : i32
      %mul3A_189 = arith.constant 96 : i32
      %mul3A_190 = arith.muli %add3A, %mul3A_189 : i32
      %add3A_191 = arith.addi %mul3A_190, %add3A_188 : i32
      %rem3A = arith.constant 1024 : i32
      %rem3A_192 = arith.remsi %add3A_191, %rem3A : i32
      %broadcast_in_dim3A = vector.broadcast %rem3A_192 : i32 to vector<16xi32>
      %gather3A = tpu.vector_load_idx %arg9[%broadcast_in_dim3A] : memref<1024xi32, #tpu.memory_space<vmem>>[vector<16xi32>], vector<16xi32>,
      %gather3A_193 = tpu.vector_load_idx %arg8[%gather3A] : memref<10000xf32, #tpu.memory_space<vmem>>[vector<16xi32>], vector<16xf32>,
      %mul3A_194 = arith.constant 32 : i32
      %mul3A_195 = arith.muli %add3A_188, %mul3A_194 : i32
      %get3A = arith.index_cast %mul3A_195 : i32 to index
      %get3A_196 = tpu.vector_load %arg10[%get3A] {strides = array<i32>} : memref<3072xi32, #tpu.memory_space<vmem>>, vector<16xi32>,
      %mul3A_197 = arith.constant 32 : i32
      %mul3A_198 = arith.muli %add3A_188, %mul3A_197 : i32
      %add3A_199 = arith.constant 16 : i32
      %add3A_200 = arith.addi %mul3A_198, %add3A_199 : i32
      %get3A_201 = arith.index_cast %add3A_200 : i32 to index
      %get3A_202 = tpu.vector_load %arg10[%get3A_201] {strides = array<i32>} : memref<3072xi32, #tpu.memory_space<vmem>>, vector<16xi32>,
      %gather3A_203 = tpu.vector_load_idx %arg8[%get3A_196] : memref<10000xf32, #tpu.memory_space<vmem>>[vector<16xi32>], vector<16xf32>,
      %sub3A = arith.subf %gather3A_203, %gather3A_193 : vector<16xf32>
      %abs3A = math.absf %sub3A : vector<16xf32>
      %gather3A_204 = tpu.vector_load_idx %arg8[%get3A_202] : memref<10000xf32, #tpu.memory_space<vmem>>[vector<16xi32>], vector<16xf32>,
      %sub3A_205 = arith.subf %gather3A_204, %gather3A_193 : vector<16xf32>
      %abs3A_206 = math.absf %sub3A_205 : vector<16xf32>
      %masked_sort3A = arith.constant dense<true> : vector<16xi1>
      %masked_sort3A_207, %masked_sort3A_208, %masked_sort3A_209 = tpu.sort %abs3A, %get3A_196 masked %masked_sort3A : (vector<16xf32>, vector<16xi32>, vector<16xi1>) -> (vector<16xi1>, vector<16xf32>, vector<16xi32>)
      %masked_sort3A_210 = arith.constant dense<true> : vector<16xi1>
      %masked_sort3A_211, %masked_sort3A_212, %masked_sort3A_213 = tpu.sort %abs3A_206, %get3A_202 masked %masked_sort3A_210 : (vector<16xf32>, vector<16xi32>, vector<16xi1>) -> (vector<16xi1>, vector<16xf32>, vector<16xi32>)
      %rev3A = arith.constant 15 : i32
      %rev3A_214 = vector.broadcast %rev3A : i32 to vector<16xi32>
      %rev3A_215 = tpu.iota {dimensions = array<i32: 0>} : vector<16xi32>
      %rev3A_216 = arith.subi %rev3A_214, %rev3A_215 : vector<16xi32>
      %rev3A_217 = tpu.dynamic_gather %masked_sort3A_212[%rev3A_216] in [0] : vector<16xf32>, vector<16xi32> -> vector<16xf32>
      %rev3A_218 = arith.constant 15 : i32
      %rev3A_219 = vector.broadcast %rev3A_218 : i32 to vector<16xi32>
      %rev3A_220 = tpu.iota {dimensions = array<i32: 0>} : vector<16xi32>
      %rev3A_221 = arith.subi %rev3A_219, %rev3A_220 : vector<16xi32>
      %rev3A_222 = tpu.dynamic_gather %masked_sort3A_213[%rev3A_221] in [0] : vector<16xi32>, vector<16xi32> -> vector<16xi32>
      %le3A = arith.cmpf ole, %masked_sort3A_208, %rev3A_217 : vector<16xf32>
      %select_n3A = arith.select %le3A, %masked_sort3A_209, %rev3A_222 : vector<16xi1>, vector<16xi32>
      %mul3A_223 = arith.constant 16 : i32
      %mul3A_224 = arith.muli %scan3A_186, %mul3A_223 : i32
      %swap3A = arith.index_cast %mul3A_224 : i32 to index
      %swap3A_225 = tpu.vector_load %arg11[%swap3A] {strides = array<i32>} : memref<192xi32, #tpu.memory_space<vmem>>, vector<16xi32>,
      tpu.vector_store %arg11[%swap3A], %select_n3A {strides = array<i32>} : memref<192xi32, #tpu.memory_space<vmem>>, vector<16xi32>,
    }
    %scan3A_129 = arith.constant 12 : i32
    %dma_start3A_130 = arith.constant 0 : i32
    %dma_start3A_131 = arith.constant 0 : i32
    %dma_start3A_132 = tpu.memref_slice %arg5[%dma_start3A_130, %dma_start3A_131] : memref<10000x256xf32, #tpu.memory_space<hbm>> -> memref<10000x256xf32, #tpu.memory_space<hbm>>
    tpu.enqueue_indirect_dma source(%dma_start3A_132 : memref<10000x256xf32, #tpu.memory_space<hbm>>) target(%arg15 : memref<192x256xf32, #tpu.memory_space<vmem>>) offsets(%arg11 : memref<192xi32, #tpu.memory_space<vmem>>) semaphore(%arg19 : memref<!tpu.dma_semaphore, #tpu.memory_space<semaphore_mem>>)
    %dma_wait3A_133 = arith.constant 0 : i32
    %dma_wait3A_134 = arith.constant 0 : i32
    %dma_wait3A_135 = tpu.memref_slice %arg5[%dma_wait3A_133, %dma_wait3A_134] : memref<10000x256xf32, #tpu.memory_space<hbm>> -> memref<10000x256xf32, #tpu.memory_space<hbm>>
    tpu.wait_indirect_dma semaphore(%arg20 : memref<!tpu.dma_semaphore, #tpu.memory_space<semaphore_mem>>) src(%dma_wait3A_135 : memref<10000x256xf32, #tpu.memory_space<hbm>>) dst(%arg16 : memref<192x256xf32, #tpu.memory_space<vmem>>)
    %scan3A_136 = arith.constant 0 : i32
    %scan3A_137 = arith.constant 0 : i32
    %scan3A_138 = arith.constant 12 : i32
    %scan3A_139 = arith.addi %scan3A_137, %scan3A_138 : i32
    %scan3A_140 = arith.constant 1 : i32
    scf.for %scan3A_186 = %scan3A_137 to %scan3A_139 step %scan3A_140  : i32 {
      %scan3A_187 = arith.constant 0 : i32
      %scan3A_188 = arith.constant 16 : i32
      %scan3A_189 = arith.addi %scan3A_187, %scan3A_188 : i32
      %scan3A_190 = arith.constant 1 : i32
      scf.for %scan3A_192 = %scan3A_187 to %scan3A_189 step %scan3A_190  : i32 {
        %mul3A_193 = arith.constant 16 : i32
        %mul3A_194 = arith.muli %scan3A_186, %mul3A_193 : i32
        %mul3A_195 = arith.constant 16 : i32
        %mul3A_196 = arith.muli %scan3A_192, %mul3A_195 : i32
        %get3A = arith.index_cast %mul3A_194 : i32 to index
        %get3A_197 = arith.index_cast %mul3A_196 : i32 to index
        %get3A_198 = tpu.vector_load %arg16[%get3A, %get3A_197] {strides = array<i32>} : memref<192x256xf32, #tpu.memory_space<vmem>>, vector<16xf32>,
        %mul3A_199 = arith.constant 16 : i32
        %mul3A_200 = arith.muli %scan3A_186, %mul3A_199 : i32
        %add3A_201 = arith.constant 1 : i32
        %add3A_202 = arith.addi %mul3A_200, %add3A_201 : i32
        %mul3A_203 = arith.constant 16 : i32
        %mul3A_204 = arith.muli %scan3A_192, %mul3A_203 : i32
        %get3A_205 = arith.index_cast %add3A_202 : i32 to index
        %get3A_206 = arith.index_cast %mul3A_204 : i32 to index
        %get3A_207 = tpu.vector_load %arg16[%get3A_205, %get3A_206] {strides = array<i32>} : memref<192x256xf32, #tpu.memory_space<vmem>>, vector<16xf32>,
        %add3A_208 = arith.addf %get3A_198, %get3A_207 : vector<16xf32>
        %mul3A_209 = arith.constant 16 : i32
        %mul3A_210 = arith.muli %scan3A_186, %mul3A_209 : i32
        %add3A_211 = arith.constant 2 : i32
        %add3A_212 = arith.addi %mul3A_210, %add3A_211 : i32
        %mul3A_213 = arith.constant 16 : i32
        %mul3A_214 = arith.muli %scan3A_192, %mul3A_213 : i32
        %get3A_215 = arith.index_cast %add3A_212 : i32 to index
        %get3A_216 = arith.index_cast %mul3A_214 : i32 to index
        %get3A_217 = tpu.vector_load %arg16[%get3A_215, %get3A_216] {strides = array<i32>} : memref<192x256xf32, #tpu.memory_space<vmem>>, vector<16xf32>,
        %add3A_218 = arith.addf %add3A_208, %get3A_217 : vector<16xf32>
        %mul3A_219 = arith.constant 16 : i32
        %mul3A_220 = arith.muli %scan3A_186, %mul3A_219 : i32
        %add3A_221 = arith.constant 3 : i32
        %add3A_222 = arith.addi %mul3A_220, %add3A_221 : i32
        %mul3A_223 = arith.constant 16 : i32
        %mul3A_224 = arith.muli %scan3A_192, %mul3A_223 : i32
        %get3A_225 = arith.index_cast %add3A_222 : i32 to index
        %get3A_226 = arith.index_cast %mul3A_224 : i32 to index
        %get3A_227 = tpu.vector_load %arg16[%get3A_225, %get3A_226] {strides = array<i32>} : memref<192x256xf32, #tpu.memory_space<vmem>>, vector<16xf32>,
        %add3A_228 = arith.addf %add3A_218, %get3A_227 : vector<16xf32>
        %mul3A_229 = arith.constant 16 : i32
        %mul3A_230 = arith.muli %scan3A_186, %mul3A_229 : i32
        %add3A_231 = arith.constant 4 : i32
        %add3A_232 = arith.addi %mul3A_230, %add3A_231 : i32
        %mul3A_233 = arith.constant 16 : i32
        %mul3A_234 = arith.muli %scan3A_192, %mul3A_233 : i32
        %get3A_235 = arith.index_cast %add3A_232 : i32 to index
        %get3A_236 = arith.index_cast %mul3A_234 : i32 to index
        %get3A_237 = tpu.vector_load %arg16[%get3A_235, %get3A_236] {strides = array<i32>} : memref<192x256xf32, #tpu.memory_space<vmem>>, vector<16xf32>,
        %add3A_238 = arith.addf %add3A_228, %get3A_237 : vector<16xf32>
        %mul3A_239 = arith.constant 16 : i32
        %mul3A_240 = arith.muli %scan3A_186, %mul3A_239 : i32
        %add3A_241 = arith.constant 5 : i32
        %add3A_242 = arith.addi %mul3A_240, %add3A_241 : i32
        %mul3A_243 = arith.constant 16 : i32
        %mul3A_244 = arith.muli %scan3A_192, %mul3A_243 : i32
        %get3A_245 = arith.index_cast %add3A_242 : i32 to index
        %get3A_246 = arith.index_cast %mul3A_244 : i32 to index
        %get3A_247 = tpu.vector_load %arg16[%get3A_245, %get3A_246] {strides = array<i32>} : memref<192x256xf32, #tpu.memory_space<vmem>>, vector<16xf32>,
        %add3A_248 = arith.addf %add3A_238, %get3A_247 : vector<16xf32>
        %mul3A_249 = arith.constant 16 : i32
        %mul3A_250 = arith.muli %scan3A_186, %mul3A_249 : i32
        %add3A_251 = arith.constant 6 : i32
        %add3A_252 = arith.addi %mul3A_250, %add3A_251 : i32
        %mul3A_253 = arith.constant 16 : i32
        %mul3A_254 = arith.muli %scan3A_192, %mul3A_253 : i32
        %get3A_255 = arith.index_cast %add3A_252 : i32 to index
        %get3A_256 = arith.index_cast %mul3A_254 : i32 to index
        %get3A_257 = tpu.vector_load %arg16[%get3A_255, %get3A_256] {strides = array<i32>} : memref<192x256xf32, #tpu.memory_space<vmem>>, vector<16xf32>,
        %add3A_258 = arith.addf %add3A_248, %get3A_257 : vector<16xf32>
        %mul3A_259 = arith.constant 16 : i32
        %mul3A_260 = arith.muli %scan3A_186, %mul3A_259 : i32
        %add3A_261 = arith.constant 7 : i32
        %add3A_262 = arith.addi %mul3A_260, %add3A_261 : i32
        %mul3A_263 = arith.constant 16 : i32
        %mul3A_264 = arith.muli %scan3A_192, %mul3A_263 : i32
        %get3A_265 = arith.index_cast %add3A_262 : i32 to index
        %get3A_266 = arith.index_cast %mul3A_264 : i32 to index
        %get3A_267 = tpu.vector_load %arg16[%get3A_265, %get3A_266] {strides = array<i32>} : memref<192x256xf32, #tpu.memory_space<vmem>>, vector<16xf32>,
        %add3A_268 = arith.addf %add3A_258, %get3A_267 : vector<16xf32>
        %mul3A_269 = arith.constant 16 : i32
        %mul3A_270 = arith.muli %scan3A_186, %mul3A_269 : i32
        %add3A_271 = arith.constant 8 : i32
        %add3A_272 = arith.addi %mul3A_270, %add3A_271 : i32
        %mul3A_273 = arith.constant 16 : i32
        %mul3A_274 = arith.muli %scan3A_192, %mul3A_273 : i32
        %get3A_275 = arith.index_cast %add3A_272 : i32 to index
        %get3A_276 = arith.index_cast %mul3A_274 : i32 to index
        %get3A_277 = tpu.vector_load %arg16[%get3A_275, %get3A_276] {strides = array<i32>} : memref<192x256xf32, #tpu.memory_space<vmem>>, vector<16xf32>,
        %add3A_278 = arith.addf %add3A_268, %get3A_277 : vector<16xf32>
        %mul3A_279 = arith.constant 16 : i32
        %mul3A_280 = arith.muli %scan3A_186, %mul3A_279 : i32
        %add3A_281 = arith.constant 9 : i32
        %add3A_282 = arith.addi %mul3A_280, %add3A_281 : i32
        %mul3A_283 = arith.constant 16 : i32
        %mul3A_284 = arith.muli %scan3A_192, %mul3A_283 : i32
        %get3A_285 = arith.index_cast %add3A_282 : i32 to index
        %get3A_286 = arith.index_cast %mul3A_284 : i32 to index
        %get3A_287 = tpu.vector_load %arg16[%get3A_285, %get3A_286] {strides = array<i32>} : memref<192x256xf32, #tpu.memory_space<vmem>>, vector<16xf32>,
        %add3A_288 = arith.addf %add3A_278, %get3A_287 : vector<16xf32>
        %mul3A_289 = arith.constant 16 : i32
        %mul3A_290 = arith.muli %scan3A_186, %mul3A_289 : i32
        %add3A_291 = arith.constant 10 : i32
        %add3A_292 = arith.addi %mul3A_290, %add3A_291 : i32
        %mul3A_293 = arith.constant 16 : i32
        %mul3A_294 = arith.muli %scan3A_192, %mul3A_293 : i32
        %get3A_295 = arith.index_cast %add3A_292 : i32 to index
        %get3A_296 = arith.index_cast %mul3A_294 : i32 to index
        %get3A_297 = tpu.vector_load %arg16[%get3A_295, %get3A_296] {strides = array<i32>} : memref<192x256xf32, #tpu.memory_space<vmem>>, vector<16xf32>,
        %add3A_298 = arith.addf %add3A_288, %get3A_297 : vector<16xf32>
        %mul3A_299 = arith.constant 16 : i32
        %mul3A_300 = arith.muli %scan3A_186, %mul3A_299 : i32
        %add3A_301 = arith.constant 11 : i32
        %add3A_302 = arith.addi %mul3A_300, %add3A_301 : i32
        %mul3A_303 = arith.constant 16 : i32
        %mul3A_304 = arith.muli %scan3A_192, %mul3A_303 : i32
        %get3A_305 = arith.index_cast %add3A_302 : i32 to index
        %get3A_306 = arith.index_cast %mul3A_304 : i32 to index
        %get3A_307 = tpu.vector_load %arg16[%get3A_305, %get3A_306] {strides = array<i32>} : memref<192x256xf32, #tpu.memory_space<vmem>>, vector<16xf32>,
        %add3A_308 = arith.addf %add3A_298, %get3A_307 : vector<16xf32>
        %mul3A_309 = arith.constant 16 : i32
        %mul3A_310 = arith.muli %scan3A_186, %mul3A_309 : i32
        %add3A_311 = arith.constant 12 : i32
        %add3A_312 = arith.addi %mul3A_310, %add3A_311 : i32
        %mul3A_313 = arith.constant 16 : i32
        %mul3A_314 = arith.muli %scan3A_192, %mul3A_313 : i32
        %get3A_315 = arith.index_cast %add3A_312 : i32 to index
        %get3A_316 = arith.index_cast %mul3A_314 : i32 to index
        %get3A_317 = tpu.vector_load %arg16[%get3A_315, %get3A_316] {strides = array<i32>} : memref<192x256xf32, #tpu.memory_space<vmem>>, vector<16xf32>,
        %add3A_318 = arith.addf %add3A_308, %get3A_317 : vector<16xf32>
        %mul3A_319 = arith.constant 16 : i32
        %mul3A_320 = arith.muli %scan3A_186, %mul3A_319 : i32
        %add3A_321 = arith.constant 13 : i32
        %add3A_322 = arith.addi %mul3A_320, %add3A_321 : i32
        %mul3A_323 = arith.constant 16 : i32
        %mul3A_324 = arith.muli %scan3A_192, %mul3A_323 : i32
        %get3A_325 = arith.index_cast %add3A_322 : i32 to index
        %get3A_326 = arith.index_cast %mul3A_324 : i32 to index
        %get3A_327 = tpu.vector_load %arg16[%get3A_325, %get3A_326] {strides = array<i32>} : memref<192x256xf32, #tpu.memory_space<vmem>>, vector<16xf32>,
        %add3A_328 = arith.addf %add3A_318, %get3A_327 : vector<16xf32>
        %mul3A_329 = arith.constant 16 : i32
        %mul3A_330 = arith.muli %scan3A_186, %mul3A_329 : i32
        %add3A_331 = arith.constant 14 : i32
        %add3A_332 = arith.addi %mul3A_330, %add3A_331 : i32
        %mul3A_333 = arith.constant 16 : i32
        %mul3A_334 = arith.muli %scan3A_192, %mul3A_333 : i32
        %get3A_335 = arith.index_cast %add3A_332 : i32 to index
        %get3A_336 = arith.index_cast %mul3A_334 : i32 to index
        %get3A_337 = tpu.vector_load %arg16[%get3A_335, %get3A_336] {strides = array<i32>} : memref<192x256xf32, #tpu.memory_space<vmem>>, vector<16xf32>,
        %add3A_338 = arith.addf %add3A_328, %get3A_337 : vector<16xf32>
        %mul3A_339 = arith.constant 16 : i32
        %mul3A_340 = arith.muli %scan3A_186, %mul3A_339 : i32
        %add3A_341 = arith.constant 15 : i32
        %add3A_342 = arith.addi %mul3A_340, %add3A_341 : i32
        %mul3A_343 = arith.constant 16 : i32
        %mul3A_344 = arith.muli %scan3A_192, %mul3A_343 : i32
        %get3A_345 = arith.index_cast %add3A_342 : i32 to index
        %get3A_346 = arith.index_cast %mul3A_344 : i32 to index
        %get3A_347 = tpu.vector_load %arg16[%get3A_345, %get3A_346] {strides = array<i32>} : memref<192x256xf32, #tpu.memory_space<vmem>>, vector<16xf32>,
        %add3A_348 = arith.addf %add3A_338, %get3A_347 : vector<16xf32>
        %mul3A_349 = arith.constant 6.250000e-02 : f32
        %mul3A_350 = vector.broadcast %mul3A_349 : f32 to vector<16xf32>
        %mul3A_351 = arith.mulf %add3A_348, %mul3A_350 : vector<16xf32>
        %mul3A_352 = arith.constant 16 : i32
        %mul3A_353 = arith.muli %scan3A_192, %mul3A_352 : i32
        %swap3A = arith.index_cast %scan3A_186 : i32 to index
        %swap3A_354 = arith.index_cast %mul3A_353 : i32 to index
        %swap3A_355 = tpu.vector_load %arg17[%swap3A, %swap3A_354] {strides = array<i32>} : memref<12x256xf32, #tpu.memory_space<vmem>>, vector<16xf32>,
        tpu.vector_store %arg17[%swap3A, %swap3A_354], %mul3A_351 {strides = array<i32>} : memref<12x256xf32, #tpu.memory_space<vmem>>, vector<16xf32>,
      }
      %scan3A_191 = arith.constant 16 : i32
    }
    %scan3A_141 = arith.constant 12 : i32
    %mul3A_142 = arith.constant 96 : i32
    %mul3A_143 = arith.muli %add3A, %mul3A_142 : i32
    %add3A_144 = arith.constant 60 : i32
    %add3A_145 = arith.addi %mul3A_143, %add3A_144 : i32
    "tpu.region"() ({
      %run_scoped3A_186 = tpu.sem_alloc : memref<!tpu.dma_semaphore, #tpu.memory_space<semaphore_mem>>
      %dma_start3A_187 = arith.constant 0 : i32
      %dma_start3A_188 = tpu.memref_slice %arg6[%add3A_145, %dma_start3A_187] : memref<3072x256xf32, #tpu.memory_space<hbm>> -> memref<12x256xf32, #tpu.memory_space<hbm>>
      %dma_start3A_189 = arith.constant 0 : i32
      %dma_start3A_190 = tpu.memref_slice %arg6[%add3A_145, %dma_start3A_189] : memref<3072x256xf32, #tpu.memory_space<hbm>> -> memref<12x256xf32, #tpu.memory_space<hbm>>
      tpu.enqueue_dma source(%arg17 : memref<12x256xf32, #tpu.memory_space<vmem>>) target(%dma_start3A_190 : memref<12x256xf32, #tpu.memory_space<hbm>>) target_semaphore(%run_scoped3A_186 : memref<!tpu.dma_semaphore, #tpu.memory_space<semaphore_mem>>)
      %dma_wait3A_191 = arith.constant 0 : i32
      %dma_wait3A_192 = tpu.memref_slice %arg6[%add3A_145, %dma_wait3A_191] : memref<3072x256xf32, #tpu.memory_space<hbm>> -> memref<12x256xf32, #tpu.memory_space<hbm>>
      %dma_wait3A_193 = arith.constant 0 : i32
      %dma_wait3A_194 = tpu.memref_slice %arg6[%add3A_145, %dma_wait3A_193] : memref<3072x256xf32, #tpu.memory_space<hbm>> -> memref<12x256xf32, #tpu.memory_space<hbm>>
      tpu.wait_dma2 semaphore(%run_scoped3A_186 : memref<!tpu.dma_semaphore, #tpu.memory_space<semaphore_mem>>) src(%arg17 : memref<12x256xf32, #tpu.memory_space<vmem>>) dst(%dma_wait3A_194 : memref<12x256xf32, #tpu.memory_space<hbm>>)
      tpu.yield
    }) : () -> ()
    %scan3A_146 = arith.constant 0 : i32
    %scan3A_147 = arith.constant 0 : i32
    %scan3A_148 = arith.constant 12 : i32
    %scan3A_149 = arith.addi %scan3A_147, %scan3A_148 : i32
    %scan3A_150 = arith.constant 1 : i32
    scf.for %scan3A_186 = %scan3A_147 to %scan3A_149 step %scan3A_150  : i32 {
      %add3A_187 = arith.constant 84 : i32
      %add3A_188 = arith.addi %add3A_187, %scan3A_186 : i32
      %mul3A_189 = arith.constant 96 : i32
      %mul3A_190 = arith.muli %add3A, %mul3A_189 : i32
      %add3A_191 = arith.addi %mul3A_190, %add3A_188 : i32
      %rem3A = arith.constant 1024 : i32
      %rem3A_192 = arith.remsi %add3A_191, %rem3A : i32
      %broadcast_in_dim3A = vector.broadcast %rem3A_192 : i32 to vector<16xi32>
      %gather3A = tpu.vector_load_idx %arg9[%broadcast_in_dim3A] : memref<1024xi32, #tpu.memory_space<vmem>>[vector<16xi32>], vector<16xi32>,
      %gather3A_193 = tpu.vector_load_idx %arg8[%gather3A] : memref<10000xf32, #tpu.memory_space<vmem>>[vector<16xi32>], vector<16xf32>,
      %mul3A_194 = arith.constant 32 : i32
      %mul3A_195 = arith.muli %add3A_188, %mul3A_194 : i32
      %get3A = arith.index_cast %mul3A_195 : i32 to index
      %get3A_196 = tpu.vector_load %arg10[%get3A] {strides = array<i32>} : memref<3072xi32, #tpu.memory_space<vmem>>, vector<16xi32>,
      %mul3A_197 = arith.constant 32 : i32
      %mul3A_198 = arith.muli %add3A_188, %mul3A_197 : i32
      %add3A_199 = arith.constant 16 : i32
      %add3A_200 = arith.addi %mul3A_198, %add3A_199 : i32
      %get3A_201 = arith.index_cast %add3A_200 : i32 to index
      %get3A_202 = tpu.vector_load %arg10[%get3A_201] {strides = array<i32>} : memref<3072xi32, #tpu.memory_space<vmem>>, vector<16xi32>,
      %gather3A_203 = tpu.vector_load_idx %arg8[%get3A_196] : memref<10000xf32, #tpu.memory_space<vmem>>[vector<16xi32>], vector<16xf32>,
      %sub3A = arith.subf %gather3A_203, %gather3A_193 : vector<16xf32>
      %abs3A = math.absf %sub3A : vector<16xf32>
      %gather3A_204 = tpu.vector_load_idx %arg8[%get3A_202] : memref<10000xf32, #tpu.memory_space<vmem>>[vector<16xi32>], vector<16xf32>,
      %sub3A_205 = arith.subf %gather3A_204, %gather3A_193 : vector<16xf32>
      %abs3A_206 = math.absf %sub3A_205 : vector<16xf32>
      %masked_sort3A = arith.constant dense<true> : vector<16xi1>
      %masked_sort3A_207, %masked_sort3A_208, %masked_sort3A_209 = tpu.sort %abs3A, %get3A_196 masked %masked_sort3A : (vector<16xf32>, vector<16xi32>, vector<16xi1>) -> (vector<16xi1>, vector<16xf32>, vector<16xi32>)
      %masked_sort3A_210 = arith.constant dense<true> : vector<16xi1>
      %masked_sort3A_211, %masked_sort3A_212, %masked_sort3A_213 = tpu.sort %abs3A_206, %get3A_202 masked %masked_sort3A_210 : (vector<16xf32>, vector<16xi32>, vector<16xi1>) -> (vector<16xi1>, vector<16xf32>, vector<16xi32>)
      %rev3A = arith.constant 15 : i32
      %rev3A_214 = vector.broadcast %rev3A : i32 to vector<16xi32>
      %rev3A_215 = tpu.iota {dimensions = array<i32: 0>} : vector<16xi32>
      %rev3A_216 = arith.subi %rev3A_214, %rev3A_215 : vector<16xi32>
      %rev3A_217 = tpu.dynamic_gather %masked_sort3A_212[%rev3A_216] in [0] : vector<16xf32>, vector<16xi32> -> vector<16xf32>
      %rev3A_218 = arith.constant 15 : i32
      %rev3A_219 = vector.broadcast %rev3A_218 : i32 to vector<16xi32>
      %rev3A_220 = tpu.iota {dimensions = array<i32: 0>} : vector<16xi32>
      %rev3A_221 = arith.subi %rev3A_219, %rev3A_220 : vector<16xi32>
      %rev3A_222 = tpu.dynamic_gather %masked_sort3A_213[%rev3A_221] in [0] : vector<16xi32>, vector<16xi32> -> vector<16xi32>
      %le3A = arith.cmpf ole, %masked_sort3A_208, %rev3A_217 : vector<16xf32>
      %select_n3A = arith.select %le3A, %masked_sort3A_209, %rev3A_222 : vector<16xi1>, vector<16xi32>
      %mul3A_223 = arith.constant 16 : i32
      %mul3A_224 = arith.muli %scan3A_186, %mul3A_223 : i32
      %swap3A = arith.index_cast %mul3A_224 : i32 to index
      %swap3A_225 = tpu.vector_load %arg12[%swap3A] {strides = array<i32>} : memref<192xi32, #tpu.memory_space<vmem>>, vector<16xi32>,
      tpu.vector_store %arg12[%swap3A], %select_n3A {strides = array<i32>} : memref<192xi32, #tpu.memory_space<vmem>>, vector<16xi32>,
    }
    %scan3A_151 = arith.constant 12 : i32
    %dma_start3A_152 = arith.constant 0 : i32
    %dma_start3A_153 = arith.constant 0 : i32
    %dma_start3A_154 = tpu.memref_slice %arg5[%dma_start3A_152, %dma_start3A_153] : memref<10000x256xf32, #tpu.memory_space<hbm>> -> memref<10000x256xf32, #tpu.memory_space<hbm>>
    tpu.enqueue_indirect_dma source(%dma_start3A_154 : memref<10000x256xf32, #tpu.memory_space<hbm>>) target(%arg16 : memref<192x256xf32, #tpu.memory_space<vmem>>) offsets(%arg12 : memref<192xi32, #tpu.memory_space<vmem>>) semaphore(%arg20 : memref<!tpu.dma_semaphore, #tpu.memory_space<semaphore_mem>>)
    %dma_wait3A_155 = arith.constant 0 : i32
    %dma_wait3A_156 = arith.constant 0 : i32
    %dma_wait3A_157 = tpu.memref_slice %arg5[%dma_wait3A_155, %dma_wait3A_156] : memref<10000x256xf32, #tpu.memory_space<hbm>> -> memref<10000x256xf32, #tpu.memory_space<hbm>>
    tpu.wait_indirect_dma semaphore(%arg19 : memref<!tpu.dma_semaphore, #tpu.memory_space<semaphore_mem>>) src(%dma_wait3A_157 : memref<10000x256xf32, #tpu.memory_space<hbm>>) dst(%arg15 : memref<192x256xf32, #tpu.memory_space<vmem>>)
    %scan3A_158 = arith.constant 0 : i32
    %scan3A_159 = arith.constant 0 : i32
    %scan3A_160 = arith.constant 12 : i32
    %scan3A_161 = arith.addi %scan3A_159, %scan3A_160 : i32
    %scan3A_162 = arith.constant 1 : i32
    scf.for %scan3A_186 = %scan3A_159 to %scan3A_161 step %scan3A_162  : i32 {
      %scan3A_187 = arith.constant 0 : i32
      %scan3A_188 = arith.constant 16 : i32
      %scan3A_189 = arith.addi %scan3A_187, %scan3A_188 : i32
      %scan3A_190 = arith.constant 1 : i32
      scf.for %scan3A_192 = %scan3A_187 to %scan3A_189 step %scan3A_190  : i32 {
        %mul3A_193 = arith.constant 16 : i32
        %mul3A_194 = arith.muli %scan3A_186, %mul3A_193 : i32
        %mul3A_195 = arith.constant 16 : i32
        %mul3A_196 = arith.muli %scan3A_192, %mul3A_195 : i32
        %get3A = arith.index_cast %mul3A_194 : i32 to index
        %get3A_197 = arith.index_cast %mul3A_196 : i32 to index
        %get3A_198 = tpu.vector_load %arg15[%get3A, %get3A_197] {strides = array<i32>} : memref<192x256xf32, #tpu.memory_space<vmem>>, vector<16xf32>,
        %mul3A_199 = arith.constant 16 : i32
        %mul3A_200 = arith.muli %scan3A_186, %mul3A_199 : i32
        %add3A_201 = arith.constant 1 : i32
        %add3A_202 = arith.addi %mul3A_200, %add3A_201 : i32
        %mul3A_203 = arith.constant 16 : i32
        %mul3A_204 = arith.muli %scan3A_192, %mul3A_203 : i32
        %get3A_205 = arith.index_cast %add3A_202 : i32 to index
        %get3A_206 = arith.index_cast %mul3A_204 : i32 to index
        %get3A_207 = tpu.vector_load %arg15[%get3A_205, %get3A_206] {strides = array<i32>} : memref<192x256xf32, #tpu.memory_space<vmem>>, vector<16xf32>,
        %add3A_208 = arith.addf %get3A_198, %get3A_207 : vector<16xf32>
        %mul3A_209 = arith.constant 16 : i32
        %mul3A_210 = arith.muli %scan3A_186, %mul3A_209 : i32
        %add3A_211 = arith.constant 2 : i32
        %add3A_212 = arith.addi %mul3A_210, %add3A_211 : i32
        %mul3A_213 = arith.constant 16 : i32
        %mul3A_214 = arith.muli %scan3A_192, %mul3A_213 : i32
        %get3A_215 = arith.index_cast %add3A_212 : i32 to index
        %get3A_216 = arith.index_cast %mul3A_214 : i32 to index
        %get3A_217 = tpu.vector_load %arg15[%get3A_215, %get3A_216] {strides = array<i32>} : memref<192x256xf32, #tpu.memory_space<vmem>>, vector<16xf32>,
        %add3A_218 = arith.addf %add3A_208, %get3A_217 : vector<16xf32>
        %mul3A_219 = arith.constant 16 : i32
        %mul3A_220 = arith.muli %scan3A_186, %mul3A_219 : i32
        %add3A_221 = arith.constant 3 : i32
        %add3A_222 = arith.addi %mul3A_220, %add3A_221 : i32
        %mul3A_223 = arith.constant 16 : i32
        %mul3A_224 = arith.muli %scan3A_192, %mul3A_223 : i32
        %get3A_225 = arith.index_cast %add3A_222 : i32 to index
        %get3A_226 = arith.index_cast %mul3A_224 : i32 to index
        %get3A_227 = tpu.vector_load %arg15[%get3A_225, %get3A_226] {strides = array<i32>} : memref<192x256xf32, #tpu.memory_space<vmem>>, vector<16xf32>,
        %add3A_228 = arith.addf %add3A_218, %get3A_227 : vector<16xf32>
        %mul3A_229 = arith.constant 16 : i32
        %mul3A_230 = arith.muli %scan3A_186, %mul3A_229 : i32
        %add3A_231 = arith.constant 4 : i32
        %add3A_232 = arith.addi %mul3A_230, %add3A_231 : i32
        %mul3A_233 = arith.constant 16 : i32
        %mul3A_234 = arith.muli %scan3A_192, %mul3A_233 : i32
        %get3A_235 = arith.index_cast %add3A_232 : i32 to index
        %get3A_236 = arith.index_cast %mul3A_234 : i32 to index
        %get3A_237 = tpu.vector_load %arg15[%get3A_235, %get3A_236] {strides = array<i32>} : memref<192x256xf32, #tpu.memory_space<vmem>>, vector<16xf32>,
        %add3A_238 = arith.addf %add3A_228, %get3A_237 : vector<16xf32>
        %mul3A_239 = arith.constant 16 : i32
        %mul3A_240 = arith.muli %scan3A_186, %mul3A_239 : i32
        %add3A_241 = arith.constant 5 : i32
        %add3A_242 = arith.addi %mul3A_240, %add3A_241 : i32
        %mul3A_243 = arith.constant 16 : i32
        %mul3A_244 = arith.muli %scan3A_192, %mul3A_243 : i32
        %get3A_245 = arith.index_cast %add3A_242 : i32 to index
        %get3A_246 = arith.index_cast %mul3A_244 : i32 to index
        %get3A_247 = tpu.vector_load %arg15[%get3A_245, %get3A_246] {strides = array<i32>} : memref<192x256xf32, #tpu.memory_space<vmem>>, vector<16xf32>,
        %add3A_248 = arith.addf %add3A_238, %get3A_247 : vector<16xf32>
        %mul3A_249 = arith.constant 16 : i32
        %mul3A_250 = arith.muli %scan3A_186, %mul3A_249 : i32
        %add3A_251 = arith.constant 6 : i32
        %add3A_252 = arith.addi %mul3A_250, %add3A_251 : i32
        %mul3A_253 = arith.constant 16 : i32
        %mul3A_254 = arith.muli %scan3A_192, %mul3A_253 : i32
        %get3A_255 = arith.index_cast %add3A_252 : i32 to index
        %get3A_256 = arith.index_cast %mul3A_254 : i32 to index
        %get3A_257 = tpu.vector_load %arg15[%get3A_255, %get3A_256] {strides = array<i32>} : memref<192x256xf32, #tpu.memory_space<vmem>>, vector<16xf32>,
        %add3A_258 = arith.addf %add3A_248, %get3A_257 : vector<16xf32>
        %mul3A_259 = arith.constant 16 : i32
        %mul3A_260 = arith.muli %scan3A_186, %mul3A_259 : i32
        %add3A_261 = arith.constant 7 : i32
        %add3A_262 = arith.addi %mul3A_260, %add3A_261 : i32
        %mul3A_263 = arith.constant 16 : i32
        %mul3A_264 = arith.muli %scan3A_192, %mul3A_263 : i32
        %get3A_265 = arith.index_cast %add3A_262 : i32 to index
        %get3A_266 = arith.index_cast %mul3A_264 : i32 to index
        %get3A_267 = tpu.vector_load %arg15[%get3A_265, %get3A_266] {strides = array<i32>} : memref<192x256xf32, #tpu.memory_space<vmem>>, vector<16xf32>,
        %add3A_268 = arith.addf %add3A_258, %get3A_267 : vector<16xf32>
        %mul3A_269 = arith.constant 16 : i32
        %mul3A_270 = arith.muli %scan3A_186, %mul3A_269 : i32
        %add3A_271 = arith.constant 8 : i32
        %add3A_272 = arith.addi %mul3A_270, %add3A_271 : i32
        %mul3A_273 = arith.constant 16 : i32
        %mul3A_274 = arith.muli %scan3A_192, %mul3A_273 : i32
        %get3A_275 = arith.index_cast %add3A_272 : i32 to index
        %get3A_276 = arith.index_cast %mul3A_274 : i32 to index
        %get3A_277 = tpu.vector_load %arg15[%get3A_275, %get3A_276] {strides = array<i32>} : memref<192x256xf32, #tpu.memory_space<vmem>>, vector<16xf32>,
        %add3A_278 = arith.addf %add3A_268, %get3A_277 : vector<16xf32>
        %mul3A_279 = arith.constant 16 : i32
        %mul3A_280 = arith.muli %scan3A_186, %mul3A_279 : i32
        %add3A_281 = arith.constant 9 : i32
        %add3A_282 = arith.addi %mul3A_280, %add3A_281 : i32
        %mul3A_283 = arith.constant 16 : i32
        %mul3A_284 = arith.muli %scan3A_192, %mul3A_283 : i32
        %get3A_285 = arith.index_cast %add3A_282 : i32 to index
        %get3A_286 = arith.index_cast %mul3A_284 : i32 to index
        %get3A_287 = tpu.vector_load %arg15[%get3A_285, %get3A_286] {strides = array<i32>} : memref<192x256xf32, #tpu.memory_space<vmem>>, vector<16xf32>,
        %add3A_288 = arith.addf %add3A_278, %get3A_287 : vector<16xf32>
        %mul3A_289 = arith.constant 16 : i32
        %mul3A_290 = arith.muli %scan3A_186, %mul3A_289 : i32
        %add3A_291 = arith.constant 10 : i32
        %add3A_292 = arith.addi %mul3A_290, %add3A_291 : i32
        %mul3A_293 = arith.constant 16 : i32
        %mul3A_294 = arith.muli %scan3A_192, %mul3A_293 : i32
        %get3A_295 = arith.index_cast %add3A_292 : i32 to index
        %get3A_296 = arith.index_cast %mul3A_294 : i32 to index
        %get3A_297 = tpu.vector_load %arg15[%get3A_295, %get3A_296] {strides = array<i32>} : memref<192x256xf32, #tpu.memory_space<vmem>>, vector<16xf32>,
        %add3A_298 = arith.addf %add3A_288, %get3A_297 : vector<16xf32>
        %mul3A_299 = arith.constant 16 : i32
        %mul3A_300 = arith.muli %scan3A_186, %mul3A_299 : i32
        %add3A_301 = arith.constant 11 : i32
        %add3A_302 = arith.addi %mul3A_300, %add3A_301 : i32
        %mul3A_303 = arith.constant 16 : i32
        %mul3A_304 = arith.muli %scan3A_192, %mul3A_303 : i32
        %get3A_305 = arith.index_cast %add3A_302 : i32 to index
        %get3A_306 = arith.index_cast %mul3A_304 : i32 to index
        %get3A_307 = tpu.vector_load %arg15[%get3A_305, %get3A_306] {strides = array<i32>} : memref<192x256xf32, #tpu.memory_space<vmem>>, vector<16xf32>,
        %add3A_308 = arith.addf %add3A_298, %get3A_307 : vector<16xf32>
        %mul3A_309 = arith.constant 16 : i32
        %mul3A_310 = arith.muli %scan3A_186, %mul3A_309 : i32
        %add3A_311 = arith.constant 12 : i32
        %add3A_312 = arith.addi %mul3A_310, %add3A_311 : i32
        %mul3A_313 = arith.constant 16 : i32
        %mul3A_314 = arith.muli %scan3A_192, %mul3A_313 : i32
        %get3A_315 = arith.index_cast %add3A_312 : i32 to index
        %get3A_316 = arith.index_cast %mul3A_314 : i32 to index
        %get3A_317 = tpu.vector_load %arg15[%get3A_315, %get3A_316] {strides = array<i32>} : memref<192x256xf32, #tpu.memory_space<vmem>>, vector<16xf32>,
        %add3A_318 = arith.addf %add3A_308, %get3A_317 : vector<16xf32>
        %mul3A_319 = arith.constant 16 : i32
        %mul3A_320 = arith.muli %scan3A_186, %mul3A_319 : i32
        %add3A_321 = arith.constant 13 : i32
        %add3A_322 = arith.addi %mul3A_320, %add3A_321 : i32
        %mul3A_323 = arith.constant 16 : i32
        %mul3A_324 = arith.muli %scan3A_192, %mul3A_323 : i32
        %get3A_325 = arith.index_cast %add3A_322 : i32 to index
        %get3A_326 = arith.index_cast %mul3A_324 : i32 to index
        %get3A_327 = tpu.vector_load %arg15[%get3A_325, %get3A_326] {strides = array<i32>} : memref<192x256xf32, #tpu.memory_space<vmem>>, vector<16xf32>,
        %add3A_328 = arith.addf %add3A_318, %get3A_327 : vector<16xf32>
        %mul3A_329 = arith.constant 16 : i32
        %mul3A_330 = arith.muli %scan3A_186, %mul3A_329 : i32
        %add3A_331 = arith.constant 14 : i32
        %add3A_332 = arith.addi %mul3A_330, %add3A_331 : i32
        %mul3A_333 = arith.constant 16 : i32
        %mul3A_334 = arith.muli %scan3A_192, %mul3A_333 : i32
        %get3A_335 = arith.index_cast %add3A_332 : i32 to index
        %get3A_336 = arith.index_cast %mul3A_334 : i32 to index
        %get3A_337 = tpu.vector_load %arg15[%get3A_335, %get3A_336] {strides = array<i32>} : memref<192x256xf32, #tpu.memory_space<vmem>>, vector<16xf32>,
        %add3A_338 = arith.addf %add3A_328, %get3A_337 : vector<16xf32>
        %mul3A_339 = arith.constant 16 : i32
        %mul3A_340 = arith.muli %scan3A_186, %mul3A_339 : i32
        %add3A_341 = arith.constant 15 : i32
        %add3A_342 = arith.addi %mul3A_340, %add3A_341 : i32
        %mul3A_343 = arith.constant 16 : i32
        %mul3A_344 = arith.muli %scan3A_192, %mul3A_343 : i32
        %get3A_345 = arith.index_cast %add3A_342 : i32 to index
        %get3A_346 = arith.index_cast %mul3A_344 : i32 to index
        %get3A_347 = tpu.vector_load %arg15[%get3A_345, %get3A_346] {strides = array<i32>} : memref<192x256xf32, #tpu.memory_space<vmem>>, vector<16xf32>,
        %add3A_348 = arith.addf %add3A_338, %get3A_347 : vector<16xf32>
        %mul3A_349 = arith.constant 6.250000e-02 : f32
        %mul3A_350 = vector.broadcast %mul3A_349 : f32 to vector<16xf32>
        %mul3A_351 = arith.mulf %add3A_348, %mul3A_350 : vector<16xf32>
        %mul3A_352 = arith.constant 16 : i32
        %mul3A_353 = arith.muli %scan3A_192, %mul3A_352 : i32
        %swap3A = arith.index_cast %scan3A_186 : i32 to index
        %swap3A_354 = arith.index_cast %mul3A_353 : i32 to index
        %swap3A_355 = tpu.vector_load %arg17[%swap3A, %swap3A_354] {strides = array<i32>} : memref<12x256xf32, #tpu.memory_space<vmem>>, vector<16xf32>,
        tpu.vector_store %arg17[%swap3A, %swap3A_354], %mul3A_351 {strides = array<i32>} : memref<12x256xf32, #tpu.memory_space<vmem>>, vector<16xf32>,
      }
      %scan3A_191 = arith.constant 16 : i32
    }
    %scan3A_163 = arith.constant 12 : i32
    %mul3A_164 = arith.constant 96 : i32
    %mul3A_165 = arith.muli %add3A, %mul3A_164 : i32
    %add3A_166 = arith.constant 72 : i32
    %add3A_167 = arith.addi %mul3A_165, %add3A_166 : i32
    "tpu.region"() ({
      %run_scoped3A_186 = tpu.sem_alloc : memref<!tpu.dma_semaphore, #tpu.memory_space<semaphore_mem>>
      %dma_start3A_187 = arith.constant 0 : i32
      %dma_start3A_188 = tpu.memref_slice %arg6[%add3A_167, %dma_start3A_187] : memref<3072x256xf32, #tpu.memory_space<hbm>> -> memref<12x256xf32, #tpu.memory_space<hbm>>
      %dma_start3A_189 = arith.constant 0 : i32
      %dma_start3A_190 = tpu.memref_slice %arg6[%add3A_167, %dma_start3A_189] : memref<3072x256xf32, #tpu.memory_space<hbm>> -> memref<12x256xf32, #tpu.memory_space<hbm>>
      tpu.enqueue_dma source(%arg17 : memref<12x256xf32, #tpu.memory_space<vmem>>) target(%dma_start3A_190 : memref<12x256xf32, #tpu.memory_space<hbm>>) target_semaphore(%run_scoped3A_186 : memref<!tpu.dma_semaphore, #tpu.memory_space<semaphore_mem>>)
      %dma_wait3A_191 = arith.constant 0 : i32
      %dma_wait3A_192 = tpu.memref_slice %arg6[%add3A_167, %dma_wait3A_191] : memref<3072x256xf32, #tpu.memory_space<hbm>> -> memref<12x256xf32, #tpu.memory_space<hbm>>
      %dma_wait3A_193 = arith.constant 0 : i32
      %dma_wait3A_194 = tpu.memref_slice %arg6[%add3A_167, %dma_wait3A_193] : memref<3072x256xf32, #tpu.memory_space<hbm>> -> memref<12x256xf32, #tpu.memory_space<hbm>>
      tpu.wait_dma2 semaphore(%run_scoped3A_186 : memref<!tpu.dma_semaphore, #tpu.memory_space<semaphore_mem>>) src(%arg17 : memref<12x256xf32, #tpu.memory_space<vmem>>) dst(%dma_wait3A_194 : memref<12x256xf32, #tpu.memory_space<hbm>>)
      tpu.yield
    }) : () -> ()
    %dma_wait3A_168 = arith.constant 0 : i32
    %dma_wait3A_169 = arith.constant 0 : i32
    %dma_wait3A_170 = tpu.memref_slice %arg5[%dma_wait3A_168, %dma_wait3A_169] : memref<10000x256xf32, #tpu.memory_space<hbm>> -> memref<10000x256xf32, #tpu.memory_space<hbm>>
    tpu.wait_indirect_dma semaphore(%arg20 : memref<!tpu.dma_semaphore, #tpu.memory_space<semaphore_mem>>) src(%dma_wait3A_170 : memref<10000x256xf32, #tpu.memory_space<hbm>>) dst(%arg16 : memref<192x256xf32, #tpu.memory_space<vmem>>)
    %scan3A_171 = arith.constant 0 : i32
    %scan3A_172 = arith.constant 0 : i32
    %scan3A_173 = arith.constant 12 : i32
    %scan3A_174 = arith.addi %scan3A_172, %scan3A_173 : i32
    %scan3A_175 = arith.constant 1 : i32
    scf.for %scan3A_186 = %scan3A_172 to %scan3A_174 step %scan3A_175  : i32 {
      %scan3A_187 = arith.constant 0 : i32
      %scan3A_188 = arith.constant 16 : i32
      %scan3A_189 = arith.addi %scan3A_187, %scan3A_188 : i32
      %scan3A_190 = arith.constant 1 : i32
      scf.for %scan3A_192 = %scan3A_187 to %scan3A_189 step %scan3A_190  : i32 {
        %mul3A_193 = arith.constant 16 : i32
        %mul3A_194 = arith.muli %scan3A_186, %mul3A_193 : i32
        %mul3A_195 = arith.constant 16 : i32
        %mul3A_196 = arith.muli %scan3A_192, %mul3A_195 : i32
        %get3A = arith.index_cast %mul3A_194 : i32 to index
        %get3A_197 = arith.index_cast %mul3A_196 : i32 to index
        %get3A_198 = tpu.vector_load %arg16[%get3A, %get3A_197] {strides = array<i32>} : memref<192x256xf32, #tpu.memory_space<vmem>>, vector<16xf32>,
        %mul3A_199 = arith.constant 16 : i32
        %mul3A_200 = arith.muli %scan3A_186, %mul3A_199 : i32
        %add3A_201 = arith.constant 1 : i32
        %add3A_202 = arith.addi %mul3A_200, %add3A_201 : i32
        %mul3A_203 = arith.constant 16 : i32
        %mul3A_204 = arith.muli %scan3A_192, %mul3A_203 : i32
        %get3A_205 = arith.index_cast %add3A_202 : i32 to index
        %get3A_206 = arith.index_cast %mul3A_204 : i32 to index
        %get3A_207 = tpu.vector_load %arg16[%get3A_205, %get3A_206] {strides = array<i32>} : memref<192x256xf32, #tpu.memory_space<vmem>>, vector<16xf32>,
        %add3A_208 = arith.addf %get3A_198, %get3A_207 : vector<16xf32>
        %mul3A_209 = arith.constant 16 : i32
        %mul3A_210 = arith.muli %scan3A_186, %mul3A_209 : i32
        %add3A_211 = arith.constant 2 : i32
        %add3A_212 = arith.addi %mul3A_210, %add3A_211 : i32
        %mul3A_213 = arith.constant 16 : i32
        %mul3A_214 = arith.muli %scan3A_192, %mul3A_213 : i32
        %get3A_215 = arith.index_cast %add3A_212 : i32 to index
        %get3A_216 = arith.index_cast %mul3A_214 : i32 to index
        %get3A_217 = tpu.vector_load %arg16[%get3A_215, %get3A_216] {strides = array<i32>} : memref<192x256xf32, #tpu.memory_space<vmem>>, vector<16xf32>,
        %add3A_218 = arith.addf %add3A_208, %get3A_217 : vector<16xf32>
        %mul3A_219 = arith.constant 16 : i32
        %mul3A_220 = arith.muli %scan3A_186, %mul3A_219 : i32
        %add3A_221 = arith.constant 3 : i32
        %add3A_222 = arith.addi %mul3A_220, %add3A_221 : i32
        %mul3A_223 = arith.constant 16 : i32
        %mul3A_224 = arith.muli %scan3A_192, %mul3A_223 : i32
        %get3A_225 = arith.index_cast %add3A_222 : i32 to index
        %get3A_226 = arith.index_cast %mul3A_224 : i32 to index
        %get3A_227 = tpu.vector_load %arg16[%get3A_225, %get3A_226] {strides = array<i32>} : memref<192x256xf32, #tpu.memory_space<vmem>>, vector<16xf32>,
        %add3A_228 = arith.addf %add3A_218, %get3A_227 : vector<16xf32>
        %mul3A_229 = arith.constant 16 : i32
        %mul3A_230 = arith.muli %scan3A_186, %mul3A_229 : i32
        %add3A_231 = arith.constant 4 : i32
        %add3A_232 = arith.addi %mul3A_230, %add3A_231 : i32
        %mul3A_233 = arith.constant 16 : i32
        %mul3A_234 = arith.muli %scan3A_192, %mul3A_233 : i32
        %get3A_235 = arith.index_cast %add3A_232 : i32 to index
        %get3A_236 = arith.index_cast %mul3A_234 : i32 to index
        %get3A_237 = tpu.vector_load %arg16[%get3A_235, %get3A_236] {strides = array<i32>} : memref<192x256xf32, #tpu.memory_space<vmem>>, vector<16xf32>,
        %add3A_238 = arith.addf %add3A_228, %get3A_237 : vector<16xf32>
        %mul3A_239 = arith.constant 16 : i32
        %mul3A_240 = arith.muli %scan3A_186, %mul3A_239 : i32
        %add3A_241 = arith.constant 5 : i32
        %add3A_242 = arith.addi %mul3A_240, %add3A_241 : i32
        %mul3A_243 = arith.constant 16 : i32
        %mul3A_244 = arith.muli %scan3A_192, %mul3A_243 : i32
        %get3A_245 = arith.index_cast %add3A_242 : i32 to index
        %get3A_246 = arith.index_cast %mul3A_244 : i32 to index
        %get3A_247 = tpu.vector_load %arg16[%get3A_245, %get3A_246] {strides = array<i32>} : memref<192x256xf32, #tpu.memory_space<vmem>>, vector<16xf32>,
        %add3A_248 = arith.addf %add3A_238, %get3A_247 : vector<16xf32>
        %mul3A_249 = arith.constant 16 : i32
        %mul3A_250 = arith.muli %scan3A_186, %mul3A_249 : i32
        %add3A_251 = arith.constant 6 : i32
        %add3A_252 = arith.addi %mul3A_250, %add3A_251 : i32
        %mul3A_253 = arith.constant 16 : i32
        %mul3A_254 = arith.muli %scan3A_192, %mul3A_253 : i32
        %get3A_255 = arith.index_cast %add3A_252 : i32 to index
        %get3A_256 = arith.index_cast %mul3A_254 : i32 to index
        %get3A_257 = tpu.vector_load %arg16[%get3A_255, %get3A_256] {strides = array<i32>} : memref<192x256xf32, #tpu.memory_space<vmem>>, vector<16xf32>,
        %add3A_258 = arith.addf %add3A_248, %get3A_257 : vector<16xf32>
        %mul3A_259 = arith.constant 16 : i32
        %mul3A_260 = arith.muli %scan3A_186, %mul3A_259 : i32
        %add3A_261 = arith.constant 7 : i32
        %add3A_262 = arith.addi %mul3A_260, %add3A_261 : i32
        %mul3A_263 = arith.constant 16 : i32
        %mul3A_264 = arith.muli %scan3A_192, %mul3A_263 : i32
        %get3A_265 = arith.index_cast %add3A_262 : i32 to index
        %get3A_266 = arith.index_cast %mul3A_264 : i32 to index
        %get3A_267 = tpu.vector_load %arg16[%get3A_265, %get3A_266] {strides = array<i32>} : memref<192x256xf32, #tpu.memory_space<vmem>>, vector<16xf32>,
        %add3A_268 = arith.addf %add3A_258, %get3A_267 : vector<16xf32>
        %mul3A_269 = arith.constant 16 : i32
        %mul3A_270 = arith.muli %scan3A_186, %mul3A_269 : i32
        %add3A_271 = arith.constant 8 : i32
        %add3A_272 = arith.addi %mul3A_270, %add3A_271 : i32
        %mul3A_273 = arith.constant 16 : i32
        %mul3A_274 = arith.muli %scan3A_192, %mul3A_273 : i32
        %get3A_275 = arith.index_cast %add3A_272 : i32 to index
        %get3A_276 = arith.index_cast %mul3A_274 : i32 to index
        %get3A_277 = tpu.vector_load %arg16[%get3A_275, %get3A_276] {strides = array<i32>} : memref<192x256xf32, #tpu.memory_space<vmem>>, vector<16xf32>,
        %add3A_278 = arith.addf %add3A_268, %get3A_277 : vector<16xf32>
        %mul3A_279 = arith.constant 16 : i32
        %mul3A_280 = arith.muli %scan3A_186, %mul3A_279 : i32
        %add3A_281 = arith.constant 9 : i32
        %add3A_282 = arith.addi %mul3A_280, %add3A_281 : i32
        %mul3A_283 = arith.constant 16 : i32
        %mul3A_284 = arith.muli %scan3A_192, %mul3A_283 : i32
        %get3A_285 = arith.index_cast %add3A_282 : i32 to index
        %get3A_286 = arith.index_cast %mul3A_284 : i32 to index
        %get3A_287 = tpu.vector_load %arg16[%get3A_285, %get3A_286] {strides = array<i32>} : memref<192x256xf32, #tpu.memory_space<vmem>>, vector<16xf32>,
        %add3A_288 = arith.addf %add3A_278, %get3A_287 : vector<16xf32>
        %mul3A_289 = arith.constant 16 : i32
        %mul3A_290 = arith.muli %scan3A_186, %mul3A_289 : i32
        %add3A_291 = arith.constant 10 : i32
        %add3A_292 = arith.addi %mul3A_290, %add3A_291 : i32
        %mul3A_293 = arith.constant 16 : i32
        %mul3A_294 = arith.muli %scan3A_192, %mul3A_293 : i32
        %get3A_295 = arith.index_cast %add3A_292 : i32 to index
        %get3A_296 = arith.index_cast %mul3A_294 : i32 to index
        %get3A_297 = tpu.vector_load %arg16[%get3A_295, %get3A_296] {strides = array<i32>} : memref<192x256xf32, #tpu.memory_space<vmem>>, vector<16xf32>,
        %add3A_298 = arith.addf %add3A_288, %get3A_297 : vector<16xf32>
        %mul3A_299 = arith.constant 16 : i32
        %mul3A_300 = arith.muli %scan3A_186, %mul3A_299 : i32
        %add3A_301 = arith.constant 11 : i32
        %add3A_302 = arith.addi %mul3A_300, %add3A_301 : i32
        %mul3A_303 = arith.constant 16 : i32
        %mul3A_304 = arith.muli %scan3A_192, %mul3A_303 : i32
        %get3A_305 = arith.index_cast %add3A_302 : i32 to index
        %get3A_306 = arith.index_cast %mul3A_304 : i32 to index
        %get3A_307 = tpu.vector_load %arg16[%get3A_305, %get3A_306] {strides = array<i32>} : memref<192x256xf32, #tpu.memory_space<vmem>>, vector<16xf32>,
        %add3A_308 = arith.addf %add3A_298, %get3A_307 : vector<16xf32>
        %mul3A_309 = arith.constant 16 : i32
        %mul3A_310 = arith.muli %scan3A_186, %mul3A_309 : i32
        %add3A_311 = arith.constant 12 : i32
        %add3A_312 = arith.addi %mul3A_310, %add3A_311 : i32
        %mul3A_313 = arith.constant 16 : i32
        %mul3A_314 = arith.muli %scan3A_192, %mul3A_313 : i32
        %get3A_315 = arith.index_cast %add3A_312 : i32 to index
        %get3A_316 = arith.index_cast %mul3A_314 : i32 to index
        %get3A_317 = tpu.vector_load %arg16[%get3A_315, %get3A_316] {strides = array<i32>} : memref<192x256xf32, #tpu.memory_space<vmem>>, vector<16xf32>,
        %add3A_318 = arith.addf %add3A_308, %get3A_317 : vector<16xf32>
        %mul3A_319 = arith.constant 16 : i32
        %mul3A_320 = arith.muli %scan3A_186, %mul3A_319 : i32
        %add3A_321 = arith.constant 13 : i32
        %add3A_322 = arith.addi %mul3A_320, %add3A_321 : i32
        %mul3A_323 = arith.constant 16 : i32
        %mul3A_324 = arith.muli %scan3A_192, %mul3A_323 : i32
        %get3A_325 = arith.index_cast %add3A_322 : i32 to index
        %get3A_326 = arith.index_cast %mul3A_324 : i32 to index
        %get3A_327 = tpu.vector_load %arg16[%get3A_325, %get3A_326] {strides = array<i32>} : memref<192x256xf32, #tpu.memory_space<vmem>>, vector<16xf32>,
        %add3A_328 = arith.addf %add3A_318, %get3A_327 : vector<16xf32>
        %mul3A_329 = arith.constant 16 : i32
        %mul3A_330 = arith.muli %scan3A_186, %mul3A_329 : i32
        %add3A_331 = arith.constant 14 : i32
        %add3A_332 = arith.addi %mul3A_330, %add3A_331 : i32
        %mul3A_333 = arith.constant 16 : i32
        %mul3A_334 = arith.muli %scan3A_192, %mul3A_333 : i32
        %get3A_335 = arith.index_cast %add3A_332 : i32 to index
        %get3A_336 = arith.index_cast %mul3A_334 : i32 to index
        %get3A_337 = tpu.vector_load %arg16[%get3A_335, %get3A_336] {strides = array<i32>} : memref<192x256xf32, #tpu.memory_space<vmem>>, vector<16xf32>,
        %add3A_338 = arith.addf %add3A_328, %get3A_337 : vector<16xf32>
        %mul3A_339 = arith.constant 16 : i32
        %mul3A_340 = arith.muli %scan3A_186, %mul3A_339 : i32
        %add3A_341 = arith.constant 15 : i32
        %add3A_342 = arith.addi %mul3A_340, %add3A_341 : i32
        %mul3A_343 = arith.constant 16 : i32
        %mul3A_344 = arith.muli %scan3A_192, %mul3A_343 : i32
        %get3A_345 = arith.index_cast %add3A_342 : i32 to index
        %get3A_346 = arith.index_cast %mul3A_344 : i32 to index
        %get3A_347 = tpu.vector_load %arg16[%get3A_345, %get3A_346] {strides = array<i32>} : memref<192x256xf32, #tpu.memory_space<vmem>>, vector<16xf32>,
        %add3A_348 = arith.addf %add3A_338, %get3A_347 : vector<16xf32>
        %mul3A_349 = arith.constant 6.250000e-02 : f32
        %mul3A_350 = vector.broadcast %mul3A_349 : f32 to vector<16xf32>
        %mul3A_351 = arith.mulf %add3A_348, %mul3A_350 : vector<16xf32>
        %mul3A_352 = arith.constant 16 : i32
        %mul3A_353 = arith.muli %scan3A_192, %mul3A_352 : i32
        %swap3A = arith.index_cast %scan3A_186 : i32 to index
        %swap3A_354 = arith.index_cast %mul3A_353 : i32 to index
        %swap3A_355 = tpu.vector_load %arg17[%swap3A, %swap3A_354] {strides = array<i32>} : memref<12x256xf32, #tpu.memory_space<vmem>>, vector<16xf32>,
        tpu.vector_store %arg17[%swap3A, %swap3A_354], %mul3A_351 {strides = array<i32>} : memref<12x256xf32, #tpu.memory_space<vmem>>, vector<16xf32>,
      }
      %scan3A_191 = arith.constant 16 : i32
    }
    %scan3A_176 = arith.constant 12 : i32
    %mul3A_177 = arith.constant 96 : i32
    %mul3A_178 = arith.muli %add3A, %mul3A_177 : i32
    %add3A_179 = arith.constant 84 : i32
    %add3A_180 = arith.addi %mul3A_178, %add3A_179 : i32
    "tpu.region"() ({
      %run_scoped3A_186 = tpu.sem_alloc : memref<!tpu.dma_semaphore, #tpu.memory_space<semaphore_mem>>
      %dma_start3A_187 = arith.constant 0 : i32
      %dma_start3A_188 = tpu.memref_slice %arg6[%add3A_180, %dma_start3A_187] : memref<3072x256xf32, #tpu.memory_space<hbm>> -> memref<12x256xf32, #tpu.memory_space<hbm>>
      %dma_start3A_189 = arith.constant 0 : i32
      %dma_start3A_190 = tpu.memref_slice %arg6[%add3A_180, %dma_start3A_189] : memref<3072x256xf32, #tpu.memory_space<hbm>> -> memref<12x256xf32, #tpu.memory_space<hbm>>
      tpu.enqueue_dma source(%arg17 : memref<12x256xf32, #tpu.memory_space<vmem>>) target(%dma_start3A_190 : memref<12x256xf32, #tpu.memory_space<hbm>>) target_semaphore(%run_scoped3A_186 : memref<!tpu.dma_semaphore, #tpu.memory_space<semaphore_mem>>)
      %dma_wait3A_191 = arith.constant 0 : i32
      %dma_wait3A_192 = tpu.memref_slice %arg6[%add3A_180, %dma_wait3A_191] : memref<3072x256xf32, #tpu.memory_space<hbm>> -> memref<12x256xf32, #tpu.memory_space<hbm>>
      %dma_wait3A_193 = arith.constant 0 : i32
      %dma_wait3A_194 = tpu.memref_slice %arg6[%add3A_180, %dma_wait3A_193] : memref<3072x256xf32, #tpu.memory_space<hbm>> -> memref<12x256xf32, #tpu.memory_space<hbm>>
      tpu.wait_dma2 semaphore(%run_scoped3A_186 : memref<!tpu.dma_semaphore, #tpu.memory_space<semaphore_mem>>) src(%arg17 : memref<12x256xf32, #tpu.memory_space<vmem>>) dst(%dma_wait3A_194 : memref<12x256xf32, #tpu.memory_space<hbm>>)
      tpu.yield
    }) : () -> ()
    %dma_wait3A_181 = arith.constant 0 : i32
    %dma_wait3A_182 = arith.constant 0 : i32
    %dma_wait3A_183 = tpu.memref_slice %arg5[%dma_wait3A_181, %dma_wait3A_182] : memref<10000x256xf32, #tpu.memory_space<hbm>> -> memref<10000x256xf32, #tpu.memory_space<hbm>>
    tpu.wait_indirect_dma semaphore(%arg18 : memref<!tpu.dma_semaphore, #tpu.memory_space<semaphore_mem>>) src(%dma_wait3A_183 : memref<10000x256xf32, #tpu.memory_space<hbm>>) dst(%arg14 : memref<32x256xf32, #tpu.memory_space<vmem>>)
    %mul3A_184 = arith.constant 32 : i32
    %mul3A_185 = arith.muli %add3A, %mul3A_184 : i32
    "tpu.region"() ({
      %run_scoped3A_186 = tpu.sem_alloc : memref<!tpu.dma_semaphore, #tpu.memory_space<semaphore_mem>>
      %dma_start3A_187 = arith.constant 0 : i32
      %dma_start3A_188 = tpu.memref_slice %arg7[%mul3A_185, %dma_start3A_187] : memref<1024x256xf32, #tpu.memory_space<hbm>> -> memref<32x256xf32, #tpu.memory_space<hbm>>
      %dma_start3A_189 = arith.constant 0 : i32
      %dma_start3A_190 = tpu.memref_slice %arg7[%mul3A_185, %dma_start3A_189] : memref<1024x256xf32, #tpu.memory_space<hbm>> -> memref<32x256xf32, #tpu.memory_space<hbm>>
      tpu.enqueue_dma source(%arg14 : memref<32x256xf32, #tpu.memory_space<vmem>>) target(%dma_start3A_190 : memref<32x256xf32, #tpu.memory_space<hbm>>) target_semaphore(%run_scoped3A_186 : memref<!tpu.dma_semaphore, #tpu.memory_space<semaphore_mem>>)
      %dma_wait3A_191 = arith.constant 0 : i32
      %dma_wait3A_192 = tpu.memref_slice %arg7[%mul3A_185, %dma_wait3A_191] : memref<1024x256xf32, #tpu.memory_space<hbm>> -> memref<32x256xf32, #tpu.memory_space<hbm>>
      %dma_wait3A_193 = arith.constant 0 : i32
      %dma_wait3A_194 = tpu.memref_slice %arg7[%mul3A_185, %dma_wait3A_193] : memref<1024x256xf32, #tpu.memory_space<hbm>> -> memref<32x256xf32, #tpu.memory_space<hbm>>
      tpu.wait_dma2 semaphore(%run_scoped3A_186 : memref<!tpu.dma_semaphore, #tpu.memory_space<semaphore_mem>>) src(%arg14 : memref<32x256xf32, #tpu.memory_space<vmem>>) dst(%dma_wait3A_194 : memref<32x256xf32, #tpu.memory_space<hbm>>)
      tpu.yield
    }) : () -> ()
    return
  }
}

module attributes {stable_mosaic.version = 14 : i64} {
  func.func @_scores_body(%arg0: memref<10000x256xf32, #tpu.memory_space<vmem>>, %arg1: memref<1x256xf32, #tpu.memory_space<vmem>>, %arg2: memref<1x10000xf32, #tpu.memory_space<vmem>>) attributes {dimension_semantics = [], scalar_prefetch = 0 : i64, scratch_operands = 0 : i64, tpu.core_type = #tpu.core_type<tc>} {
    %get3A = arith.constant 0 : index
    %get3A_0 = arith.constant 0 : index
    %get3A_1 = vector.load %arg1[%get3A, %get3A_0] : memref<1x256xf32, #tpu.memory_space<vmem>>, vector<1x256xf32>
    %get3A_2 = arith.constant 0 : index
    %get3A_3 = arith.constant 0 : index
    %get3A_4 = vector.load %arg0[%get3A_2, %get3A_3] : memref<10000x256xf32, #tpu.memory_space<vmem>>, vector<10000x256xf32>
    %dot_general3A = arith.constant dense<0.000000e+00> : vector<1x10000xf32>
    %dot_general3A_5 = tpu.matmul %get3A_1, %get3A_4, %dot_general3A {dimension_numbers = #tpu.dot_dimension_numbers<[1], [1], [0], [0], [0, 0, 1, 0], [], []>, transpose_lhs_hint = false} : vector<1x256xf32>, vector<10000x256xf32>, vector<1x10000xf32> -> vector<1x10000xf32>
    %swap3A = arith.constant 0 : index
    %swap3A_6 = arith.constant 0 : index
    %swap3A_7 = vector.load %arg2[%swap3A, %swap3A_6] : memref<1x10000xf32, #tpu.memory_space<vmem>>, vector<1x10000xf32>
    tpu.vector_store %arg2[%swap3A, %swap3A_6], %dot_general3A_5 {strides = array<i32>} : memref<1x10000xf32, #tpu.memory_space<vmem>>, vector<1x10000xf32>,
    return
  }
}

module attributes {stable_mosaic.version = 14 : i64} {
  func.func @_final_body(%arg0: memref<1024x256xf32, #tpu.memory_space<vmem>>, %arg1: memref<3x1024x256xf32, #tpu.memory_space<vmem>>, %arg2: memref<256x2xf32, #tpu.memory_space<vmem>>, %arg3: memref<3x512x1024xf32, #tpu.memory_space<vmem>>, %arg4: memref<3328x1024xf32, #tpu.memory_space<vmem>>, %arg5: memref<2x1024xf32, #tpu.memory_space<vmem>>, %arg6: memref<1024x2xf32, #tpu.memory_space<vmem>>, %arg7: memref<1024x2xf32, #tpu.memory_space<vmem>>) attributes {dimension_semantics = [], scalar_prefetch = 0 : i64, scratch_operands = 0 : i64, tpu.core_type = #tpu.core_type<tc>} {
    %get3A = arith.constant 0 : index
    %get3A_0 = arith.constant 0 : index
    %get3A_1 = vector.load %arg0[%get3A, %get3A_0] : memref<1024x256xf32, #tpu.memory_space<vmem>>, vector<1024x256xf32>
    %get3A_2 = arith.constant 0 : index
    %get3A_3 = arith.constant 0 : index
    %get3A_4 = vector.load %arg2[%get3A_2, %get3A_3] : memref<256x2xf32, #tpu.memory_space<vmem>>, vector<256x2xf32>
    %dot_general3A = arith.constant dense<0.000000e+00> : vector<1024x2xf32>
    %dot_general3A_5 = tpu.matmul %get3A_1, %get3A_4, %dot_general3A {dimension_numbers = #tpu.dot_dimension_numbers<[1], [0], [0], [1], [0, 0, 1, 1], [], []>, transpose_lhs_hint = false} : vector<1024x256xf32>, vector<256x2xf32>, vector<1024x2xf32> -> vector<1024x2xf32>
    %swap3A = arith.constant 0 : index
    %swap3A_6 = arith.constant 0 : index
    %swap3A_7 = vector.load %arg7[%swap3A, %swap3A_6] : memref<1024x2xf32, #tpu.memory_space<vmem>>, vector<1024x2xf32>
    tpu.vector_store %arg7[%swap3A, %swap3A_6], %dot_general3A_5 {strides = array<i32>} : memref<1024x2xf32, #tpu.memory_space<vmem>>, vector<1024x2xf32>,
    %get3A_8 = arith.constant 0 : index
    %get3A_9 = arith.constant 0 : index
    %get3A_10 = vector.load %arg4[%get3A_8, %get3A_9] : memref<3328x1024xf32, #tpu.memory_space<vmem>>, vector<256x1024xf32>
    %dot_general3A_11 = arith.constant dense<0.000000e+00> : vector<1024x1024xf32>
    %dot_general3A_12 = tpu.matmul %get3A_1, %get3A_10, %dot_general3A_11 {dimension_numbers = #tpu.dot_dimension_numbers<[1], [0], [0], [1], [0, 0, 1, 1], [], []>, transpose_lhs_hint = false} : vector<1024x256xf32>, vector<256x1024xf32>, vector<1024x1024xf32> -> vector<1024x1024xf32>
    %get3A_13 = arith.constant 0 : index
    %get3A_14 = arith.constant 0 : index
    %get3A_15 = arith.constant 0 : index
    %get3A_16 = vector.load %arg3[%get3A_13, %get3A_14, %get3A_15] : memref<3x512x1024xf32, #tpu.memory_space<vmem>>, vector<1x512x1024xf32>
    %get3A_17 = vector.shape_cast %get3A_16 : vector<1x512x1024xf32> to vector<512x1024xf32>
    %slice3A = vector.extract_strided_slice %get3A_17 {offsets = [0, 0], sizes = [256, 1024], strides = [1, 1]} : vector<512x1024xf32> to vector<256x1024xf32>
    %dot_general3A_18 = arith.constant dense<0.000000e+00> : vector<1024x1024xf32>
    %dot_general3A_19 = tpu.matmul %get3A_1, %slice3A, %dot_general3A_18 {dimension_numbers = #tpu.dot_dimension_numbers<[1], [0], [0], [1], [0, 0, 1, 1], [], []>, transpose_lhs_hint = false} : vector<1024x256xf32>, vector<256x1024xf32>, vector<1024x1024xf32> -> vector<1024x1024xf32>
    %get3A_20 = arith.constant 0 : index
    %get3A_21 = arith.constant 0 : index
    %get3A_22 = arith.constant 0 : index
    %get3A_23 = vector.load %arg1[%get3A_20, %get3A_21, %get3A_22] : memref<3x1024x256xf32, #tpu.memory_space<vmem>>, vector<1x1024x256xf32>
    %get3A_24 = vector.shape_cast %get3A_23 : vector<1x1024x256xf32> to vector<1024x256xf32>
    %slice3A_25 = vector.extract_strided_slice %get3A_17 {offsets = [256, 0], sizes = [256, 1024], strides = [1, 1]} : vector<512x1024xf32> to vector<256x1024xf32>
    %dot_general3A_26 = arith.constant dense<0.000000e+00> : vector<1024x1024xf32>
    %dot_general3A_27 = tpu.matmul %get3A_24, %slice3A_25, %dot_general3A_26 {dimension_numbers = #tpu.dot_dimension_numbers<[1], [0], [0], [1], [0, 0, 1, 1], [], []>, transpose_lhs_hint = false} : vector<1024x256xf32>, vector<256x1024xf32>, vector<1024x1024xf32> -> vector<1024x1024xf32>
    %add3A = arith.addf %dot_general3A_19, %dot_general3A_27 : vector<1024x1024xf32>
    %max3A = arith.constant 0.000000e+00 : f32
    %max3A_28 = vector.broadcast %max3A : f32 to vector<1024x1024xf32>
    %max3A_29 = arith.maximumf %add3A, %max3A_28 : vector<1024x1024xf32>
    %get3A_30 = arith.constant 256 : index
    %get3A_31 = arith.constant 0 : index
    %get3A_32 = vector.load %arg4[%get3A_30, %get3A_31] : memref<3328x1024xf32, #tpu.memory_space<vmem>>, vector<1024x1024xf32>
    %dot_general3A_33 = arith.constant dense<0.000000e+00> : vector<1024x1024xf32>
    %dot_general3A_34 = tpu.matmul %max3A_29, %get3A_32, %dot_general3A_33 {dimension_numbers = #tpu.dot_dimension_numbers<[1], [0], [0], [1], [0, 0, 1, 1], [], []>, transpose_lhs_hint = false} : vector<1024x1024xf32>, vector<1024x1024xf32>, vector<1024x1024xf32> -> vector<1024x1024xf32>
    %add3A_35 = arith.addf %dot_general3A_12, %dot_general3A_34 : vector<1024x1024xf32>
    %get3A_36 = arith.constant 1 : index
    %get3A_37 = arith.constant 0 : index
    %get3A_38 = arith.constant 0 : index
    %get3A_39 = vector.load %arg3[%get3A_36, %get3A_37, %get3A_38] : memref<3x512x1024xf32, #tpu.memory_space<vmem>>, vector<1x512x1024xf32>
    %get3A_40 = vector.shape_cast %get3A_39 : vector<1x512x1024xf32> to vector<512x1024xf32>
    %slice3A_41 = vector.extract_strided_slice %get3A_40 {offsets = [0, 0], sizes = [256, 1024], strides = [1, 1]} : vector<512x1024xf32> to vector<256x1024xf32>
    %dot_general3A_42 = arith.constant dense<0.000000e+00> : vector<1024x1024xf32>
    %dot_general3A_43 = tpu.matmul %get3A_1, %slice3A_41, %dot_general3A_42 {dimension_numbers = #tpu.dot_dimension_numbers<[1], [0], [0], [1], [0, 0, 1, 1], [], []>, transpose_lhs_hint = false} : vector<1024x256xf32>, vector<256x1024xf32>, vector<1024x1024xf32> -> vector<1024x1024xf32>
    %get3A_44 = arith.constant 1 : index
    %get3A_45 = arith.constant 0 : index
    %get3A_46 = arith.constant 0 : index
    %get3A_47 = vector.load %arg1[%get3A_44, %get3A_45, %get3A_46] : memref<3x1024x256xf32, #tpu.memory_space<vmem>>, vector<1x1024x256xf32>
    %get3A_48 = vector.shape_cast %get3A_47 : vector<1x1024x256xf32> to vector<1024x256xf32>
    %slice3A_49 = vector.extract_strided_slice %get3A_40 {offsets = [256, 0], sizes = [256, 1024], strides = [1, 1]} : vector<512x1024xf32> to vector<256x1024xf32>
    %dot_general3A_50 = arith.constant dense<0.000000e+00> : vector<1024x1024xf32>
    %dot_general3A_51 = tpu.matmul %get3A_48, %slice3A_49, %dot_general3A_50 {dimension_numbers = #tpu.dot_dimension_numbers<[1], [0], [0], [1], [0, 0, 1, 1], [], []>, transpose_lhs_hint = false} : vector<1024x256xf32>, vector<256x1024xf32>, vector<1024x1024xf32> -> vector<1024x1024xf32>
    %add3A_52 = arith.addf %dot_general3A_43, %dot_general3A_51 : vector<1024x1024xf32>
    %max3A_53 = arith.constant 0.000000e+00 : f32
    %max3A_54 = vector.broadcast %max3A_53 : f32 to vector<1024x1024xf32>
    %max3A_55 = arith.maximumf %add3A_52, %max3A_54 : vector<1024x1024xf32>
    %get3A_56 = arith.constant 1280 : index
    %get3A_57 = arith.constant 0 : index
    %get3A_58 = vector.load %arg4[%get3A_56, %get3A_57] : memref<3328x1024xf32, #tpu.memory_space<vmem>>, vector<1024x1024xf32>
    %dot_general3A_59 = arith.constant dense<0.000000e+00> : vector<1024x1024xf32>
    %dot_general3A_60 = tpu.matmul %max3A_55, %get3A_58, %dot_general3A_59 {dimension_numbers = #tpu.dot_dimension_numbers<[1], [0], [0], [1], [0, 0, 1, 1], [], []>, transpose_lhs_hint = false} : vector<1024x1024xf32>, vector<1024x1024xf32>, vector<1024x1024xf32> -> vector<1024x1024xf32>
    %add3A_61 = arith.addf %add3A_35, %dot_general3A_60 : vector<1024x1024xf32>
    %get3A_62 = arith.constant 2 : index
    %get3A_63 = arith.constant 0 : index
    %get3A_64 = arith.constant 0 : index
    %get3A_65 = vector.load %arg3[%get3A_62, %get3A_63, %get3A_64] : memref<3x512x1024xf32, #tpu.memory_space<vmem>>, vector<1x512x1024xf32>
    %get3A_66 = vector.shape_cast %get3A_65 : vector<1x512x1024xf32> to vector<512x1024xf32>
    %slice3A_67 = vector.extract_strided_slice %get3A_66 {offsets = [0, 0], sizes = [256, 1024], strides = [1, 1]} : vector<512x1024xf32> to vector<256x1024xf32>
    %dot_general3A_68 = arith.constant dense<0.000000e+00> : vector<1024x1024xf32>
    %dot_general3A_69 = tpu.matmul %get3A_1, %slice3A_67, %dot_general3A_68 {dimension_numbers = #tpu.dot_dimension_numbers<[1], [0], [0], [1], [0, 0, 1, 1], [], []>, transpose_lhs_hint = false} : vector<1024x256xf32>, vector<256x1024xf32>, vector<1024x1024xf32> -> vector<1024x1024xf32>
    %get3A_70 = arith.constant 2 : index
    %get3A_71 = arith.constant 0 : index
    %get3A_72 = arith.constant 0 : index
    %get3A_73 = vector.load %arg1[%get3A_70, %get3A_71, %get3A_72] : memref<3x1024x256xf32, #tpu.memory_space<vmem>>, vector<1x1024x256xf32>
    %get3A_74 = vector.shape_cast %get3A_73 : vector<1x1024x256xf32> to vector<1024x256xf32>
    %slice3A_75 = vector.extract_strided_slice %get3A_66 {offsets = [256, 0], sizes = [256, 1024], strides = [1, 1]} : vector<512x1024xf32> to vector<256x1024xf32>
    %dot_general3A_76 = arith.constant dense<0.000000e+00> : vector<1024x1024xf32>
    %dot_general3A_77 = tpu.matmul %get3A_74, %slice3A_75, %dot_general3A_76 {dimension_numbers = #tpu.dot_dimension_numbers<[1], [0], [0], [1], [0, 0, 1, 1], [], []>, transpose_lhs_hint = false} : vector<1024x256xf32>, vector<256x1024xf32>, vector<1024x1024xf32> -> vector<1024x1024xf32>
    %add3A_78 = arith.addf %dot_general3A_69, %dot_general3A_77 : vector<1024x1024xf32>
    %max3A_79 = arith.constant 0.000000e+00 : f32
    %max3A_80 = vector.broadcast %max3A_79 : f32 to vector<1024x1024xf32>
    %max3A_81 = arith.maximumf %add3A_78, %max3A_80 : vector<1024x1024xf32>
    %get3A_82 = arith.constant 2304 : index
    %get3A_83 = arith.constant 0 : index
    %get3A_84 = vector.load %arg4[%get3A_82, %get3A_83] : memref<3328x1024xf32, #tpu.memory_space<vmem>>, vector<1024x1024xf32>
    %dot_general3A_85 = arith.constant dense<0.000000e+00> : vector<1024x1024xf32>
    %dot_general3A_86 = tpu.matmul %max3A_81, %get3A_84, %dot_general3A_85 {dimension_numbers = #tpu.dot_dimension_numbers<[1], [0], [0], [1], [0, 0, 1, 1], [], []>, transpose_lhs_hint = false} : vector<1024x1024xf32>, vector<1024x1024xf32>, vector<1024x1024xf32> -> vector<1024x1024xf32>
    %add3A_87 = arith.addf %add3A_61, %dot_general3A_86 : vector<1024x1024xf32>
    %max3A_88 = arith.constant 0.000000e+00 : f32
    %max3A_89 = vector.broadcast %max3A_88 : f32 to vector<1024x1024xf32>
    %max3A_90 = arith.maximumf %add3A_87, %max3A_89 : vector<1024x1024xf32>
    %get3A_91 = arith.constant 0 : index
    %get3A_92 = arith.constant 0 : index
    %get3A_93 = vector.load %arg5[%get3A_91, %get3A_92] : memref<2x1024xf32, #tpu.memory_space<vmem>>, vector<2x1024xf32>
    %dot_general3A_94 = arith.constant dense<0.000000e+00> : vector<1024x2xf32>
    %dot_general3A_95 = tpu.matmul %max3A_90, %get3A_93, %dot_general3A_94 {dimension_numbers = #tpu.dot_dimension_numbers<[1], [1], [0], [0], [0, 0, 1, 0], [], []>, transpose_lhs_hint = false} : vector<1024x1024xf32>, vector<2x1024xf32>, vector<1024x2xf32> -> vector<1024x2xf32>
    %swap3A_96 = arith.constant 0 : index
    %swap3A_97 = arith.constant 0 : index
    %swap3A_98 = vector.load %arg6[%swap3A_96, %swap3A_97] : memref<1024x2xf32, #tpu.memory_space<vmem>>, vector<1024x2xf32>
    tpu.vector_store %arg6[%swap3A_96, %swap3A_97], %dot_general3A_95 {strides = array<i32>} : memref<1024x2xf32, #tpu.memory_space<vmem>>, vector<1024x2xf32>,
    return
  }
}

</mosaic_0001>

<sc_bundles>
// kernel: kernel.5.cloned.1.call-start
scs
__scs_entry_jumppad:
0x0: {  	(pc) =	sbr.rel $0x88, $3  }
0x1: {  	(tag) =	ssettag $0x0;
	lr =	simm.s32 $0x1  }
0x2: {  	[smem:$0x3F9A] =	sst lr;
	_ =	strace $0xD0000000  }
0x3: {  	_ = 	snop  }
0x4: {  	_ = 	snop  }
0x5: {  	_ = 	snop  }
0x6: {  	_ = 	snop  }
0x7: {  	_ = 	snop  }
__scs_overlays_trampoline_lowered:
0x8: {  	[smem:$0x3FA9] =	sst s0  }
0x9: {  	[smem:$0x3FAA] =	sst s1  }
0xa: {  	[smem:$0x3FAB] =	sst s2  }
0xb: {  	[smem:$0x3FAC] =	sst s3  }
0xc: {  	[smem:$0x3FAD] =	sst s4  }
0xd: {  	[smem:$0x3FAE] =	sst s5  }
0xe: {  	[smem:$0x3FAF] =	sst s6  }
0xf: {  	[smem:$0x3FB0] =	sst s7  }
0x10: {  	[smem:$0x3FB1] =	sst s8  }
0x11: {  	[smem:$0x3FB2] =	sst s9;
	s0 =	simm.s32 @!p0 $0x0  }
0x12: {  	s1 =	sld [smem:$0x3F98];
	s0 =	simm.s32 @p0 $0x1  }
0x13: {  	[smem:$0x3FB3] =	sst s0;
	s0 =	simm.s32 @!p1 $0x0  }
0x14: {  	s2 =	sld [smem:$0x3F97];
	s0 =	simm.s32 @p1 $0x1  }
0x15: {  	[smem:$0x3FB4] =	sst s0;
	s0 =	simm.s32 @!p2 $0x0  }
0x16: {  	s3 =	sld [smem:$0x3FDB];
	s0 =	simm.s32 @p2 $0x1  }
0x17: {  	s4 =	simm.s32 $0x1BF5;
	[smem:$0x3FB6] =	sst s0  }
0x18: {  	s0 =	sld [smem:$0x3F99];
	_ =	swait.ge [sflag:s4], $0x0  }
0x19: {  	s7 =	sld [smem:$0x3F9A]  }
0x1a: {  	s8 =	sadd.s32 $0xFFFFE003, lr  }
0x1b: {  	s9 =	sadd.s32 $0xFFFFFEF7, lr;
	s5 =	simm.s32 $0xFFFFFFFF;
	p2 =	slt.u32 s8, $0xFFFFF086  }
0x1c: {  	p1 =	slt.u32 s9, $0xF7A;
	s5 =	simm.s32 @!p2 $0x0  }
0x1d: {  	s5 =	simm.s32 @p1 $0x1;
	p0 =	seq.s32 s7, s2  }
0x1e: {  	s7 =	smul.u32 @!p0 $0xF7A, s2;
	p2 =	seq.s32 @!p0 s5, $0x0  }
0x1f: {  	s9 =	smul.u32 $0xF7A, s1;
	s8 =	simm.s32 @!p0 $0x1BF5;
	p2 =	por !p2, p0  }
0x20: {  	[sflag:s8] =	ssyncset.s32 @!p0 $0xFFFFF086;
	s6 =	sadd.s32 @!p0 s3, s7;
	s7 =	simm.s32 @!p0 $0x108  }
0x21: {  	s3 =	sadd.s32 s3, s9;
	s6 =	sadd.s32 @!p0 $0x88, s6;
	s7 =	simm.s32 @p2 $0x1082  }
0x22: {  	[simem:s7], [sflag:s8] =	dma.local @!p0 [hbm:s6], $0xF7A  }
0x23: {  	s9 =	sor.u32 $0xD0000000, s2;
	s6 =	simm.s32 $0x108;
	_ =	swait.ge @!p0 [sflag:s8], $0x0  }
0x24: {  	s3 =	sadd.s32 $0x88, s3;
	s6 =	simm.s32 @!p1 $0x1082;
	[sflag:s4] =	ssyncset.s32 $0xFFFFF086  }
0x25: {  	[simem:s6], [sflag:s4] =	dma.local [hbm:s3], $0xF7A  }
0x26: {  	[smem:$0x3F9A] =	sst s1;
	(tag) =	ssettag s2;
	_ =	strace s9  }
0x27: {  	s1 =	sld [smem:$0x3FAA]  }
0x28: {  	s2 =	sld [smem:$0x3FAB]  }
0x29: {  	s4 =	sld [smem:$0x3FAD]  }
0x2a: {  	p0 =	seq.s32 s5, $0x0;
	s5 =	sld [smem:$0x3FAE]  }
0x2b: {  	s6 =	sld [smem:$0x3FAF]  }
0x2c: {  	s7 =	sld [smem:$0x3FB0]  }
0x2d: {  	s3 =	simm.s32 $0x108;
	s8 =	sld [smem:$0x3FB1]  }
0x2e: {  	s3 =	simm.s32 @!p0 $0x1082;
	s9 =	sld [smem:$0x3FB2]  }
0x2f: {  	lr =	sadd.s32 s0, s3;
	s0 =	sld [smem:$0x3FA9]  }
0x30: {  	s3 =	sld [smem:$0x3FAC]  }
0x31: {  	[smem:$0x3FB5] =	sst s10  }
0x32: {  	s10 =	sld [smem:$0x3FB3];
	_ =	sdelay $0x3  }
0x33: {  	p0 =	seq.s32 s10, $0x1;
	s10 =	sld [smem:$0x3FB5];
	_ =	sdelay $0x3  }
0x34: {  	[smem:$0x3FB5] =	sst s10  }
0x35: {  	s10 =	sld [smem:$0x3FB4];
	_ =	sdelay $0x3  }
0x36: {  	p1 =	seq.s32 s10, $0x1;
	s10 =	sld [smem:$0x3FB5];
	_ =	sdelay $0x3  }
0x37: {  	[smem:$0x3FB5] =	sst s10  }
0x38: {  	s10 =	sld [smem:$0x3FB6]  }
0x39: {  	_ = 	snop;
	(pc) =	sbr.ind lr, $3  }
0x3a: {  	_ = 	snop  }
0x3b: {  	_ = 	snop  }
0x3c: {  	p2 =	seq.s32 s10, $0x1;
	s10 =	sld [smem:$0x3FB5]  }
0x3d: {  	_ =	shalt  }
0x3e: {  	_ =	shalt  }
0x3f: {  	_ =	shalt  }
0x40: {  	_ =	shalt  }
0x41: {  	_ =	shalt  }
0x42: {  	_ =	shalt  }
0x43: {  	_ =	shalt  }
0x44: {  	_ =	shalt  }
0x45: {  	_ =	shalt  }
0x46: {  	_ =	shalt  }
0x47: {  	_ =	shalt  }
0x48: {  	_ =	shalt  }
0x49: {  	_ =	shalt  }
0x4a: {  	_ =	shalt  }
0x4b: {  	_ =	shalt  }
0x4c: {  	_ =	shalt  }
0x4d: {  	_ =	shalt  }
0x4e: {  	_ =	shalt  }
0x4f: {  	_ =	shalt  }
0x50: {  	_ =	shalt  }
0x51: {  	_ =	shalt  }
0x52: {  	_ =	shalt  }
0x53: {  	_ =	shalt  }
0x54: {  	_ =	shalt  }
0x55: {  	_ =	shalt  }
0x56: {  	_ =	shalt  }
0x57: {  	_ =	shalt  }
0x58: {  	_ =	shalt  }
0x59: {  	_ =	shalt  }
0x5a: {  	_ =	shalt  }
0x5b: {  	_ =	shalt  }
0x5c: {  	_ =	shalt  }
0x5d: {  	_ =	shalt  }
0x5e: {  	_ =	shalt  }
0x5f: {  	_ =	shalt  }
0x60: {  	_ =	shalt  }
0x61: {  	_ =	shalt  }
0x62: {  	_ =	shalt  }
0x63: {  	_ =	shalt  }
0x64: {  	_ =	shalt  }
0x65: {  	_ =	shalt  }
0x66: {  	_ =	shalt  }
0x67: {  	_ =	shalt  }
0x68: {  	_ =	shalt  }
0x69: {  	_ =	shalt  }
0x6a: {  	_ =	shalt  }
0x6b: {  	_ =	shalt  }
0x6c: {  	_ =	shalt  }
0x6d: {  	_ =	shalt  }
0x6e: {  	_ =	shalt  }
0x6f: {  	_ =	shalt  }
0x70: {  	_ =	shalt  }
0x71: {  	_ =	shalt  }
0x72: {  	_ =	shalt  }
0x73: {  	_ =	shalt  }
0x74: {  	_ =	shalt  }
0x75: {  	_ =	shalt  }
0x76: {  	_ =	shalt  }
0x77: {  	_ =	shalt  }
0x78: {  	_ =	shalt  }
0x79: {  	_ =	shalt  }
0x7a: {  	_ =	shalt  }
0x7b: {  	_ =	shalt  }
0x7c: {  	_ =	shalt  }
0x7d: {  	_ =	shalt  }
0x7e: {  	_ =	shalt  }
0x7f: {  	_ =	shalt  }
0x80: {  	_ =	shalt  }
0x81: {  	_ =	shalt  }
0x82: {  	_ =	shalt  }
0x83: {  	_ =	shalt  }
0x84: {  	_ =	shalt  }
0x85: {  	_ =	shalt  }
0x86: {  	_ =	shalt  }
0x87: {  	_ =	shalt  }
.Lfunc_end0:
.L_simem_size_0:
called_computation_lowered:
.L_overlay_start_0:
0x88: {  	s2 =	sld [smem:$0x3FD9]  }
0x89: {  	s3 =	sld [smem:$0x3FFE];
	_ =	sdelay $0x1  }
0x8a: {  	s1 =	srdreg.scid  }
0x8b: {  	s0 =	sand.u32 $0x1, s1  }
0x8c: {  	s17 =	sshll.u32 s0, $0xA;
	s2 =	sadd.s32 s3, s2  }
0x8d: {  	s2 =	sadd.s32 s2, s17  }
0x8e: {  	[smem:$0x3FC1] =	sst s2  }
0x8f: {  	_ = 	snop  }
0x90: {  	s2 =	sld [smem:$0x3FC9];
	(tm) =	ssettm $0x1  }
0x91: {  	s18 =	sld [smem:$0x3FFB];
	_ =	sdelay $0x3  }
0x92: {  	_ =	strace s18  }
0x93: {  	s3 =	sld [smem:$0x3FFC];
	_ =	sdelay $0x3  }
0x94: {  	_ =	strace s3  }
0x95: {  	s3 =	sld [smem:$0x3FFD];
	_ =	sdelay $0x3  }
0x96: {  	_ =	strace s3  }
0x97: {  	_ =	strace $0x8FFFFFFF  }
0x98: {  	s19 =	sld [smem:$0x3FDB];
	_ =	sdelay $0x1  }
0x99: {  	s4 =	simm.s32 $_scs_section_size  }
0x9a: {  	s5 =	simm.s32 $_size__tile_overlayer_lowered;
	s6 =	simm.s32 $_tile_overlayer_lowered  }
0x9b: {  	s22 =	simm.s32 $0x1BFF;
	s21 =	sshll.u32 s6, $0x1;
	s3 =	sadd.s32 s4, s19  }
0x9c: {  	s7 =	simm.s32 $0x0;
	s20 =	sshll.u32 s5, $0x1;
	s5 =	sadd.s32 s21, s3  }
0x9d: {  	[timem:s7], [sflag:s22] =	dma.local [hbm:s5], s20  }
0x9e: {  	_ =	swait.ge [sflag:s22], s20  }
0x9f: {  	s4 =	ssub.s32 $0x0, s20;
	[sflag:s22] =	ssyncset.done $0x0  }
0xa0: {  	[sflag:s22] =	ssyncadd.s32 s4;
	_ =	sdelay $0x1  }
0xa1: {  	s23 =	simm.s32 $0x1B8B  }
0xa2: {  	_ =	swait.ge [sflag:s23], $0x1  }
0xa3: {  	[sflag:s23] =	ssyncset.done $0x0  }
0xa4: {  	s25 =	simm.s32 $0x1B8E;
	s24 =	sld [smem:$0x3FFE];
	[sflag:s23] =	ssyncadd.s32 $0xFFFFFFFF  }
0xa5: {  	s26 =	simm.s32 $execute0_lowered;
	[smem:$0x3FD2] =	sst s25  }
0xa6: {  	s5 =	sshll.u32 s26, $0x1;
	_ =	strace $0x80000046;
	[dreg:$0x1] =	wrdreg $0xFFFFFFFF  }
0xa7: {  	s28 =	simm.s32 $_size_execute0_lowered;
	s3 =	sadd.s32 s3, s5;
	[dreg:$0x0] =	wrdreg $0x0  }
0xa8: {  	s5 =	sshll.u32 s28, $0x1;
	[dreg:$0x2] =	wrdreg s3  }
0xa9: {  	[dreg:$0x3] =	wrdreg s5  }
0xaa: {  	[dreg:$0x4] =	wrdreg $0xC0  }
0xab: {  	_ =	task [dreg:s7], $0x5FFFF  }
0xac: {  	[dreg:$0x1] =	wrdreg $0xFFFFFFFF  }
0xad: {  	[dreg:$0x0] =	wrdreg $0x60  }
0xae: {  	[dreg:$0x2] =	wrdreg s24  }
0xaf: {  	[dreg:$0x3] =	wrdreg s2  }
0xb0: {  	[dreg:$0x4] =	wrdreg $0x9  }
0xb1: {  	_ =	task.clear_ibuf [dreg:s7], $0x5FFFF;
	_ =	strace $0x90000046  }
0xb2: {  	s29 =	simm.s32 $0x9;
	_ =	strace $0x80000048  }
0xb3: {  	_ =	swait.ge [sflag:s29], $0x1  }
0xb4: {  	[sflag:s29] =	ssyncadd.s32 $0xFFFFFFFF  }
0xb5: {  	_ =	strace $0x90000048  }
0xb6: {  	_ =	sfence  }
0xb7: {  	s30 =	sld [smem:$0x0];
	_ =	sdelay $0x2  }
0xb8: {  	s31 =	sshll.u32 s1, $0xD;
	s1 =	sshrl.u32 s1, $0x2  }
0xb9: {  	s3 =	sand.u32 $0x4000, s31;
	s1 =	sadd.s32 s1, s30  }
0xba: {  	s0 =	sor.u32 s3, s0;
	s1 =	sshll.u32 s1, $0x11  }
0xbb: {  	s0 =	sor.u32 s1, s0  }
0xbc: {  	s0 =	sadd.s32 $0x8F2B, s0  }
0xbd: {  	[sflag:s0] =	ssyncadd.remote.s32 $0x1  }
0xbe: {  	_ =	sfence.sel $0xFFFF  }
0xbf: {  	[dreg:$0x0] =	wrdreg $0xFFFFFFFF;
	(pc) =	sbr.abs _section_cstart, $3  }
0xc0: {  	[dreg:$0x1] =	wrdreg $0xFFFFFFFF  }
0xc1: {  	_ =	task.clear_ibuf [dreg:s7], $0x2FFFF;
	_ =	strace $0x9FFFFFFF  }
0xc2: {  	(tm) =	ssettm $0x7FFFFFFF  }
0xc3: {  	_ =	shalt  }
tec
execute0_lowered:
.L_overlay_start_1:
0x0: {  	(tag) =	ssettag $0x1  }
0x1: {  	s0 =	rddreg [dreg:$0x0]  }
0x2: {  	s1 =	srdreg.scid;
	s10 =	stileid.u32  }
0x3: {  	s11 =	rddreg [dreg:$0x1];
	s3 =	simm.s32 $0x0;
	s28 =	simm.s32 $0x2710  }
0x4: {  	s12 =	simm.s32 $0x38B0;
	s30 =	simm.s32 $0x3710;
	s29 =	simm.s32 $0x2  }
0x5: {  	s31 =	simm.s32 $0x1;
	s1 =	sand.u32 $0x1, s1;
	s2 =	sshll.u32 s10, $0x1  }
0x6: {  	[smem:$0x7FF] =	sst s3;
	s5 =	sadd.s32 $0x53400, s0;
	s6 =	sadd.s32 $0x53A00, s0  }
0x7: {  	s20 =	smul.u32 $0xC0, s10;
	s2 =	sor.u32 s1, s2;
	_ =	strace $0x80000047  }
0x8: {  	[dreg:$0x3] =	wrdreg s5;
	s8 =	ssub.s32 $0x2, s1;
	s1 =	smul.u32 $0x60, s1  }
0x9: {  	s5 =	sadd.s32 $0x2200, s0;
	s4 =	smul.u32 $0x180, s2;
	s7 =	sshll.u32 s2, $0xA  }
0xa: {  	s17 =	sshrl.u32 s8, $0x1;
	s9 =	smul.u32 $0xC00, s2;
	s18 =	sshll.u32 s2, $0x2  }
0xb: {  	s2 =	smul.u32 $0x6000, s2;
	s1 =	sadd.s32 s1, s20;
	s4 =	sadd.s32 s4, s0  }
0xc: {  	s0 =	sadd.s32 s7, s0;
	s7 =	ssub.s32 s8, s17;
	s8 =	sadd.s32 s11, s18  }
0xd: {  	s2 =	sshrl.u32 s2, $0x3;
	s17 =	sand.u32 $0x3E0, s1;
	s24 =	sadd.s32 $0x20, s1  }
0xe: {  	s20 =	sor.u32 $0x18, s1;
	s25 =	sadd.s32 $0x40, s1;
	[dreg:$0x4] =	wrdreg s8  }
0xf: {  	s4 =	sadd.s32 $0x50400, s4;
	s8 =	sadd.s32 s6, s9;
	s2 =	sadd.s32 s6, s2  }
0x10: {  	s16 =	sadd.s32 $0x6BA00, s0;
	[dreg:$0x5] =	wrdreg s4;
	s19 =	sadd.s32 $0x180, s8  }
0x11: {  	s18 =	smax.u32 s7, $0x1;
	s9 =	sadd.s32 $0x300, s8;
	[dreg:$0x6] =	wrdreg s19  }
0x12: {  	s0 =	sand.u32 $0x3E0, s24;
	s6 =	sadd.s32 $0x480, s2;
	[dreg:$0x7] =	wrdreg s9  }
0x13: {  	s26 =	sand.u32 $0x3E0, s25;
	s21 =	sadd.s32 $0x600, s2;
	[dreg:$0x8] =	wrdreg s6  }
0x14: {  	s7 =	simm.s32 $0x3;
	s22 =	sadd.s32 $0x780, s2;
	[dreg:$0x9] =	wrdreg s21  }
0x15: {  	s23 =	sadd.s32 $0x900, s2;
	s2 =	sadd.s32 $0xA80, s2;
	[dreg:$0xa] =	wrdreg s22  }
0x16: {  	s24 =	sor.u32 $0x8, s26;
	s25 =	sor.u32 $0x14, s26;
	[dreg:$0xb] =	wrdreg s23  }
0x17: {  	v0 =	vlaneseq.u32;
	s26 =	simm.s32 $0x4;
	s4 =	simm.s32 $0x118B0;
	[dreg:$0xc] =	wrdreg s2  }
0x18: {  	v0 =	vmul.u32 $0xFFFFFFFF, v0;
	s19 =	sor.u32 $0xC, s17;
	s21 =	sor.u32 $0x4, s0;
	s22 =	sor.u32 $0x10, s0  }
0x19: {  	s23 =	sadd.s32 $0x3C, s1;
	s0 =	simm.s32 $0xC0;
	s1 =	simm.s32 $0x58B0  }
0x1a: {  	v0 =	vadd.s32 $0xF, v0;
	s2 =	simm.s32 $0x37D0;
	s6 =	simm.s32 $0x1D8B0;
	s9 =	simm.s32 $0x0  }
.LBB2_1:
0x1b: {  	s10 =	rddreg [dreg:$0x3]  }
0x1c: {  	[tilespmem:s3], [sflag:$0x4] =	stream.linear.gather [hbm4b:s10+s3], $0x2710, $0x38;
	[tilespmem:$0x1E4B0] =	vst v63  }
0x1d: {  	_ =	swait.ge [sflag:s26], $0x2710  }
0x1e: {  	[sflag:s26] =	ssyncset.done $0x0  }
0x1f: {  	[sflag:s26] =	ssyncadd.s32 $0xFFFFD8F0  }
0x20: {  	s14 =	rddreg [dreg:$0x1]  }
0x21: {  	[tilespmem:s28], [sflag:$0x4] =	stream.linear.gather [hbm4b:s14+s3], $0x400, $0x38;
	[tilespmem:$0x1E4B0] =	vst v63  }
0x22: {  	_ =	swait.ge [sflag:s26], $0x400  }
0x23: {  	[sflag:s26] =	ssyncset.done $0x0  }
0x24: {  	s11 =	simm.s32 $0x3890;
	s15 =	rddreg [dreg:$0x4];
	[sflag:s26] =	ssyncadd.s32 $0xFFFFFC00  }
0x25: {  	[tilespmem:s11], [sflag:$0x4] =	stream.linear.gather [hbm4b:s15+s3], $0x20, $0x38;
	[tilespmem:$0x1E4B0] =	vst v63  }
0x26: {  	_ =	swait.ge [sflag:s26], $0x20  }
0x27: {  	[sflag:s26] =	ssyncset.done $0x0  }
0x28: {  	s13 =	simm.s32 $0x20;
	[sflag:s26] =	ssyncadd.s32 $0xFFFFFFE0  }
0x29: {  	[tilespmem:s12], [sflag:$0x1] =	stream.indirect.gather [hbm4b:s5+s13], $0x100, s11, s13, $0xb8;
	[tilespmem:$0x1E4B0] =	vst v63  }
0x2a: {  	s15 =	simm.s32 $0x2B10;
	s14 =	rddreg [dreg:$0x5]  }
0x2b: {  	v1 =	vmov s17;
	[tilespmem:s15], [sflag:$0x4] =	stream.linear.gather [hbm4b:s14+s3], $0xC00, $0x38;
	[tilespmem:$0x1E4B0] =	vst v63  }
0x2c: {  	_ =	swait.ge [sflag:s26], $0xC00  }
0x2d: {  	[sflag:s26] =	ssyncset.done $0x0  }
0x2e: {  	s11 =	simm.s32 $0x2B20;
	[sflag:s26] =	ssyncadd.s32 $0xFFFFF400  }
0x2f: {  	v2 =	vld [tilespmem:s11+$0x0]  }
0x30: {  	v1 =	vld.idx.msk [tilespmem:v1+s28+$0x0], $0xffff;
	_ =	sdelay $0x1  }
0x31: {  	v3 =	vld [tilespmem:s11+$0xFFFFFFF0];
	_ =	sdelay $0x4  }
0x32: {  	v4 =	vld.idx.msk [tilespmem:v2+s3+$0x0], $0xffff  }
0x33: {  	v1 =	vld.idx.msk [tilespmem:v1+s3+$0x0], $0xffff;
	_ =	sdelay $0x1  }
0x34: {  	v5 =	vld.idx.msk [tilespmem:v3+s3+$0x0], $0xffff;
	_ =	sdelay $0x2  }
0x35: {  	v4 =	vsub.f32 v4, v1;
	_ =	sdelay $0x1  }
0x36: {  	v1 =	vsub.f32 v5, v1;
	v4 =	vand.u32 $0x7FFFFFFF, v4  }
0x37: {  	(xrf1) =	vsort.ascd.msk.f32 $0xffff, v4, v2  }
0x38: {  	v1 =	vand.u32 $0x7FFFFFFF, v1  }
0x39: {  	(xrf1) =	vsort.ascd.msk.f32 $0xffff, v1, v3;
	_ =	sdelay $0xb  }
0x3a: {  	v1, v3, _ =	vpop (xrf1)  }
0x3b: {  	s12 =	sadd.s32 $0x1, s17;
	v2 =	vperm.xlane v1, v0  }
0x3c: {  	s10 =	simm.s32 $0x40;
	s13 =	simm.s32 $0x80;
	s14 =	simm.s32 $0x0;
	v1 =	vmov s12;
	v3 =	vperm.xlane v3, v0;
	v5, v4, _ =	vpop (xrf1)  }
.LBB2_2:
0x3d: {  	p0 =	sne.s32 s13, $0x2C0;
	vm0 =	vle.f32 v5, v2  }
0x3e: {  	s15 =	sshra.s32 s14, $0x2;
	s14 =	smov.u32 s10;
	s10 =	smov.u32 s13;
	v2 =	vsel vm0, v4, v3  }
0x3f: {  	s11 =	sadd.s32 $0x20, s11;
	[tilespmem:s15+$0x3710] =	vst v2  }
0x40: {  	v2 =	vld [tilespmem:s11+$0x0]  }
0x41: {  	v1 =	vld.idx.msk [tilespmem:v1+s28+$0x0], $0xffff;
	_ =	sdelay $0x1  }
0x42: {  	v3 =	vld [tilespmem:s11+$0xFFFFFFF0];
	_ =	sdelay $0x4  }
0x43: {  	v4 =	vld.idx.msk [tilespmem:v2+s3+$0x0], $0xffff  }
0x44: {  	v1 =	vld.idx.msk [tilespmem:v1+s3+$0x0], $0xffff;
	_ =	sdelay $0x1  }
0x45: {  	v5 =	vld.idx.msk [tilespmem:v3+s3+$0x0], $0xffff;
	_ =	sdelay $0x3  }
0x46: {  	v4 =	vsub.f32 v4, v1;
	_ =	sdelay $0x1  }
0x47: {  	v1 =	vsub.f32 v5, v1;
	v4 =	vand.u32 $0x7FFFFFFF, v4  }
0x48: {  	(xrf1) =	vsort.ascd.msk.f32 $0xffff, v4, v2  }
0x49: {  	v1 =	vand.u32 $0x7FFFFFFF, v1  }
0x4a: {  	(xrf1) =	vsort.ascd.msk.f32 $0xffff, v1, v3;
	_ =	sdelay $0x9  }
.Ltmp0:
0x4b: {  	(pc) =	sbr.rel @p0 .LBB2_2-.Ltmp0, $4  }
0x4c: {  	_ = 	snop  }
0x4d: {  	v1, v3, _ =	vpop (xrf1)  }
0x4e: {  	s12 =	sadd.s32 $0x1, s12;
	v2 =	vperm.xlane v1, v0  }
0x4f: {  	s13 =	sadd.s32 $0x40, s13;
	v1 =	vmov s12;
	v3 =	vperm.xlane v3, v0;
	v5, v4, _ =	vpop (xrf1)  }
0x50: {  	vm0 =	vle.f32 v5, v2  }
0x51: {  	s12 =	sshra.s32 s14, $0x2;
	v2 =	vsel vm0, v4, v3  }
0x52: {  	s11 =	sadd.s32 $0x20, s11;
	[tilespmem:s12+$0x3710] =	vst v2  }
0x53: {  	v2 =	vld [tilespmem:s11+$0x0]  }
0x54: {  	v1 =	vld.idx.msk [tilespmem:v1+s28+$0x0], $0xffff;
	_ =	sdelay $0x1  }
0x55: {  	v3 =	vld [tilespmem:s11+$0xFFFFFFF0];
	_ =	sdelay $0x4  }
0x56: {  	v4 =	vld.idx.msk [tilespmem:v2+s3+$0x0], $0xffff  }
0x57: {  	v1 =	vld.idx.msk [tilespmem:v1+s3+$0x0], $0xffff;
	_ =	sdelay $0x1  }
0x58: {  	v5 =	vld.idx.msk [tilespmem:v3+s3+$0x0], $0xffff;
	_ =	sdelay $0x2  }
0x59: {  	v4 =	vsub.f32 v4, v1;
	_ =	sdelay $0x1  }
0x5a: {  	v1 =	vsub.f32 v5, v1;
	v4 =	vand.u32 $0x7FFFFFFF, v4  }
0x5b: {  	(xrf1) =	vsort.ascd.msk.f32 $0xffff, v4, v2  }
0x5c: {  	v1 =	vand.u32 $0x7FFFFFFF, v1  }
0x5d: {  	(xrf1) =	vsort.ascd.msk.f32 $0xffff, v1, v3;
	_ =	sdelay $0xb  }
0x5e: {  	v1, v2, _ =	vpop (xrf1)  }
0x5f: {  	v1 =	vperm.xlane v1, v0  }
0x60: {  	v2 =	vperm.xlane v2, v0;
	v3, v4, _ =	vpop (xrf1)  }
0x61: {  	vm15 =	vle.f32 v3, v1  }
0x62: {  	v1 =	vsel vm15, v4, v2;
	v2 =	vmov s19  }
0x63: {  	s10 =	sshra.s32 s10, $0x2  }
0x64: {  	s11 =	simm.s32 $0x2CA0;
	[tilespmem:s10+$0x3710] =	vst v1  }
0x65: {  	[tilespmem:s1], [sflag:$0x2] =	stream.indirect.gather [hbm4b:s5+s0], $0x100, s30, s0, $0xb8;
	[tilespmem:$0x1E4B0] =	vst v63  }
0x66: {  	v1 =	vld [tilespmem:s11+$0x0]  }
0x67: {  	v2 =	vld.idx.msk [tilespmem:v2+s28+$0x0], $0xffff;
	_ =	sdelay $0x1  }
0x68: {  	v3 =	vld [tilespmem:s11+$0xFFFFFFF0];
	_ =	sdelay $0x4  }
0x69: {  	v4 =	vld.idx.msk [tilespmem:v1+s3+$0x0], $0xffff  }
0x6a: {  	v2 =	vld.idx.msk [tilespmem:v2+s3+$0x0], $0xffff;
	_ =	sdelay $0x1  }
0x6b: {  	v5 =	vld.idx.msk [tilespmem:v3+s3+$0x0], $0xffff;
	_ =	sdelay $0x2  }
0x6c: {  	v4 =	vsub.f32 v4, v2;
	_ =	sdelay $0x1  }
0x6d: {  	v2 =	vsub.f32 v5, v2;
	v4 =	vand.u32 $0x7FFFFFFF, v4  }
0x6e: {  	(xrf1) =	vsort.ascd.msk.f32 $0xffff, v4, v1  }
0x6f: {  	v1 =	vand.u32 $0x7FFFFFFF, v2  }
0x70: {  	(xrf1) =	vsort.ascd.msk.f32 $0xffff, v1, v3;
	_ =	sdelay $0xb  }
0x71: {  	v1, v3, _ =	vpop (xrf1)  }
0x72: {  	s13 =	sadd.s32 $0x1, s19;
	v2 =	vperm.xlane v1, v0  }
0x73: {  	s14 =	simm.s32 $0x80;
	s12 =	simm.s32 $0x0;
	s10 =	simm.s32 $0x40;
	v1 =	vmov s13;
	v3 =	vperm.xlane v3, v0;
	v5, v4, _ =	vpop (xrf1)  }
.LBB2_4:
0x74: {  	p0 =	sne.s32 s14, $0x2C0;
	vm0 =	vle.f32 v5, v2  }
0x75: {  	s15 =	sshra.s32 s12, $0x2;
	s12 =	smov.u32 s10;
	s10 =	smov.u32 s14;
	v2 =	vsel vm0, v4, v3  }
0x76: {  	s11 =	sadd.s32 $0x20, s11;
	[tilespmem:s15+$0x37D0] =	vst v2  }
0x77: {  	v2 =	vld [tilespmem:s11+$0x0]  }
0x78: {  	v1 =	vld.idx.msk [tilespmem:v1+s28+$0x0], $0xffff;
	_ =	sdelay $0x1  }
0x79: {  	v3 =	vld [tilespmem:s11+$0xFFFFFFF0];
	_ =	sdelay $0x4  }
0x7a: {  	v4 =	vld.idx.msk [tilespmem:v2+s3+$0x0], $0xffff  }
0x7b: {  	v1 =	vld.idx.msk [tilespmem:v1+s3+$0x0], $0xffff;
	_ =	sdelay $0x1  }
0x7c: {  	v5 =	vld.idx.msk [tilespmem:v3+s3+$0x0], $0xffff;
	_ =	sdelay $0x3  }
0x7d: {  	v4 =	vsub.f32 v4, v1;
	_ =	sdelay $0x1  }
0x7e: {  	v1 =	vsub.f32 v5, v1;
	v4 =	vand.u32 $0x7FFFFFFF, v4  }
0x7f: {  	(xrf1) =	vsort.ascd.msk.f32 $0xffff, v4, v2  }
0x80: {  	v1 =	vand.u32 $0x7FFFFFFF, v1  }
0x81: {  	(xrf1) =	vsort.ascd.msk.f32 $0xffff, v1, v3;
	_ =	sdelay $0x9  }
.Ltmp1:
0x82: {  	(pc) =	sbr.rel @p0 .LBB2_4-.Ltmp1, $4  }
0x83: {  	_ = 	snop  }
0x84: {  	v1, v3, _ =	vpop (xrf1)  }
0x85: {  	s13 =	sadd.s32 $0x1, s13;
	v2 =	vperm.xlane v1, v0  }
0x86: {  	s14 =	sadd.s32 $0x40, s14;
	v1 =	vmov s13;
	v3 =	vperm.xlane v3, v0;
	v5, v4, _ =	vpop (xrf1)  }
0x87: {  	vm0 =	vle.f32 v5, v2  }
0x88: {  	s12 =	sshra.s32 s12, $0x2;
	v2 =	vsel vm0, v4, v3  }
0x89: {  	s11 =	sadd.s32 $0x20, s11;
	[tilespmem:s12+$0x37D0] =	vst v2  }
0x8a: {  	v2 =	vld [tilespmem:s11+$0x0]  }
0x8b: {  	v1 =	vld.idx.msk [tilespmem:v1+s28+$0x0], $0xffff;
	_ =	sdelay $0x1  }
0x8c: {  	v3 =	vld [tilespmem:s11+$0xFFFFFFF0];
	_ =	sdelay $0x4  }
0x8d: {  	v61 =	vld.idx.msk [tilespmem:v2+s3+$0x0], $0xffff  }
0x8e: {  	v1 =	vld.idx.msk [tilespmem:v1+s3+$0x0], $0xffff;
	_ =	sdelay $0x1  }
0x8f: {  	v62 =	vld.idx.msk [tilespmem:v3+s3+$0x0], $0xffff;
	_ =	sdelay $0x2  }
0x90: {  	v4 =	vsub.f32 v61, v1;
	_ =	sdelay $0x1  }
0x91: {  	v1 =	vsub.f32 v62, v1;
	v4 =	vand.u32 $0x7FFFFFFF, v4  }
0x92: {  	(xrf1) =	vsort.ascd.msk.f32 $0xffff, v4, v2  }
0x93: {  	v1 =	vand.u32 $0x7FFFFFFF, v1  }
0x94: {  	(xrf1) =	vsort.ascd.msk.f32 $0xffff, v1, v3;
	_ =	sdelay $0xb  }
0x95: {  	v1, v2, _ =	vpop (xrf1)  }
0x96: {  	v1 =	vperm.xlane v1, v0  }
0x97: {  	v2 =	vperm.xlane v2, v0;
	v3, v63, _ =	vpop (xrf1)  }
0x98: {  	vm15 =	vle.f32 v3, v1  }
0x99: {  	s10 =	sshra.s32 s10, $0x2;
	v1 =	vsel vm15, v63, v2  }
0x9a: {  	[tilespmem:s10+$0x37D0] =	vst v1  }
0x9b: {  	[tilespmem:s4], [sflag:$0x3] =	stream.indirect.gather [hbm4b:s5+s0], $0x100, s2, s0, $0xb8;
	[tilespmem:$0x1E4B0] =	vst v63  }
0x9c: {  	_ =	swait.ge [sflag:s29], $0xC000  }
0x9d: {  	s12 =	simm.s32 $0x60B0;
	[sflag:s29] =	ssyncset.done $0x0  }
0x9e: {  	s11 =	simm.s32 $0x1D8B0;
	s10 =	simm.s32 $0x0;
	[sflag:s29] =	ssyncadd.s32 $0xFFFF4000  }
.LBB2_6:
0x9f: {  	v2 =	vmov s12;
	_ =	sdelay $0x3  }
0xa0: {  	s13 =	simm.s32 $0x0  }
0xa1: {  	v1 =	vmov s11;
	s14 =	simm.s32 $0x40;
	v3 =	vld.idx.msk [tilespmem:v2+s13+$0xFFFFF900 ss:$0x1], $0xffff  }
.LBB2_7:
0xa2: {  	p0 =	sne.s32 s14, $0x3C0;
	v4 =	vld.idx.msk [tilespmem:v2+s13+$0xFFFFF800 ss:$0x1], $0xffff;
	_ =	sdelay $0x1  }
0xa3: {  	v5 =	vld.idx.msk [tilespmem:v2+s13+$0xFFFFFA00 ss:$0x1], $0xffff;
	_ =	sdelay $0x1  }
0xa4: {  	v6 =	vld.idx.msk [tilespmem:v2+s13+$0xFFFFFB00 ss:$0x1], $0xffff;
	_ =	sdelay $0x1  }
0xa5: {  	v3 =	vadd.f32 v3, v4;
	v4 =	vld.idx.msk [tilespmem:v2+s13+$0xFFFFFC00 ss:$0x1], $0xffff;
	_ =	sdelay $0x1  }
0xa6: {  	v3 =	vadd.f32 v5, v3;
	v5 =	vld.idx.msk [tilespmem:v2+s13+$0xFFFFFD00 ss:$0x1], $0xffff;
	_ =	sdelay $0x1  }
0xa7: {  	v3 =	vadd.f32 v6, v3;
	v6 =	vld.idx.msk [tilespmem:v2+s13+$0xFFFFFE00 ss:$0x1], $0xffff;
	_ =	sdelay $0x1  }
0xa8: {  	v3 =	vadd.f32 v4, v3;
	v4 =	vld.idx.msk [tilespmem:v2+s13+$0xFFFFFF00 ss:$0x1], $0xffff;
	_ =	sdelay $0x1  }
0xa9: {  	v3 =	vadd.f32 v5, v3;
	v5 =	vld.idx.msk [tilespmem:v2+s13+$0x0 ss:$0x1], $0xffff;
	_ =	sdelay $0x1  }
0xaa: {  	v3 =	vadd.f32 v6, v3;
	v6 =	vld.idx.msk [tilespmem:v2+s13+$0x100 ss:$0x1], $0xffff;
	_ =	sdelay $0x1  }
0xab: {  	v3 =	vadd.f32 v4, v3;
	v4 =	vld.idx.msk [tilespmem:v2+s13+$0x200 ss:$0x1], $0xffff;
	_ =	sdelay $0x1  }
0xac: {  	v3 =	vadd.f32 v5, v3;
	v5 =	vld.idx.msk [tilespmem:v2+s13+$0x300 ss:$0x1], $0xffff;
	_ =	sdelay $0x1  }
0xad: {  	v3 =	vadd.f32 v6, v3;
	v6 =	vld.idx.msk [tilespmem:v2+s13+$0x400 ss:$0x1], $0xffff;
	_ =	sdelay $0x1  }
0xae: {  	v3 =	vadd.f32 v4, v3;
	v4 =	vld.idx.msk [tilespmem:v2+s13+$0x500 ss:$0x1], $0xffff;
	_ =	sdelay $0x1  }
0xaf: {  	v3 =	vadd.f32 v5, v3;
	v5 =	vld.idx.msk [tilespmem:v2+s13+$0x600 ss:$0x1], $0xffff;
	_ =	sdelay $0x1  }
0xb0: {  	v3 =	vadd.f32 v6, v3;
	v6 =	vld.idx.msk [tilespmem:v2+s13+$0x700 ss:$0x1], $0xffff;
	_ =	sdelay $0x1  }
0xb1: {  	v3 =	vadd.f32 v4, v3;
	_ =	sdelay $0x1  }
0xb2: {  	v3 =	vadd.f32 v5, v3;
	_ =	sdelay $0x1  }
0xb3: {  	v3 =	vadd.f32 v6, v3  }
.Ltmp2:
0xb4: {  	(pc) =	sbr.rel @p0 .LBB2_7-.Ltmp2, $3  }
0xb5: {  	v3 =	vmul.f32 $6.250000000e-02, v3;
	_ =	sdelay $0x1  }
0xb6: {  	[tilespmem:v1+s13+$0x0 ss:$0x1] =	vst.idx.msk $0xffff, v3;
	s13 =	sshra.s32 s14, $0x2  }
0xb7: {  	s14 =	sadd.s32 $0x40, s14;
	v3 =	vld.idx.msk [tilespmem:v2+s13+$0xFFFFF900 ss:$0x1], $0xffff  }
0xb8: {  	_ =	sdelay $0x3  }
0xb9: {  	v4 =	vld.idx.msk [tilespmem:v2+s13+$0xFFFFF800 ss:$0x1], $0xffff;
	_ =	sdelay $0x1  }
0xba: {  	v5 =	vld.idx.msk [tilespmem:v2+s13+$0xFFFFFA00 ss:$0x1], $0xffff;
	_ =	sdelay $0x1  }
0xbb: {  	v6 =	vld.idx.msk [tilespmem:v2+s13+$0xFFFFFB00 ss:$0x1], $0xffff  }
0xbc: {  	v3 =	vadd.f32 v3, v4  }
0xbd: {  	v53 =	vld.idx.msk [tilespmem:v2+s13+$0xFFFFFC00 ss:$0x1], $0xffff  }
0xbe: {  	v3 =	vadd.f32 v5, v3  }
0xbf: {  	v54 =	vld.idx.msk [tilespmem:v2+s13+$0xFFFFFD00 ss:$0x1], $0xffff  }
0xc0: {  	v3 =	vadd.f32 v6, v3  }
0xc1: {  	v55 =	vld.idx.msk [tilespmem:v2+s13+$0xFFFFFE00 ss:$0x1], $0xffff  }
0xc2: {  	v3 =	vadd.f32 v53, v3  }
0xc3: {  	v56 =	vld.idx.msk [tilespmem:v2+s13+$0xFFFFFF00 ss:$0x1], $0xffff  }
0xc4: {  	v3 =	vadd.f32 v54, v3  }
0xc5: {  	v57 =	vld.idx.msk [tilespmem:v2+s13+$0x0 ss:$0x1], $0xffff  }
0xc6: {  	v3 =	vadd.f32 v55, v3  }
0xc7: {  	v58 =	vld.idx.msk [tilespmem:v2+s13+$0x100 ss:$0x1], $0xffff  }
0xc8: {  	v3 =	vadd.f32 v56, v3  }
0xc9: {  	v59 =	vld.idx.msk [tilespmem:v2+s13+$0x200 ss:$0x1], $0xffff  }
0xca: {  	v3 =	vadd.f32 v57, v3  }
0xcb: {  	v60 =	vld.idx.msk [tilespmem:v2+s13+$0x300 ss:$0x1], $0xffff  }
0xcc: {  	v3 =	vadd.f32 v58, v3  }
0xcd: {  	v61 =	vld.idx.msk [tilespmem:v2+s13+$0x400 ss:$0x1], $0xffff  }
0xce: {  	v3 =	vadd.f32 v59, v3  }
0xcf: {  	v62 =	vld.idx.msk [tilespmem:v2+s13+$0x500 ss:$0x1], $0xffff  }
0xd0: {  	v3 =	vadd.f32 v60, v3  }
0xd1: {  	v63 =	vld.idx.msk [tilespmem:v2+s13+$0x600 ss:$0x1], $0xffff  }
0xd2: {  	v3 =	vadd.f32 v61, v3  }
0xd3: {  	v2 =	vld.idx.msk [tilespmem:v2+s13+$0x700 ss:$0x1], $0xffff  }
0xd4: {  	v3 =	vadd.f32 v62, v3;
	_ =	sdelay $0x1  }
0xd5: {  	s10 =	sadd.s32 $0x1, s10;
	v3 =	vadd.f32 v63, v3  }
0xd6: {  	p0 =	sne.s32 s10, $0xC  }
.Ltmp3:
0xd7: {  	v2 =	vadd.f32 v2, v3;
	(pc) =	sbr.rel @p0 .LBB2_6-.Ltmp3, $3  }
0xd8: {  	_ = 	snop  }
0xd9: {  	v2 =	vmul.f32 $6.250000000e-02, v2;
	_ =	sdelay $0x1  }
0xda: {  	s11 =	sadd.s32 $0x100, s11;
	s12 =	sadd.s32 $0x1000, s12;
	[tilespmem:v1+s13+$0x0 ss:$0x1] =	vst.idx.msk $0xffff, v2  }
0xdb: {  	s10 =	simm.s32 $0x0;
	s11 =	sand.u32 $0x3FF, s20  }
0xdc: {  	[hbm4b:s8+s10] =	stream.linear.scatter [tilespmem:s6], [sflag:$0x4], $0xC00, $0x38;
	v1 =	vmov s11;
	[tilespmem:$0x1E4B0] =	vst v63  }
0xdd: {  	_ =	swait.ge [sflag:s26], $0xC00  }
0xde: {  	[sflag:s26] =	ssyncset.done $0x0  }
0xdf: {  	s12 =	simm.s32 $0x2E20;
	[sflag:s26] =	ssyncadd.s32 $0xFFFFF400  }
0xe0: {  	v2 =	vld [tilespmem:s12+$0x0]  }
0xe1: {  	v1 =	vld.idx.msk [tilespmem:v1+s28+$0x0], $0xffff;
	_ =	sdelay $0x6  }
0xe2: {  	v3 =	vld.idx.msk [tilespmem:v2+s3+$0x0], $0xffff  }
0xe3: {  	v1 =	vld.idx.msk [tilespmem:v1+s3+$0x0], $0xffff;
	_ =	sdelay $0x3  }
0xe4: {  	v4 =	vld [tilespmem:s12+$0xFFFFFFF0]  }
0xe5: {  	v3 =	vsub.f32 v3, v1;
	_ =	sdelay $0x1  }
0xe6: {  	v3 =	vand.u32 $0x7FFFFFFF, v3  }
0xe7: {  	(xrf1) =	vsort.ascd.msk.f32 $0xffff, v3, v2;
	_ =	sdelay $0x3  }
0xe8: {  	v2 =	vld.idx.msk [tilespmem:v4+s3+$0x0], $0xffff;
	_ =	sdelay $0x4  }
0xe9: {  	v1 =	vsub.f32 v2, v1;
	_ =	sdelay $0x3  }
0xea: {  	v2 =	vand.u32 $0x7FFFFFFF, v1  }
0xeb: {  	v3, v1, _ =	vpop (xrf1);
	(xrf1) =	vsort.ascd.msk.f32 $0xffff, v2, v4;
	_ =	sdelay $0xb  }
0xec: {  	s13 =	sadd.s32 $0x1, s20  }
0xed: {  	s14 =	simm.s32 $0x80;
	s11 =	simm.s32 $0x40;
	s15 =	sand.u32 $0x3FF, s13;
	v2 =	vperm.xlane v3, v0  }
.LBB2_10:
0xee: {  	p0 =	sne.s32 s14, $0x2C0;
	v3 =	vmov s15;
	v1 =	vperm.xlane v1, v0;
	v4, v5, _ =	vpop (xrf1)  }
0xef: {  	vm0 =	vle.f32 v4, v2  }
0xf0: {  	s15 =	sshra.s32 s10, $0x2;
	s10 =	smov.u32 s11;
	s11 =	smov.u32 s14;
	v1 =	vsel vm0, v5, v1  }
0xf1: {  	s12 =	sadd.s32 $0x20, s12;
	[tilespmem:s15+$0x3710] =	vst v1  }
0xf2: {  	v1 =	vld [tilespmem:s12+$0x0]  }
0xf3: {  	v2 =	vld.idx.msk [tilespmem:v3+s28+$0x0], $0xffff;
	_ =	sdelay $0x1  }
0xf4: {  	v3 =	vld [tilespmem:s12+$0xFFFFFFF0];
	_ =	sdelay $0x4  }
0xf5: {  	v4 =	vld.idx.msk [tilespmem:v1+s3+$0x0], $0xffff  }
0xf6: {  	v2 =	vld.idx.msk [tilespmem:v2+s3+$0x0], $0xffff;
	_ =	sdelay $0x1  }
0xf7: {  	v5 =	vld.idx.msk [tilespmem:v3+s3+$0x0], $0xffff;
	_ =	sdelay $0x3  }
0xf8: {  	v4 =	vsub.f32 v4, v2;
	_ =	sdelay $0x1  }
0xf9: {  	v2 =	vsub.f32 v5, v2;
	v4 =	vand.u32 $0x7FFFFFFF, v4  }
0xfa: {  	(xrf1) =	vsort.ascd.msk.f32 $0xffff, v4, v1  }
0xfb: {  	v1 =	vand.u32 $0x7FFFFFFF, v2  }
0xfc: {  	(xrf1) =	vsort.ascd.msk.f32 $0xffff, v1, v3;
	_ =	sdelay $0x8  }
.Ltmp4:
0xfd: {  	(pc) =	sbr.rel @p0 .LBB2_10-.Ltmp4, $3  }
0xfe: {  	_ =	sdelay $0x1  }
0xff: {  	s13 =	sadd.s32 $0x1, s13;
	v2, v1, _ =	vpop (xrf1)  }
0x100: {  	s14 =	sadd.s32 $0x40, s14;
	s15 =	sand.u32 $0x3FF, s13;
	v2 =	vperm.xlane v2, v0  }
0x101: {  	v3 =	vmov s15;
	v1 =	vperm.xlane v1, v0;
	v4, v5, _ =	vpop (xrf1)  }
0x102: {  	vm0 =	vle.f32 v4, v2  }
0x103: {  	s10 =	sshra.s32 s10, $0x2;
	v1 =	vsel vm0, v5, v1  }
0x104: {  	s14 =	sadd.s32 $0x20, s12;
	[tilespmem:s10+$0x3710] =	vst v1  }
0x105: {  	v1 =	vld [tilespmem:s14+$0x0]  }
0x106: {  	v2 =	vld.idx.msk [tilespmem:v3+s28+$0x0], $0xffff;
	_ =	sdelay $0x1  }
0x107: {  	v3 =	vld [tilespmem:s14+$0xFFFFFFF0];
	_ =	sdelay $0x4  }
0x108: {  	v61 =	vld.idx.msk [tilespmem:v1+s3+$0x0], $0xffff  }
0x109: {  	v2 =	vld.idx.msk [tilespmem:v2+s3+$0x0], $0xffff;
	_ =	sdelay $0x1  }
0x10a: {  	v62 =	vld.idx.msk [tilespmem:v3+s3+$0x0], $0xffff;
	_ =	sdelay $0x2  }
0x10b: {  	v4 =	vsub.f32 v61, v2;
	_ =	sdelay $0x1  }
0x10c: {  	v2 =	vsub.f32 v62, v2;
	v4 =	vand.u32 $0x7FFFFFFF, v4  }
0x10d: {  	(xrf1) =	vsort.ascd.msk.f32 $0xffff, v4, v1  }
0x10e: {  	v1 =	vand.u32 $0x7FFFFFFF, v2  }
0x10f: {  	(xrf1) =	vsort.ascd.msk.f32 $0xffff, v1, v3;
	_ =	sdelay $0xb  }
0x110: {  	v1, v2, _ =	vpop (xrf1)  }
0x111: {  	v1 =	vperm.xlane v1, v0  }
0x112: {  	v2 =	vperm.xlane v2, v0;
	v3, v63, _ =	vpop (xrf1)  }
0x113: {  	vm15 =	vle.f32 v3, v1  }
0x114: {  	s15 =	sshra.s32 s11, $0x2;
	v1 =	vsel vm15, v63, v2  }
0x115: {  	[tilespmem:s15+$0x3710] =	vst v1  }
0x116: {  	[tilespmem:s1], [sflag:$0x2] =	stream.indirect.gather [hbm4b:s5+s0], $0x100, s30, s0, $0xb8;
	[tilespmem:$0x1E4B0] =	vst v63  }
0x117: {  	_ =	swait.ge [sflag:s7], $0xC000  }
0x118: {  	s11 =	simm.s32 $0x1D8B0;
	[sflag:s7] =	ssyncset.done $0x0  }
0x119: {  	s12 =	simm.s32 $0x120B0;
	s10 =	simm.s32 $0x0;
	[sflag:s7] =	ssyncadd.s32 $0xFFFF4000  }
.LBB2_12:
0x11a: {  	v2 =	vmov s12;
	_ =	sdelay $0x3  }
0x11b: {  	s13 =	simm.s32 $0x0  }
0x11c: {  	v1 =	vmov s11;
	s14 =	simm.s32 $0x40;
	v3 =	vld.idx.msk [tilespmem:v2+s13+$0xFFFFF900 ss:$0x1], $0xffff  }
.LBB2_13:
0x11d: {  	p0 =	sne.s32 s14, $0x3C0;
	v4 =	vld.idx.msk [tilespmem:v2+s13+$0xFFFFF800 ss:$0x1], $0xffff;
	_ =	sdelay $0x1  }
0x11e: {  	v5 =	vld.idx.msk [tilespmem:v2+s13+$0xFFFFFA00 ss:$0x1], $0xffff;
	_ =	sdelay $0x1  }
0x11f: {  	v6 =	vld.idx.msk [tilespmem:v2+s13+$0xFFFFFB00 ss:$0x1], $0xffff;
	_ =	sdelay $0x1  }
0x120: {  	v3 =	vadd.f32 v3, v4;
	v4 =	vld.idx.msk [tilespmem:v2+s13+$0xFFFFFC00 ss:$0x1], $0xffff;
	_ =	sdelay $0x1  }
0x121: {  	v3 =	vadd.f32 v5, v3;
	v5 =	vld.idx.msk [tilespmem:v2+s13+$0xFFFFFD00 ss:$0x1], $0xffff;
	_ =	sdelay $0x1  }
0x122: {  	v3 =	vadd.f32 v6, v3;
	v6 =	vld.idx.msk [tilespmem:v2+s13+$0xFFFFFE00 ss:$0x1], $0xffff;
	_ =	sdelay $0x1  }
0x123: {  	v3 =	vadd.f32 v4, v3;
	v4 =	vld.idx.msk [tilespmem:v2+s13+$0xFFFFFF00 ss:$0x1], $0xffff;
	_ =	sdelay $0x1  }
0x124: {  	v3 =	vadd.f32 v5, v3;
	v5 =	vld.idx.msk [tilespmem:v2+s13+$0x0 ss:$0x1], $0xffff;
	_ =	sdelay $0x1  }
0x125: {  	v3 =	vadd.f32 v6, v3;
	v6 =	vld.idx.msk [tilespmem:v2+s13+$0x100 ss:$0x1], $0xffff;
	_ =	sdelay $0x1  }
0x126: {  	v3 =	vadd.f32 v4, v3;
	v4 =	vld.idx.msk [tilespmem:v2+s13+$0x200 ss:$0x1], $0xffff;
	_ =	sdelay $0x1  }
0x127: {  	v3 =	vadd.f32 v5, v3;
	v5 =	vld.idx.msk [tilespmem:v2+s13+$0x300 ss:$0x1], $0xffff;
	_ =	sdelay $0x1  }
0x128: {  	v3 =	vadd.f32 v6, v3;
	v6 =	vld.idx.msk [tilespmem:v2+s13+$0x400 ss:$0x1], $0xffff;
	_ =	sdelay $0x1  }
0x129: {  	v3 =	vadd.f32 v4, v3;
	v4 =	vld.idx.msk [tilespmem:v2+s13+$0x500 ss:$0x1], $0xffff;
	_ =	sdelay $0x1  }
0x12a: {  	v3 =	vadd.f32 v5, v3;
	v5 =	vld.idx.msk [tilespmem:v2+s13+$0x600 ss:$0x1], $0xffff;
	_ =	sdelay $0x1  }
0x12b: {  	v3 =	vadd.f32 v6, v3;
	v6 =	vld.idx.msk [tilespmem:v2+s13+$0x700 ss:$0x1], $0xffff;
	_ =	sdelay $0x1  }
0x12c: {  	v3 =	vadd.f32 v4, v3;
	_ =	sdelay $0x1  }
0x12d: {  	v3 =	vadd.f32 v5, v3;
	_ =	sdelay $0x1  }
0x12e: {  	v3 =	vadd.f32 v6, v3  }
.Ltmp5:
0x12f: {  	(pc) =	sbr.rel @p0 .LBB2_13-.Ltmp5, $3  }
0x130: {  	v3 =	vmul.f32 $6.250000000e-02, v3;
	_ =	sdelay $0x1  }
0x131: {  	[tilespmem:v1+s13+$0x0 ss:$0x1] =	vst.idx.msk $0xffff, v3;
	s13 =	sshra.s32 s14, $0x2  }
0x132: {  	s14 =	sadd.s32 $0x40, s14;
	v3 =	vld.idx.msk [tilespmem:v2+s13+$0xFFFFF900 ss:$0x1], $0xffff  }
0x133: {  	_ =	sdelay $0x3  }
0x134: {  	v4 =	vld.idx.msk [tilespmem:v2+s13+$0xFFFFF800 ss:$0x1], $0xffff;
	_ =	sdelay $0x1  }
0x135: {  	v5 =	vld.idx.msk [tilespmem:v2+s13+$0xFFFFFA00 ss:$0x1], $0xffff;
	_ =	sdelay $0x1  }
0x136: {  	v6 =	vld.idx.msk [tilespmem:v2+s13+$0xFFFFFB00 ss:$0x1], $0xffff  }
0x137: {  	v3 =	vadd.f32 v3, v4  }
0x138: {  	v53 =	vld.idx.msk [tilespmem:v2+s13+$0xFFFFFC00 ss:$0x1], $0xffff  }
0x139: {  	v3 =	vadd.f32 v5, v3  }
0x13a: {  	v54 =	vld.idx.msk [tilespmem:v2+s13+$0xFFFFFD00 ss:$0x1], $0xffff  }
0x13b: {  	v3 =	vadd.f32 v6, v3  }
0x13c: {  	v55 =	vld.idx.msk [tilespmem:v2+s13+$0xFFFFFE00 ss:$0x1], $0xffff  }
0x13d: {  	v3 =	vadd.f32 v53, v3  }
0x13e: {  	v56 =	vld.idx.msk [tilespmem:v2+s13+$0xFFFFFF00 ss:$0x1], $0xffff  }
0x13f: {  	v3 =	vadd.f32 v54, v3  }
0x140: {  	v57 =	vld.idx.msk [tilespmem:v2+s13+$0x0 ss:$0x1], $0xffff  }
0x141: {  	v3 =	vadd.f32 v55, v3  }
0x142: {  	v58 =	vld.idx.msk [tilespmem:v2+s13+$0x100 ss:$0x1], $0xffff  }
0x143: {  	v3 =	vadd.f32 v56, v3  }
0x144: {  	v59 =	vld.idx.msk [tilespmem:v2+s13+$0x200 ss:$0x1], $0xffff  }
0x145: {  	v3 =	vadd.f32 v57, v3  }
0x146: {  	v60 =	vld.idx.msk [tilespmem:v2+s13+$0x300 ss:$0x1], $0xffff  }
0x147: {  	v3 =	vadd.f32 v58, v3  }
0x148: {  	v61 =	vld.idx.msk [tilespmem:v2+s13+$0x400 ss:$0x1], $0xffff  }
0x149: {  	v3 =	vadd.f32 v59, v3  }
0x14a: {  	v62 =	vld.idx.msk [tilespmem:v2+s13+$0x500 ss:$0x1], $0xffff  }
0x14b: {  	v3 =	vadd.f32 v60, v3  }
0x14c: {  	v63 =	vld.idx.msk [tilespmem:v2+s13+$0x600 ss:$0x1], $0xffff  }
0x14d: {  	v3 =	vadd.f32 v61, v3  }
0x14e: {  	v2 =	vld.idx.msk [tilespmem:v2+s13+$0x700 ss:$0x1], $0xffff  }
0x14f: {  	v3 =	vadd.f32 v62, v3;
	_ =	sdelay $0x1  }
0x150: {  	s10 =	sadd.s32 $0x1, s10;
	v3 =	vadd.f32 v63, v3  }
0x151: {  	p0 =	sne.s32 s10, $0xC  }
.Ltmp6:
0x152: {  	v2 =	vadd.f32 v2, v3;
	(pc) =	sbr.rel @p0 .LBB2_12-.Ltmp6, $3  }
0x153: {  	_ = 	snop  }
0x154: {  	v2 =	vmul.f32 $6.250000000e-02, v2;
	_ =	sdelay $0x1  }
0x155: {  	s11 =	sadd.s32 $0x100, s11;
	s12 =	sadd.s32 $0x1000, s12;
	[tilespmem:v1+s13+$0x0 ss:$0x1] =	vst.idx.msk $0xffff, v2  }
0x156: {  	s10 =	simm.s32 $0x0;
	s11 =	rddreg [dreg:$0x6]  }
0x157: {  	v1 =	vmov s21;
	[hbm4b:s11+s10] =	stream.linear.scatter [tilespmem:s6], [sflag:$0x4], $0xC00, $0x38;
	[tilespmem:$0x1E4B0] =	vst v63  }
0x158: {  	_ =	swait.ge [sflag:s26], $0xC00  }
0x159: {  	[sflag:s26] =	ssyncset.done $0x0  }
0x15a: {  	s12 =	simm.s32 $0x2FA0;
	[sflag:s26] =	ssyncadd.s32 $0xFFFFF400  }
0x15b: {  	v2 =	vld [tilespmem:s12+$0x0]  }
0x15c: {  	v1 =	vld.idx.msk [tilespmem:v1+s28+$0x0], $0xffff;
	_ =	sdelay $0x1  }
0x15d: {  	v3 =	vld [tilespmem:s12+$0xFFFFFFF0];
	_ =	sdelay $0x4  }
0x15e: {  	v4 =	vld.idx.msk [tilespmem:v2+s3+$0x0], $0xffff  }
0x15f: {  	v1 =	vld.idx.msk [tilespmem:v1+s3+$0x0], $0xffff;
	_ =	sdelay $0x1  }
0x160: {  	v5 =	vld.idx.msk [tilespmem:v3+s3+$0x0], $0xffff;
	_ =	sdelay $0x2  }
0x161: {  	v4 =	vsub.f32 v4, v1;
	_ =	sdelay $0x1  }
0x162: {  	v1 =	vsub.f32 v5, v1;
	v4 =	vand.u32 $0x7FFFFFFF, v4  }
0x163: {  	(xrf1) =	vsort.ascd.msk.f32 $0xffff, v4, v2  }
0x164: {  	v1 =	vand.u32 $0x7FFFFFFF, v1  }
0x165: {  	(xrf1) =	vsort.ascd.msk.f32 $0xffff, v1, v3;
	_ =	sdelay $0xb  }
0x166: {  	v1, v3, _ =	vpop (xrf1)  }
0x167: {  	s13 =	sadd.s32 $0x1, s21;
	v2 =	vperm.xlane v1, v0  }
0x168: {  	s14 =	simm.s32 $0x80;
	s11 =	simm.s32 $0x40;
	v1 =	vmov s13;
	v3 =	vperm.xlane v3, v0;
	v5, v4, _ =	vpop (xrf1)  }
.LBB2_16:
0x169: {  	p0 =	sne.s32 s14, $0x2C0;
	vm0 =	vle.f32 v5, v2  }
0x16a: {  	s15 =	sshra.s32 s10, $0x2;
	s10 =	smov.u32 s11;
	s11 =	smov.u32 s14;
	v2 =	vsel vm0, v4, v3  }
0x16b: {  	s12 =	sadd.s32 $0x20, s12;
	[tilespmem:s15+$0x37D0] =	vst v2  }
0x16c: {  	v2 =	vld [tilespmem:s12+$0x0]  }
0x16d: {  	v1 =	vld.idx.msk [tilespmem:v1+s28+$0x0], $0xffff;
	_ =	sdelay $0x1  }
0x16e: {  	v3 =	vld [tilespmem:s12+$0xFFFFFFF0];
	_ =	sdelay $0x4  }
0x16f: {  	v4 =	vld.idx.msk [tilespmem:v2+s3+$0x0], $0xffff  }
0x170: {  	v1 =	vld.idx.msk [tilespmem:v1+s3+$0x0], $0xffff;
	_ =	sdelay $0x1  }
0x171: {  	v5 =	vld.idx.msk [tilespmem:v3+s3+$0x0], $0xffff;
	_ =	sdelay $0x3  }
0x172: {  	v4 =	vsub.f32 v4, v1;
	_ =	sdelay $0x1  }
0x173: {  	v1 =	vsub.f32 v5, v1;
	v4 =	vand.u32 $0x7FFFFFFF, v4  }
0x174: {  	(xrf1) =	vsort.ascd.msk.f32 $0xffff, v4, v2  }
0x175: {  	v1 =	vand.u32 $0x7FFFFFFF, v1  }
0x176: {  	(xrf1) =	vsort.ascd.msk.f32 $0xffff, v1, v3;
	_ =	sdelay $0x9  }
.Ltmp7:
0x177: {  	(pc) =	sbr.rel @p0 .LBB2_16-.Ltmp7, $4  }
0x178: {  	_ = 	snop  }
0x179: {  	v1, v3, _ =	vpop (xrf1)  }
0x17a: {  	s13 =	sadd.s32 $0x1, s13;
	v2 =	vperm.xlane v1, v0  }
0x17b: {  	s14 =	sadd.s32 $0x40, s14;
	v1 =	vmov s13;
	v3 =	vperm.xlane v3, v0;
	v5, v4, _ =	vpop (xrf1)  }
0x17c: {  	vm0 =	vle.f32 v5, v2  }
0x17d: {  	s10 =	sshra.s32 s10, $0x2;
	v2 =	vsel vm0, v4, v3  }
0x17e: {  	s14 =	sadd.s32 $0x20, s12;
	[tilespmem:s10+$0x37D0] =	vst v2  }
0x17f: {  	v2 =	vld [tilespmem:s14+$0x0]  }
0x180: {  	v1 =	vld.idx.msk [tilespmem:v1+s28+$0x0], $0xffff;
	_ =	sdelay $0x1  }
0x181: {  	v3 =	vld [tilespmem:s14+$0xFFFFFFF0];
	_ =	sdelay $0x4  }
0x182: {  	v61 =	vld.idx.msk [tilespmem:v2+s3+$0x0], $0xffff  }
0x183: {  	v1 =	vld.idx.msk [tilespmem:v1+s3+$0x0], $0xffff;
	_ =	sdelay $0x1  }
0x184: {  	v62 =	vld.idx.msk [tilespmem:v3+s3+$0x0], $0xffff;
	_ =	sdelay $0x2  }
0x185: {  	v4 =	vsub.f32 v61, v1;
	_ =	sdelay $0x1  }
0x186: {  	v1 =	vsub.f32 v62, v1;
	v4 =	vand.u32 $0x7FFFFFFF, v4  }
0x187: {  	(xrf1) =	vsort.ascd.msk.f32 $0xffff, v4, v2  }
0x188: {  	v1 =	vand.u32 $0x7FFFFFFF, v1  }
0x189: {  	(xrf1) =	vsort.ascd.msk.f32 $0xffff, v1, v3;
	_ =	sdelay $0xb  }
0x18a: {  	v1, v2, _ =	vpop (xrf1)  }
0x18b: {  	v1 =	vperm.xlane v1, v0  }
0x18c: {  	v2 =	vperm.xlane v2, v0;
	v3, v63, _ =	vpop (xrf1)  }
0x18d: {  	vm15 =	vle.f32 v3, v1  }
0x18e: {  	s15 =	sshra.s32 s11, $0x2;
	v1 =	vsel vm15, v63, v2  }
0x18f: {  	[tilespmem:s15+$0x37D0] =	vst v1  }
0x190: {  	[tilespmem:s4], [sflag:$0x3] =	stream.indirect.gather [hbm4b:s5+s0], $0x100, s2, s0, $0xb8;
	[tilespmem:$0x1E4B0] =	vst v63  }
0x191: {  	_ =	swait.ge [sflag:s29], $0xC000  }
0x192: {  	s11 =	simm.s32 $0x1D8B0;
	[sflag:s29] =	ssyncset.done $0x0  }
0x193: {  	s12 =	simm.s32 $0x60B0;
	s10 =	simm.s32 $0x0;
	[sflag:s29] =	ssyncadd.s32 $0xFFFF4000  }
.LBB2_18:
0x194: {  	v2 =	vmov s12;
	_ =	sdelay $0x3  }
0x195: {  	s13 =	simm.s32 $0x0  }
0x196: {  	v1 =	vmov s11;
	s14 =	simm.s32 $0x40;
	v3 =	vld.idx.msk [tilespmem:v2+s13+$0xFFFFF900 ss:$0x1], $0xffff  }
.LBB2_19:
0x197: {  	p0 =	sne.s32 s14, $0x3C0;
	v4 =	vld.idx.msk [tilespmem:v2+s13+$0xFFFFF800 ss:$0x1], $0xffff;
	_ =	sdelay $0x1  }
0x198: {  	v5 =	vld.idx.msk [tilespmem:v2+s13+$0xFFFFFA00 ss:$0x1], $0xffff;
	_ =	sdelay $0x1  }
0x199: {  	v6 =	vld.idx.msk [tilespmem:v2+s13+$0xFFFFFB00 ss:$0x1], $0xffff;
	_ =	sdelay $0x1  }
0x19a: {  	v3 =	vadd.f32 v3, v4;
	v4 =	vld.idx.msk [tilespmem:v2+s13+$0xFFFFFC00 ss:$0x1], $0xffff;
	_ =	sdelay $0x1  }
0x19b: {  	v3 =	vadd.f32 v5, v3;
	v5 =	vld.idx.msk [tilespmem:v2+s13+$0xFFFFFD00 ss:$0x1], $0xffff;
	_ =	sdelay $0x1  }
0x19c: {  	v3 =	vadd.f32 v6, v3;
	v6 =	vld.idx.msk [tilespmem:v2+s13+$0xFFFFFE00 ss:$0x1], $0xffff;
	_ =	sdelay $0x1  }
0x19d: {  	v3 =	vadd.f32 v4, v3;
	v4 =	vld.idx.msk [tilespmem:v2+s13+$0xFFFFFF00 ss:$0x1], $0xffff;
	_ =	sdelay $0x1  }
0x19e: {  	v3 =	vadd.f32 v5, v3;
	v5 =	vld.idx.msk [tilespmem:v2+s13+$0x0 ss:$0x1], $0xffff;
	_ =	sdelay $0x1  }
0x19f: {  	v3 =	vadd.f32 v6, v3;
	v6 =	vld.idx.msk [tilespmem:v2+s13+$0x100 ss:$0x1], $0xffff;
	_ =	sdelay $0x1  }
0x1a0: {  	v3 =	vadd.f32 v4, v3;
	v4 =	vld.idx.msk [tilespmem:v2+s13+$0x200 ss:$0x1], $0xffff;
	_ =	sdelay $0x1  }
0x1a1: {  	v3 =	vadd.f32 v5, v3;
	v5 =	vld.idx.msk [tilespmem:v2+s13+$0x300 ss:$0x1], $0xffff;
	_ =	sdelay $0x1  }
0x1a2: {  	v3 =	vadd.f32 v6, v3;
	v6 =	vld.idx.msk [tilespmem:v2+s13+$0x400 ss:$0x1], $0xffff;
	_ =	sdelay $0x1  }
0x1a3: {  	v3 =	vadd.f32 v4, v3;
	v4 =	vld.idx.msk [tilespmem:v2+s13+$0x500 ss:$0x1], $0xffff;
	_ =	sdelay $0x1  }
0x1a4: {  	v3 =	vadd.f32 v5, v3;
	v5 =	vld.idx.msk [tilespmem:v2+s13+$0x600 ss:$0x1], $0xffff;
	_ =	sdelay $0x1  }
0x1a5: {  	v3 =	vadd.f32 v6, v3;
	v6 =	vld.idx.msk [tilespmem:v2+s13+$0x700 ss:$0x1], $0xffff;
	_ =	sdelay $0x1  }
0x1a6: {  	v3 =	vadd.f32 v4, v3;
	_ =	sdelay $0x1  }
0x1a7: {  	v3 =	vadd.f32 v5, v3;
	_ =	sdelay $0x1  }
0x1a8: {  	v3 =	vadd.f32 v6, v3  }
.Ltmp8:
0x1a9: {  	(pc) =	sbr.rel @p0 .LBB2_19-.Ltmp8, $3  }
0x1aa: {  	v3 =	vmul.f32 $6.250000000e-02, v3;
	_ =	sdelay $0x1  }
0x1ab: {  	[tilespmem:v1+s13+$0x0 ss:$0x1] =	vst.idx.msk $0xffff, v3;
	s13 =	sshra.s32 s14, $0x2  }
0x1ac: {  	s14 =	sadd.s32 $0x40, s14;
	v3 =	vld.idx.msk [tilespmem:v2+s13+$0xFFFFF900 ss:$0x1], $0xffff  }
0x1ad: {  	_ =	sdelay $0x3  }
0x1ae: {  	v4 =	vld.idx.msk [tilespmem:v2+s13+$0xFFFFF800 ss:$0x1], $0xffff;
	_ =	sdelay $0x1  }
0x1af: {  	v5 =	vld.idx.msk [tilespmem:v2+s13+$0xFFFFFA00 ss:$0x1], $0xffff;
	_ =	sdelay $0x1  }
0x1b0: {  	v6 =	vld.idx.msk [tilespmem:v2+s13+$0xFFFFFB00 ss:$0x1], $0xffff  }
0x1b1: {  	v3 =	vadd.f32 v3, v4  }
0x1b2: {  	v53 =	vld.idx.msk [tilespmem:v2+s13+$0xFFFFFC00 ss:$0x1], $0xffff  }
0x1b3: {  	v3 =	vadd.f32 v5, v3  }
0x1b4: {  	v54 =	vld.idx.msk [tilespmem:v2+s13+$0xFFFFFD00 ss:$0x1], $0xffff  }
0x1b5: {  	v3 =	vadd.f32 v6, v3  }
0x1b6: {  	v55 =	vld.idx.msk [tilespmem:v2+s13+$0xFFFFFE00 ss:$0x1], $0xffff  }
0x1b7: {  	v3 =	vadd.f32 v53, v3  }
0x1b8: {  	v56 =	vld.idx.msk [tilespmem:v2+s13+$0xFFFFFF00 ss:$0x1], $0xffff  }
0x1b9: {  	v3 =	vadd.f32 v54, v3  }
0x1ba: {  	v57 =	vld.idx.msk [tilespmem:v2+s13+$0x0 ss:$0x1], $0xffff  }
0x1bb: {  	v3 =	vadd.f32 v55, v3  }
0x1bc: {  	v58 =	vld.idx.msk [tilespmem:v2+s13+$0x100 ss:$0x1], $0xffff  }
0x1bd: {  	v3 =	vadd.f32 v56, v3  }
0x1be: {  	v59 =	vld.idx.msk [tilespmem:v2+s13+$0x200 ss:$0x1], $0xffff  }
0x1bf: {  	v3 =	vadd.f32 v57, v3  }
0x1c0: {  	v60 =	vld.idx.msk [tilespmem:v2+s13+$0x300 ss:$0x1], $0xffff  }
0x1c1: {  	v3 =	vadd.f32 v58, v3  }
0x1c2: {  	v61 =	vld.idx.msk [tilespmem:v2+s13+$0x400 ss:$0x1], $0xffff  }
0x1c3: {  	v3 =	vadd.f32 v59, v3  }
0x1c4: {  	v62 =	vld.idx.msk [tilespmem:v2+s13+$0x500 ss:$0x1], $0xffff  }
0x1c5: {  	v3 =	vadd.f32 v60, v3  }
0x1c6: {  	v63 =	vld.idx.msk [tilespmem:v2+s13+$0x600 ss:$0x1], $0xffff  }
0x1c7: {  	v3 =	vadd.f32 v61, v3  }
0x1c8: {  	v2 =	vld.idx.msk [tilespmem:v2+s13+$0x700 ss:$0x1], $0xffff  }
0x1c9: {  	v3 =	vadd.f32 v62, v3;
	_ =	sdelay $0x1  }
0x1ca: {  	s10 =	sadd.s32 $0x1, s10;
	v3 =	vadd.f32 v63, v3  }
0x1cb: {  	p0 =	sne.s32 s10, $0xC  }
.Ltmp9:
0x1cc: {  	v2 =	vadd.f32 v2, v3;
	(pc) =	sbr.rel @p0 .LBB2_18-.Ltmp9, $3  }
0x1cd: {  	_ = 	snop  }
0x1ce: {  	v2 =	vmul.f32 $6.250000000e-02, v2;
	_ =	sdelay $0x1  }
0x1cf: {  	s11 =	sadd.s32 $0x100, s11;
	s12 =	sadd.s32 $0x1000, s12;
	[tilespmem:v1+s13+$0x0 ss:$0x1] =	vst.idx.msk $0xffff, v2  }
0x1d0: {  	s10 =	simm.s32 $0x0;
	s11 =	rddreg [dreg:$0x7]  }
0x1d1: {  	v1 =	vmov s22;
	[hbm4b:s11+s10] =	stream.linear.scatter [tilespmem:s6], [sflag:$0x4], $0xC00, $0x38;
	[tilespmem:$0x1E4B0] =	vst v63  }
0x1d2: {  	_ =	swait.ge [sflag:s26], $0xC00  }
0x1d3: {  	[sflag:s26] =	ssyncset.done $0x0  }
0x1d4: {  	s12 =	simm.s32 $0x3120;
	[sflag:s26] =	ssyncadd.s32 $0xFFFFF400  }
0x1d5: {  	v2 =	vld [tilespmem:s12+$0x0]  }
0x1d6: {  	v1 =	vld.idx.msk [tilespmem:v1+s28+$0x0], $0xffff;
	_ =	sdelay $0x1  }
0x1d7: {  	v3 =	vld [tilespmem:s12+$0xFFFFFFF0];
	_ =	sdelay $0x4  }
0x1d8: {  	v4 =	vld.idx.msk [tilespmem:v2+s3+$0x0], $0xffff  }
0x1d9: {  	v1 =	vld.idx.msk [tilespmem:v1+s3+$0x0], $0xffff;
	_ =	sdelay $0x1  }
0x1da: {  	v5 =	vld.idx.msk [tilespmem:v3+s3+$0x0], $0xffff;
	_ =	sdelay $0x2  }
0x1db: {  	v4 =	vsub.f32 v4, v1;
	_ =	sdelay $0x1  }
0x1dc: {  	v1 =	vsub.f32 v5, v1;
	v4 =	vand.u32 $0x7FFFFFFF, v4  }
0x1dd: {  	(xrf1) =	vsort.ascd.msk.f32 $0xffff, v4, v2  }
0x1de: {  	v1 =	vand.u32 $0x7FFFFFFF, v1  }
0x1df: {  	(xrf1) =	vsort.ascd.msk.f32 $0xffff, v1, v3;
	_ =	sdelay $0xb  }
0x1e0: {  	v1, v3, _ =	vpop (xrf1)  }
0x1e1: {  	s13 =	sadd.s32 $0x1, s22;
	v2 =	vperm.xlane v1, v0  }
0x1e2: {  	s14 =	simm.s32 $0x80;
	s11 =	simm.s32 $0x40;
	v1 =	vmov s13;
	v3 =	vperm.xlane v3, v0;
	v5, v4, _ =	vpop (xrf1)  }
.LBB2_22:
0x1e3: {  	p0 =	sne.s32 s14, $0x2C0;
	vm0 =	vle.f32 v5, v2  }
0x1e4: {  	s15 =	sshra.s32 s10, $0x2;
	s10 =	smov.u32 s11;
	s11 =	smov.u32 s14;
	v2 =	vsel vm0, v4, v3  }
0x1e5: {  	s12 =	sadd.s32 $0x20, s12;
	[tilespmem:s15+$0x3710] =	vst v2  }
0x1e6: {  	v2 =	vld [tilespmem:s12+$0x0]  }
0x1e7: {  	v1 =	vld.idx.msk [tilespmem:v1+s28+$0x0], $0xffff;
	_ =	sdelay $0x1  }
0x1e8: {  	v3 =	vld [tilespmem:s12+$0xFFFFFFF0];
	_ =	sdelay $0x4  }
0x1e9: {  	v4 =	vld.idx.msk [tilespmem:v2+s3+$0x0], $0xffff  }
0x1ea: {  	v1 =	vld.idx.msk [tilespmem:v1+s3+$0x0], $0xffff;
	_ =	sdelay $0x1  }
0x1eb: {  	v5 =	vld.idx.msk [tilespmem:v3+s3+$0x0], $0xffff;
	_ =	sdelay $0x3  }
0x1ec: {  	v4 =	vsub.f32 v4, v1;
	_ =	sdelay $0x1  }
0x1ed: {  	v1 =	vsub.f32 v5, v1;
	v4 =	vand.u32 $0x7FFFFFFF, v4  }
0x1ee: {  	(xrf1) =	vsort.ascd.msk.f32 $0xffff, v4, v2  }
0x1ef: {  	v1 =	vand.u32 $0x7FFFFFFF, v1  }
0x1f0: {  	(xrf1) =	vsort.ascd.msk.f32 $0xffff, v1, v3;
	_ =	sdelay $0x9  }
.Ltmp10:
0x1f1: {  	(pc) =	sbr.rel @p0 .LBB2_22-.Ltmp10, $4  }
0x1f2: {  	_ = 	snop  }
0x1f3: {  	v1, v3, _ =	vpop (xrf1)  }
0x1f4: {  	s13 =	sadd.s32 $0x1, s13;
	v2 =	vperm.xlane v1, v0  }
0x1f5: {  	s14 =	sadd.s32 $0x40, s14;
	v1 =	vmov s13;
	v3 =	vperm.xlane v3, v0;
	v5, v4, _ =	vpop (xrf1)  }
0x1f6: {  	vm0 =	vle.f32 v5, v2  }
0x1f7: {  	s10 =	sshra.s32 s10, $0x2;
	v2 =	vsel vm0, v4, v3  }
0x1f8: {  	s14 =	sadd.s32 $0x20, s12;
	[tilespmem:s10+$0x3710] =	vst v2  }
0x1f9: {  	v2 =	vld [tilespmem:s14+$0x0]  }
0x1fa: {  	v1 =	vld.idx.msk [tilespmem:v1+s28+$0x0], $0xffff;
	_ =	sdelay $0x1  }
0x1fb: {  	v3 =	vld [tilespmem:s14+$0xFFFFFFF0];
	_ =	sdelay $0x4  }
0x1fc: {  	v61 =	vld.idx.msk [tilespmem:v2+s3+$0x0], $0xffff  }
0x1fd: {  	v1 =	vld.idx.msk [tilespmem:v1+s3+$0x0], $0xffff;
	_ =	sdelay $0x1  }
0x1fe: {  	v62 =	vld.idx.msk [tilespmem:v3+s3+$0x0], $0xffff;
	_ =	sdelay $0x2  }
0x1ff: {  	v4 =	vsub.f32 v61, v1;
	_ =	sdelay $0x1  }
0x200: {  	v1 =	vsub.f32 v62, v1;
	v4 =	vand.u32 $0x7FFFFFFF, v4  }
0x201: {  	(xrf1) =	vsort.ascd.msk.f32 $0xffff, v4, v2  }
0x202: {  	v1 =	vand.u32 $0x7FFFFFFF, v1  }
0x203: {  	(xrf1) =	vsort.ascd.msk.f32 $0xffff, v1, v3;
	_ =	sdelay $0xb  }
0x204: {  	v1, v2, _ =	vpop (xrf1)  }
0x205: {  	v1 =	vperm.xlane v1, v0  }
0x206: {  	v2 =	vperm.xlane v2, v0;
	v3, v63, _ =	vpop (xrf1)  }
0x207: {  	vm15 =	vle.f32 v3, v1  }
0x208: {  	s15 =	sshra.s32 s11, $0x2;
	v1 =	vsel vm15, v63, v2  }
0x209: {  	[tilespmem:s15+$0x3710] =	vst v1  }
0x20a: {  	[tilespmem:s1], [sflag:$0x2] =	stream.indirect.gather [hbm4b:s5+s0], $0x100, s30, s0, $0xb8;
	[tilespmem:$0x1E4B0] =	vst v63  }
0x20b: {  	_ =	swait.ge [sflag:s7], $0xC000  }
0x20c: {  	s11 =	simm.s32 $0x1D8B0;
	[sflag:s7] =	ssyncset.done $0x0  }
0x20d: {  	s12 =	simm.s32 $0x120B0;
	s10 =	simm.s32 $0x0;
	[sflag:s7] =	ssyncadd.s32 $0xFFFF4000  }
.LBB2_24:
0x20e: {  	v2 =	vmov s12;
	_ =	sdelay $0x3  }
0x20f: {  	s13 =	simm.s32 $0x0  }
0x210: {  	v1 =	vmov s11;
	s14 =	simm.s32 $0x40;
	v3 =	vld.idx.msk [tilespmem:v2+s13+$0xFFFFF900 ss:$0x1], $0xffff  }
.LBB2_25:
0x211: {  	p0 =	sne.s32 s14, $0x3C0;
	v4 =	vld.idx.msk [tilespmem:v2+s13+$0xFFFFF800 ss:$0x1], $0xffff;
	_ =	sdelay $0x1  }
0x212: {  	v5 =	vld.idx.msk [tilespmem:v2+s13+$0xFFFFFA00 ss:$0x1], $0xffff;
	_ =	sdelay $0x1  }
0x213: {  	v6 =	vld.idx.msk [tilespmem:v2+s13+$0xFFFFFB00 ss:$0x1], $0xffff;
	_ =	sdelay $0x1  }
0x214: {  	v3 =	vadd.f32 v3, v4;
	v4 =	vld.idx.msk [tilespmem:v2+s13+$0xFFFFFC00 ss:$0x1], $0xffff;
	_ =	sdelay $0x1  }
0x215: {  	v3 =	vadd.f32 v5, v3;
	v5 =	vld.idx.msk [tilespmem:v2+s13+$0xFFFFFD00 ss:$0x1], $0xffff;
	_ =	sdelay $0x1  }
0x216: {  	v3 =	vadd.f32 v6, v3;
	v6 =	vld.idx.msk [tilespmem:v2+s13+$0xFFFFFE00 ss:$0x1], $0xffff;
	_ =	sdelay $0x1  }
0x217: {  	v3 =	vadd.f32 v4, v3;
	v4 =	vld.idx.msk [tilespmem:v2+s13+$0xFFFFFF00 ss:$0x1], $0xffff;
	_ =	sdelay $0x1  }
0x218: {  	v3 =	vadd.f32 v5, v3;
	v5 =	vld.idx.msk [tilespmem:v2+s13+$0x0 ss:$0x1], $0xffff;
	_ =	sdelay $0x1  }
0x219: {  	v3 =	vadd.f32 v6, v3;
	v6 =	vld.idx.msk [tilespmem:v2+s13+$0x100 ss:$0x1], $0xffff;
	_ =	sdelay $0x1  }
0x21a: {  	v3 =	vadd.f32 v4, v3;
	v4 =	vld.idx.msk [tilespmem:v2+s13+$0x200 ss:$0x1], $0xffff;
	_ =	sdelay $0x1  }
0x21b: {  	v3 =	vadd.f32 v5, v3;
	v5 =	vld.idx.msk [tilespmem:v2+s13+$0x300 ss:$0x1], $0xffff;
	_ =	sdelay $0x1  }
0x21c: {  	v3 =	vadd.f32 v6, v3;
	v6 =	vld.idx.msk [tilespmem:v2+s13+$0x400 ss:$0x1], $0xffff;
	_ =	sdelay $0x1  }
0x21d: {  	v3 =	vadd.f32 v4, v3;
	v4 =	vld.idx.msk [tilespmem:v2+s13+$0x500 ss:$0x1], $0xffff;
	_ =	sdelay $0x1  }
0x21e: {  	v3 =	vadd.f32 v5, v3;
	v5 =	vld.idx.msk [tilespmem:v2+s13+$0x600 ss:$0x1], $0xffff;
	_ =	sdelay $0x1  }
0x21f: {  	v3 =	vadd.f32 v6, v3;
	v6 =	vld.idx.msk [tilespmem:v2+s13+$0x700 ss:$0x1], $0xffff;
	_ =	sdelay $0x1  }
0x220: {  	v3 =	vadd.f32 v4, v3;
	_ =	sdelay $0x1  }
0x221: {  	v3 =	vadd.f32 v5, v3;
	_ =	sdelay $0x1  }
0x222: {  	v3 =	vadd.f32 v6, v3  }
.Ltmp11:
0x223: {  	(pc) =	sbr.rel @p0 .LBB2_25-.Ltmp11, $3  }
0x224: {  	v3 =	vmul.f32 $6.250000000e-02, v3;
	_ =	sdelay $0x1  }
0x225: {  	[tilespmem:v1+s13+$0x0 ss:$0x1] =	vst.idx.msk $0xffff, v3;
	s13 =	sshra.s32 s14, $0x2  }
0x226: {  	s14 =	sadd.s32 $0x40, s14;
	v3 =	vld.idx.msk [tilespmem:v2+s13+$0xFFFFF900 ss:$0x1], $0xffff  }
0x227: {  	_ =	sdelay $0x3  }
0x228: {  	v4 =	vld.idx.msk [tilespmem:v2+s13+$0xFFFFF800 ss:$0x1], $0xffff;
	_ =	sdelay $0x1  }
0x229: {  	v5 =	vld.idx.msk [tilespmem:v2+s13+$0xFFFFFA00 ss:$0x1], $0xffff;
	_ =	sdelay $0x1  }
0x22a: {  	v6 =	vld.idx.msk [tilespmem:v2+s13+$0xFFFFFB00 ss:$0x1], $0xffff  }
0x22b: {  	v3 =	vadd.f32 v3, v4  }
0x22c: {  	v53 =	vld.idx.msk [tilespmem:v2+s13+$0xFFFFFC00 ss:$0x1], $0xffff  }
0x22d: {  	v3 =	vadd.f32 v5, v3  }
0x22e: {  	v54 =	vld.idx.msk [tilespmem:v2+s13+$0xFFFFFD00 ss:$0x1], $0xffff  }
0x22f: {  	v3 =	vadd.f32 v6, v3  }
0x230: {  	v55 =	vld.idx.msk [tilespmem:v2+s13+$0xFFFFFE00 ss:$0x1], $0xffff  }
0x231: {  	v3 =	vadd.f32 v53, v3  }
0x232: {  	v56 =	vld.idx.msk [tilespmem:v2+s13+$0xFFFFFF00 ss:$0x1], $0xffff  }
0x233: {  	v3 =	vadd.f32 v54, v3  }
0x234: {  	v57 =	vld.idx.msk [tilespmem:v2+s13+$0x0 ss:$0x1], $0xffff  }
0x235: {  	v3 =	vadd.f32 v55, v3  }
0x236: {  	v58 =	vld.idx.msk [tilespmem:v2+s13+$0x100 ss:$0x1], $0xffff  }
0x237: {  	v3 =	vadd.f32 v56, v3  }
0x238: {  	v59 =	vld.idx.msk [tilespmem:v2+s13+$0x200 ss:$0x1], $0xffff  }
0x239: {  	v3 =	vadd.f32 v57, v3  }
0x23a: {  	v60 =	vld.idx.msk [tilespmem:v2+s13+$0x300 ss:$0x1], $0xffff  }
0x23b: {  	v3 =	vadd.f32 v58, v3  }
0x23c: {  	v61 =	vld.idx.msk [tilespmem:v2+s13+$0x400 ss:$0x1], $0xffff  }
0x23d: {  	v3 =	vadd.f32 v59, v3  }
0x23e: {  	v62 =	vld.idx.msk [tilespmem:v2+s13+$0x500 ss:$0x1], $0xffff  }
0x23f: {  	v3 =	vadd.f32 v60, v3  }
0x240: {  	v63 =	vld.idx.msk [tilespmem:v2+s13+$0x600 ss:$0x1], $0xffff  }
0x241: {  	v3 =	vadd.f32 v61, v3  }
0x242: {  	v2 =	vld.idx.msk [tilespmem:v2+s13+$0x700 ss:$0x1], $0xffff  }
0x243: {  	v3 =	vadd.f32 v62, v3;
	_ =	sdelay $0x1  }
0x244: {  	s10 =	sadd.s32 $0x1, s10;
	v3 =	vadd.f32 v63, v3  }
0x245: {  	p0 =	sne.s32 s10, $0xC  }
.Ltmp12:
0x246: {  	v2 =	vadd.f32 v2, v3;
	(pc) =	sbr.rel @p0 .LBB2_24-.Ltmp12, $3  }
0x247: {  	_ = 	snop  }
0x248: {  	v2 =	vmul.f32 $6.250000000e-02, v2;
	_ =	sdelay $0x1  }
0x249: {  	s11 =	sadd.s32 $0x100, s11;
	s12 =	sadd.s32 $0x1000, s12;
	[tilespmem:v1+s13+$0x0 ss:$0x1] =	vst.idx.msk $0xffff, v2  }
0x24a: {  	s10 =	simm.s32 $0x0;
	s11 =	sand.u32 $0x3FF, s23;
	s12 =	rddreg [dreg:$0x8]  }
0x24b: {  	[hbm4b:s12+s10] =	stream.linear.scatter [tilespmem:s6], [sflag:$0x4], $0xC00, $0x38;
	v1 =	vmov s11;
	[tilespmem:$0x1E4B0] =	vst v63  }
0x24c: {  	_ =	swait.ge [sflag:s26], $0xC00  }
0x24d: {  	[sflag:s26] =	ssyncset.done $0x0  }
0x24e: {  	s12 =	simm.s32 $0x32A0;
	[sflag:s26] =	ssyncadd.s32 $0xFFFFF400  }
0x24f: {  	v2 =	vld [tilespmem:s12+$0x0]  }
0x250: {  	v1 =	vld.idx.msk [tilespmem:v1+s28+$0x0], $0xffff;
	_ =	sdelay $0x6  }
0x251: {  	v3 =	vld.idx.msk [tilespmem:v2+s3+$0x0], $0xffff  }
0x252: {  	v1 =	vld.idx.msk [tilespmem:v1+s3+$0x0], $0xffff;
	_ =	sdelay $0x3  }
0x253: {  	v4 =	vld [tilespmem:s12+$0xFFFFFFF0]  }
0x254: {  	v3 =	vsub.f32 v3, v1;
	_ =	sdelay $0x1  }
0x255: {  	v3 =	vand.u32 $0x7FFFFFFF, v3  }
0x256: {  	(xrf1) =	vsort.ascd.msk.f32 $0xffff, v3, v2;
	_ =	sdelay $0x3  }
0x257: {  	v2 =	vld.idx.msk [tilespmem:v4+s3+$0x0], $0xffff;
	_ =	sdelay $0x4  }
0x258: {  	v1 =	vsub.f32 v2, v1;
	_ =	sdelay $0x3  }
0x259: {  	v2 =	vand.u32 $0x7FFFFFFF, v1  }
0x25a: {  	v3, v1, _ =	vpop (xrf1);
	(xrf1) =	vsort.ascd.msk.f32 $0xffff, v2, v4;
	_ =	sdelay $0xb  }
0x25b: {  	s13 =	sadd.s32 $0x1, s23  }
0x25c: {  	s14 =	simm.s32 $0x80;
	s11 =	simm.s32 $0x40;
	s15 =	sand.u32 $0x3FF, s13;
	v2 =	vperm.xlane v3, v0  }
.LBB2_28:
0x25d: {  	p0 =	sne.s32 s14, $0x2C0;
	v3 =	vmov s15;
	v1 =	vperm.xlane v1, v0;
	v4, v5, _ =	vpop (xrf1)  }
0x25e: {  	vm0 =	vle.f32 v4, v2  }
0x25f: {  	s15 =	sshra.s32 s10, $0x2;
	s10 =	smov.u32 s11;
	s11 =	smov.u32 s14;
	v1 =	vsel vm0, v5, v1  }
0x260: {  	s12 =	sadd.s32 $0x20, s12;
	[tilespmem:s15+$0x37D0] =	vst v1  }
0x261: {  	v1 =	vld [tilespmem:s12+$0x0]  }
0x262: {  	v2 =	vld.idx.msk [tilespmem:v3+s28+$0x0], $0xffff;
	_ =	sdelay $0x1  }
0x263: {  	v3 =	vld [tilespmem:s12+$0xFFFFFFF0];
	_ =	sdelay $0x4  }
0x264: {  	v4 =	vld.idx.msk [tilespmem:v1+s3+$0x0], $0xffff  }
0x265: {  	v2 =	vld.idx.msk [tilespmem:v2+s3+$0x0], $0xffff;
	_ =	sdelay $0x1  }
0x266: {  	v5 =	vld.idx.msk [tilespmem:v3+s3+$0x0], $0xffff;
	_ =	sdelay $0x3  }
0x267: {  	v4 =	vsub.f32 v4, v2;
	_ =	sdelay $0x1  }
0x268: {  	v2 =	vsub.f32 v5, v2;
	v4 =	vand.u32 $0x7FFFFFFF, v4  }
0x269: {  	(xrf1) =	vsort.ascd.msk.f32 $0xffff, v4, v1  }
0x26a: {  	v1 =	vand.u32 $0x7FFFFFFF, v2  }
0x26b: {  	(xrf1) =	vsort.ascd.msk.f32 $0xffff, v1, v3;
	_ =	sdelay $0x8  }
.Ltmp13:
0x26c: {  	(pc) =	sbr.rel @p0 .LBB2_28-.Ltmp13, $3  }
0x26d: {  	_ =	sdelay $0x1  }
0x26e: {  	s13 =	sadd.s32 $0x1, s13;
	v2, v1, _ =	vpop (xrf1)  }
0x26f: {  	s14 =	sadd.s32 $0x40, s14;
	s15 =	sand.u32 $0x3FF, s13;
	v2 =	vperm.xlane v2, v0  }
0x270: {  	v3 =	vmov s15;
	v1 =	vperm.xlane v1, v0;
	v4, v5, _ =	vpop (xrf1)  }
0x271: {  	vm0 =	vle.f32 v4, v2  }
0x272: {  	s10 =	sshra.s32 s10, $0x2;
	v1 =	vsel vm0, v5, v1  }
0x273: {  	s14 =	sadd.s32 $0x20, s12;
	[tilespmem:s10+$0x37D0] =	vst v1  }
0x274: {  	v1 =	vld [tilespmem:s14+$0x0]  }
0x275: {  	v2 =	vld.idx.msk [tilespmem:v3+s28+$0x0], $0xffff;
	_ =	sdelay $0x1  }
0x276: {  	v3 =	vld [tilespmem:s14+$0xFFFFFFF0];
	_ =	sdelay $0x4  }
0x277: {  	v61 =	vld.idx.msk [tilespmem:v1+s3+$0x0], $0xffff  }
0x278: {  	v2 =	vld.idx.msk [tilespmem:v2+s3+$0x0], $0xffff;
	_ =	sdelay $0x1  }
0x279: {  	v62 =	vld.idx.msk [tilespmem:v3+s3+$0x0], $0xffff;
	_ =	sdelay $0x2  }
0x27a: {  	v4 =	vsub.f32 v61, v2;
	_ =	sdelay $0x1  }
0x27b: {  	v2 =	vsub.f32 v62, v2;
	v4 =	vand.u32 $0x7FFFFFFF, v4  }
0x27c: {  	(xrf1) =	vsort.ascd.msk.f32 $0xffff, v4, v1  }
0x27d: {  	v1 =	vand.u32 $0x7FFFFFFF, v2  }
0x27e: {  	(xrf1) =	vsort.ascd.msk.f32 $0xffff, v1, v3;
	_ =	sdelay $0xb  }
0x27f: {  	v1, v2, _ =	vpop (xrf1)  }
0x280: {  	v1 =	vperm.xlane v1, v0  }
0x281: {  	v2 =	vperm.xlane v2, v0;
	v3, v63, _ =	vpop (xrf1)  }
0x282: {  	vm15 =	vle.f32 v3, v1  }
0x283: {  	s15 =	sshra.s32 s11, $0x2;
	v1 =	vsel vm15, v63, v2  }
0x284: {  	[tilespmem:s15+$0x37D0] =	vst v1  }
0x285: {  	[tilespmem:s4], [sflag:$0x3] =	stream.indirect.gather [hbm4b:s5+s0], $0x100, s2, s0, $0xb8;
	[tilespmem:$0x1E4B0] =	vst v63  }
0x286: {  	_ =	swait.ge [sflag:s29], $0xC000  }
0x287: {  	s11 =	simm.s32 $0x1D8B0;
	[sflag:s29] =	ssyncset.done $0x0  }
0x288: {  	s12 =	simm.s32 $0x60B0;
	s10 =	simm.s32 $0x0;
	[sflag:s29] =	ssyncadd.s32 $0xFFFF4000  }
.LBB2_30:
0x289: {  	v2 =	vmov s12;
	_ =	sdelay $0x3  }
0x28a: {  	s13 =	simm.s32 $0x0  }
0x28b: {  	v1 =	vmov s11;
	s14 =	simm.s32 $0x40;
	v3 =	vld.idx.msk [tilespmem:v2+s13+$0xFFFFF900 ss:$0x1], $0xffff  }
.LBB2_31:
0x28c: {  	p0 =	sne.s32 s14, $0x3C0;
	v4 =	vld.idx.msk [tilespmem:v2+s13+$0xFFFFF800 ss:$0x1], $0xffff;
	_ =	sdelay $0x1  }
0x28d: {  	v5 =	vld.idx.msk [tilespmem:v2+s13+$0xFFFFFA00 ss:$0x1], $0xffff;
	_ =	sdelay $0x1  }
0x28e: {  	v6 =	vld.idx.msk [tilespmem:v2+s13+$0xFFFFFB00 ss:$0x1], $0xffff;
	_ =	sdelay $0x1  }
0x28f: {  	v3 =	vadd.f32 v3, v4;
	v4 =	vld.idx.msk [tilespmem:v2+s13+$0xFFFFFC00 ss:$0x1], $0xffff;
	_ =	sdelay $0x1  }
0x290: {  	v3 =	vadd.f32 v5, v3;
	v5 =	vld.idx.msk [tilespmem:v2+s13+$0xFFFFFD00 ss:$0x1], $0xffff;
	_ =	sdelay $0x1  }
0x291: {  	v3 =	vadd.f32 v6, v3;
	v6 =	vld.idx.msk [tilespmem:v2+s13+$0xFFFFFE00 ss:$0x1], $0xffff;
	_ =	sdelay $0x1  }
0x292: {  	v3 =	vadd.f32 v4, v3;
	v4 =	vld.idx.msk [tilespmem:v2+s13+$0xFFFFFF00 ss:$0x1], $0xffff;
	_ =	sdelay $0x1  }
0x293: {  	v3 =	vadd.f32 v5, v3;
	v5 =	vld.idx.msk [tilespmem:v2+s13+$0x0 ss:$0x1], $0xffff;
	_ =	sdelay $0x1  }
0x294: {  	v3 =	vadd.f32 v6, v3;
	v6 =	vld.idx.msk [tilespmem:v2+s13+$0x100 ss:$0x1], $0xffff;
	_ =	sdelay $0x1  }
0x295: {  	v3 =	vadd.f32 v4, v3;
	v4 =	vld.idx.msk [tilespmem:v2+s13+$0x200 ss:$0x1], $0xffff;
	_ =	sdelay $0x1  }
0x296: {  	v3 =	vadd.f32 v5, v3;
	v5 =	vld.idx.msk [tilespmem:v2+s13+$0x300 ss:$0x1], $0xffff;
	_ =	sdelay $0x1  }
0x297: {  	v3 =	vadd.f32 v6, v3;
	v6 =	vld.idx.msk [tilespmem:v2+s13+$0x400 ss:$0x1], $0xffff;
	_ =	sdelay $0x1  }
0x298: {  	v3 =	vadd.f32 v4, v3;
	v4 =	vld.idx.msk [tilespmem:v2+s13+$0x500 ss:$0x1], $0xffff;
	_ =	sdelay $0x1  }
0x299: {  	v3 =	vadd.f32 v5, v3;
	v5 =	vld.idx.msk [tilespmem:v2+s13+$0x600 ss:$0x1], $0xffff;
	_ =	sdelay $0x1  }
0x29a: {  	v3 =	vadd.f32 v6, v3;
	v6 =	vld.idx.msk [tilespmem:v2+s13+$0x700 ss:$0x1], $0xffff;
	_ =	sdelay $0x1  }
0x29b: {  	v3 =	vadd.f32 v4, v3;
	_ =	sdelay $0x1  }
0x29c: {  	v3 =	vadd.f32 v5, v3;
	_ =	sdelay $0x1  }
0x29d: {  	v3 =	vadd.f32 v6, v3  }
.Ltmp14:
0x29e: {  	(pc) =	sbr.rel @p0 .LBB2_31-.Ltmp14, $3  }
0x29f: {  	v3 =	vmul.f32 $6.250000000e-02, v3;
	_ =	sdelay $0x1  }
0x2a0: {  	[tilespmem:v1+s13+$0x0 ss:$0x1] =	vst.idx.msk $0xffff, v3;
	s13 =	sshra.s32 s14, $0x2  }
0x2a1: {  	s14 =	sadd.s32 $0x40, s14;
	v3 =	vld.idx.msk [tilespmem:v2+s13+$0xFFFFF900 ss:$0x1], $0xffff  }
0x2a2: {  	_ =	sdelay $0x3  }
0x2a3: {  	v4 =	vld.idx.msk [tilespmem:v2+s13+$0xFFFFF800 ss:$0x1], $0xffff;
	_ =	sdelay $0x1  }
0x2a4: {  	v5 =	vld.idx.msk [tilespmem:v2+s13+$0xFFFFFA00 ss:$0x1], $0xffff;
	_ =	sdelay $0x1  }
0x2a5: {  	v6 =	vld.idx.msk [tilespmem:v2+s13+$0xFFFFFB00 ss:$0x1], $0xffff  }
0x2a6: {  	v3 =	vadd.f32 v3, v4  }
0x2a7: {  	v53 =	vld.idx.msk [tilespmem:v2+s13+$0xFFFFFC00 ss:$0x1], $0xffff  }
0x2a8: {  	v3 =	vadd.f32 v5, v3  }
0x2a9: {  	v54 =	vld.idx.msk [tilespmem:v2+s13+$0xFFFFFD00 ss:$0x1], $0xffff  }
0x2aa: {  	v3 =	vadd.f32 v6, v3  }
0x2ab: {  	v55 =	vld.idx.msk [tilespmem:v2+s13+$0xFFFFFE00 ss:$0x1], $0xffff  }
0x2ac: {  	v3 =	vadd.f32 v53, v3  }
0x2ad: {  	v56 =	vld.idx.msk [tilespmem:v2+s13+$0xFFFFFF00 ss:$0x1], $0xffff  }
0x2ae: {  	v3 =	vadd.f32 v54, v3  }
0x2af: {  	v57 =	vld.idx.msk [tilespmem:v2+s13+$0x0 ss:$0x1], $0xffff  }
0x2b0: {  	v3 =	vadd.f32 v55, v3  }
0x2b1: {  	v58 =	vld.idx.msk [tilespmem:v2+s13+$0x100 ss:$0x1], $0xffff  }
0x2b2: {  	v3 =	vadd.f32 v56, v3  }
0x2b3: {  	v59 =	vld.idx.msk [tilespmem:v2+s13+$0x200 ss:$0x1], $0xffff  }
0x2b4: {  	v3 =	vadd.f32 v57, v3  }
0x2b5: {  	v60 =	vld.idx.msk [tilespmem:v2+s13+$0x300 ss:$0x1], $0xffff  }
0x2b6: {  	v3 =	vadd.f32 v58, v3  }
0x2b7: {  	v61 =	vld.idx.msk [tilespmem:v2+s13+$0x400 ss:$0x1], $0xffff  }
0x2b8: {  	v3 =	vadd.f32 v59, v3  }
0x2b9: {  	v62 =	vld.idx.msk [tilespmem:v2+s13+$0x500 ss:$0x1], $0xffff  }
0x2ba: {  	v3 =	vadd.f32 v60, v3  }
0x2bb: {  	v63 =	vld.idx.msk [tilespmem:v2+s13+$0x600 ss:$0x1], $0xffff  }
0x2bc: {  	v3 =	vadd.f32 v61, v3  }
0x2bd: {  	v2 =	vld.idx.msk [tilespmem:v2+s13+$0x700 ss:$0x1], $0xffff  }
0x2be: {  	v3 =	vadd.f32 v62, v3;
	_ =	sdelay $0x1  }
0x2bf: {  	s10 =	sadd.s32 $0x1, s10;
	v3 =	vadd.f32 v63, v3  }
0x2c0: {  	p0 =	sne.s32 s10, $0xC  }
.Ltmp15:
0x2c1: {  	v2 =	vadd.f32 v2, v3;
	(pc) =	sbr.rel @p0 .LBB2_30-.Ltmp15, $3  }
0x2c2: {  	_ = 	snop  }
0x2c3: {  	v2 =	vmul.f32 $6.250000000e-02, v2;
	_ =	sdelay $0x1  }
0x2c4: {  	s11 =	sadd.s32 $0x100, s11;
	s12 =	sadd.s32 $0x1000, s12;
	[tilespmem:v1+s13+$0x0 ss:$0x1] =	vst.idx.msk $0xffff, v2  }
0x2c5: {  	s10 =	simm.s32 $0x0;
	s11 =	rddreg [dreg:$0x9]  }
0x2c6: {  	v1 =	vmov s24;
	[hbm4b:s11+s10] =	stream.linear.scatter [tilespmem:s6], [sflag:$0x4], $0xC00, $0x38;
	[tilespmem:$0x1E4B0] =	vst v63  }
0x2c7: {  	_ =	swait.ge [sflag:s26], $0xC00  }
0x2c8: {  	[sflag:s26] =	ssyncset.done $0x0  }
0x2c9: {  	s12 =	simm.s32 $0x3420;
	[sflag:s26] =	ssyncadd.s32 $0xFFFFF400  }
0x2ca: {  	v2 =	vld [tilespmem:s12+$0x0]  }
0x2cb: {  	v1 =	vld.idx.msk [tilespmem:v1+s28+$0x0], $0xffff;
	_ =	sdelay $0x1  }
0x2cc: {  	v3 =	vld [tilespmem:s12+$0xFFFFFFF0];
	_ =	sdelay $0x4  }
0x2cd: {  	v4 =	vld.idx.msk [tilespmem:v2+s3+$0x0], $0xffff  }
0x2ce: {  	v1 =	vld.idx.msk [tilespmem:v1+s3+$0x0], $0xffff;
	_ =	sdelay $0x1  }
0x2cf: {  	v5 =	vld.idx.msk [tilespmem:v3+s3+$0x0], $0xffff;
	_ =	sdelay $0x2  }
0x2d0: {  	v4 =	vsub.f32 v4, v1;
	_ =	sdelay $0x1  }
0x2d1: {  	v1 =	vsub.f32 v5, v1;
	v4 =	vand.u32 $0x7FFFFFFF, v4  }
0x2d2: {  	(xrf1) =	vsort.ascd.msk.f32 $0xffff, v4, v2  }
0x2d3: {  	v1 =	vand.u32 $0x7FFFFFFF, v1  }
0x2d4: {  	(xrf1) =	vsort.ascd.msk.f32 $0xffff, v1, v3;
	_ =	sdelay $0xb  }
0x2d5: {  	v1, v3, _ =	vpop (xrf1)  }
0x2d6: {  	s13 =	sadd.s32 $0x1, s24;
	v2 =	vperm.xlane v1, v0  }
0x2d7: {  	s14 =	simm.s32 $0x80;
	s11 =	simm.s32 $0x40;
	v1 =	vmov s13;
	v3 =	vperm.xlane v3, v0;
	v5, v4, _ =	vpop (xrf1)  }
.LBB2_34:
0x2d8: {  	p0 =	sne.s32 s14, $0x2C0;
	vm0 =	vle.f32 v5, v2  }
0x2d9: {  	s15 =	sshra.s32 s10, $0x2;
	s10 =	smov.u32 s11;
	s11 =	smov.u32 s14;
	v2 =	vsel vm0, v4, v3  }
0x2da: {  	s12 =	sadd.s32 $0x20, s12;
	[tilespmem:s15+$0x3710] =	vst v2  }
0x2db: {  	v2 =	vld [tilespmem:s12+$0x0]  }
0x2dc: {  	v1 =	vld.idx.msk [tilespmem:v1+s28+$0x0], $0xffff;
	_ =	sdelay $0x1  }
0x2dd: {  	v3 =	vld [tilespmem:s12+$0xFFFFFFF0];
	_ =	sdelay $0x4  }
0x2de: {  	v4 =	vld.idx.msk [tilespmem:v2+s3+$0x0], $0xffff  }
0x2df: {  	v1 =	vld.idx.msk [tilespmem:v1+s3+$0x0], $0xffff;
	_ =	sdelay $0x1  }
0x2e0: {  	v5 =	vld.idx.msk [tilespmem:v3+s3+$0x0], $0xffff;
	_ =	sdelay $0x3  }
0x2e1: {  	v4 =	vsub.f32 v4, v1;
	_ =	sdelay $0x1  }
0x2e2: {  	v1 =	vsub.f32 v5, v1;
	v4 =	vand.u32 $0x7FFFFFFF, v4  }
0x2e3: {  	(xrf1) =	vsort.ascd.msk.f32 $0xffff, v4, v2  }
0x2e4: {  	v1 =	vand.u32 $0x7FFFFFFF, v1  }
0x2e5: {  	(xrf1) =	vsort.ascd.msk.f32 $0xffff, v1, v3;
	_ =	sdelay $0x9  }
.Ltmp16:
0x2e6: {  	(pc) =	sbr.rel @p0 .LBB2_34-.Ltmp16, $4  }
0x2e7: {  	_ = 	snop  }
0x2e8: {  	v1, v3, _ =	vpop (xrf1)  }
0x2e9: {  	s13 =	sadd.s32 $0x1, s13;
	v2 =	vperm.xlane v1, v0  }
0x2ea: {  	s14 =	sadd.s32 $0x40, s14;
	v1 =	vmov s13;
	v3 =	vperm.xlane v3, v0;
	v5, v4, _ =	vpop (xrf1)  }
0x2eb: {  	vm0 =	vle.f32 v5, v2  }
0x2ec: {  	s10 =	sshra.s32 s10, $0x2;
	v2 =	vsel vm0, v4, v3  }
0x2ed: {  	s14 =	sadd.s32 $0x20, s12;
	[tilespmem:s10+$0x3710] =	vst v2  }
0x2ee: {  	v2 =	vld [tilespmem:s14+$0x0]  }
0x2ef: {  	v1 =	vld.idx.msk [tilespmem:v1+s28+$0x0], $0xffff;
	_ =	sdelay $0x1  }
0x2f0: {  	v3 =	vld [tilespmem:s14+$0xFFFFFFF0];
	_ =	sdelay $0x4  }
0x2f1: {  	v61 =	vld.idx.msk [tilespmem:v2+s3+$0x0], $0xffff  }
0x2f2: {  	v1 =	vld.idx.msk [tilespmem:v1+s3+$0x0], $0xffff;
	_ =	sdelay $0x1  }
0x2f3: {  	v62 =	vld.idx.msk [tilespmem:v3+s3+$0x0], $0xffff;
	_ =	sdelay $0x2  }
0x2f4: {  	v4 =	vsub.f32 v61, v1;
	_ =	sdelay $0x1  }
0x2f5: {  	v1 =	vsub.f32 v62, v1;
	v4 =	vand.u32 $0x7FFFFFFF, v4  }
0x2f6: {  	(xrf1) =	vsort.ascd.msk.f32 $0xffff, v4, v2  }
0x2f7: {  	v1 =	vand.u32 $0x7FFFFFFF, v1  }
0x2f8: {  	(xrf1) =	vsort.ascd.msk.f32 $0xffff, v1, v3;
	_ =	sdelay $0xb  }
0x2f9: {  	v1, v2, _ =	vpop (xrf1)  }
0x2fa: {  	v1 =	vperm.xlane v1, v0  }
0x2fb: {  	v2 =	vperm.xlane v2, v0;
	v3, v63, _ =	vpop (xrf1)  }
0x2fc: {  	vm15 =	vle.f32 v3, v1  }
0x2fd: {  	s15 =	sshra.s32 s11, $0x2;
	v1 =	vsel vm15, v63, v2  }
0x2fe: {  	[tilespmem:s15+$0x3710] =	vst v1  }
0x2ff: {  	[tilespmem:s1], [sflag:$0x2] =	stream.indirect.gather [hbm4b:s5+s0], $0x100, s30, s0, $0xb8;
	[tilespmem:$0x1E4B0] =	vst v63  }
0x300: {  	_ =	swait.ge [sflag:s7], $0xC000  }
0x301: {  	s11 =	simm.s32 $0x1D8B0;
	[sflag:s7] =	ssyncset.done $0x0  }
0x302: {  	s12 =	simm.s32 $0x120B0;
	s10 =	simm.s32 $0x0;
	[sflag:s7] =	ssyncadd.s32 $0xFFFF4000  }
.LBB2_36:
0x303: {  	v2 =	vmov s12;
	_ =	sdelay $0x3  }
0x304: {  	s13 =	simm.s32 $0x0  }
0x305: {  	v1 =	vmov s11;
	s14 =	simm.s32 $0x40;
	v3 =	vld.idx.msk [tilespmem:v2+s13+$0xFFFFF900 ss:$0x1], $0xffff  }
.LBB2_37:
0x306: {  	p0 =	sne.s32 s14, $0x3C0;
	v4 =	vld.idx.msk [tilespmem:v2+s13+$0xFFFFF800 ss:$0x1], $0xffff;
	_ =	sdelay $0x1  }
0x307: {  	v5 =	vld.idx.msk [tilespmem:v2+s13+$0xFFFFFA00 ss:$0x1], $0xffff;
	_ =	sdelay $0x1  }
0x308: {  	v6 =	vld.idx.msk [tilespmem:v2+s13+$0xFFFFFB00 ss:$0x1], $0xffff;
	_ =	sdelay $0x1  }
0x309: {  	v3 =	vadd.f32 v3, v4;
	v4 =	vld.idx.msk [tilespmem:v2+s13+$0xFFFFFC00 ss:$0x1], $0xffff;
	_ =	sdelay $0x1  }
0x30a: {  	v3 =	vadd.f32 v5, v3;
	v5 =	vld.idx.msk [tilespmem:v2+s13+$0xFFFFFD00 ss:$0x1], $0xffff;
	_ =	sdelay $0x1  }
0x30b: {  	v3 =	vadd.f32 v6, v3;
	v6 =	vld.idx.msk [tilespmem:v2+s13+$0xFFFFFE00 ss:$0x1], $0xffff;
	_ =	sdelay $0x1  }
0x30c: {  	v3 =	vadd.f32 v4, v3;
	v4 =	vld.idx.msk [tilespmem:v2+s13+$0xFFFFFF00 ss:$0x1], $0xffff;
	_ =	sdelay $0x1  }
0x30d: {  	v3 =	vadd.f32 v5, v3;
	v5 =	vld.idx.msk [tilespmem:v2+s13+$0x0 ss:$0x1], $0xffff;
	_ =	sdelay $0x1  }
0x30e: {  	v3 =	vadd.f32 v6, v3;
	v6 =	vld.idx.msk [tilespmem:v2+s13+$0x100 ss:$0x1], $0xffff;
	_ =	sdelay $0x1  }
0x30f: {  	v3 =	vadd.f32 v4, v3;
	v4 =	vld.idx.msk [tilespmem:v2+s13+$0x200 ss:$0x1], $0xffff;
	_ =	sdelay $0x1  }
0x310: {  	v3 =	vadd.f32 v5, v3;
	v5 =	vld.idx.msk [tilespmem:v2+s13+$0x300 ss:$0x1], $0xffff;
	_ =	sdelay $0x1  }
0x311: {  	v3 =	vadd.f32 v6, v3;
	v6 =	vld.idx.msk [tilespmem:v2+s13+$0x400 ss:$0x1], $0xffff;
	_ =	sdelay $0x1  }
0x312: {  	v3 =	vadd.f32 v4, v3;
	v4 =	vld.idx.msk [tilespmem:v2+s13+$0x500 ss:$0x1], $0xffff;
	_ =	sdelay $0x1  }
0x313: {  	v3 =	vadd.f32 v5, v3;
	v5 =	vld.idx.msk [tilespmem:v2+s13+$0x600 ss:$0x1], $0xffff;
	_ =	sdelay $0x1  }
0x314: {  	v3 =	vadd.f32 v6, v3;
	v6 =	vld.idx.msk [tilespmem:v2+s13+$0x700 ss:$0x1], $0xffff;
	_ =	sdelay $0x1  }
0x315: {  	v3 =	vadd.f32 v4, v3;
	_ =	sdelay $0x1  }
0x316: {  	v3 =	vadd.f32 v5, v3;
	_ =	sdelay $0x1  }
0x317: {  	v3 =	vadd.f32 v6, v3  }
.Ltmp17:
0x318: {  	(pc) =	sbr.rel @p0 .LBB2_37-.Ltmp17, $3  }
0x319: {  	v3 =	vmul.f32 $6.250000000e-02, v3;
	_ =	sdelay $0x1  }
0x31a: {  	[tilespmem:v1+s13+$0x0 ss:$0x1] =	vst.idx.msk $0xffff, v3;
	s13 =	sshra.s32 s14, $0x2  }
0x31b: {  	s14 =	sadd.s32 $0x40, s14;
	v3 =	vld.idx.msk [tilespmem:v2+s13+$0xFFFFF900 ss:$0x1], $0xffff  }
0x31c: {  	_ =	sdelay $0x3  }
0x31d: {  	v4 =	vld.idx.msk [tilespmem:v2+s13+$0xFFFFF800 ss:$0x1], $0xffff;
	_ =	sdelay $0x1  }
0x31e: {  	v5 =	vld.idx.msk [tilespmem:v2+s13+$0xFFFFFA00 ss:$0x1], $0xffff;
	_ =	sdelay $0x1  }
0x31f: {  	v6 =	vld.idx.msk [tilespmem:v2+s13+$0xFFFFFB00 ss:$0x1], $0xffff  }
0x320: {  	v3 =	vadd.f32 v3, v4  }
0x321: {  	v53 =	vld.idx.msk [tilespmem:v2+s13+$0xFFFFFC00 ss:$0x1], $0xffff  }
0x322: {  	v3 =	vadd.f32 v5, v3  }
0x323: {  	v54 =	vld.idx.msk [tilespmem:v2+s13+$0xFFFFFD00 ss:$0x1], $0xffff  }
0x324: {  	v3 =	vadd.f32 v6, v3  }
0x325: {  	v55 =	vld.idx.msk [tilespmem:v2+s13+$0xFFFFFE00 ss:$0x1], $0xffff  }
0x326: {  	v3 =	vadd.f32 v53, v3  }
0x327: {  	v56 =	vld.idx.msk [tilespmem:v2+s13+$0xFFFFFF00 ss:$0x1], $0xffff  }
0x328: {  	v3 =	vadd.f32 v54, v3  }
0x329: {  	v57 =	vld.idx.msk [tilespmem:v2+s13+$0x0 ss:$0x1], $0xffff  }
0x32a: {  	v3 =	vadd.f32 v55, v3  }
0x32b: {  	v58 =	vld.idx.msk [tilespmem:v2+s13+$0x100 ss:$0x1], $0xffff  }
0x32c: {  	v3 =	vadd.f32 v56, v3  }
0x32d: {  	v59 =	vld.idx.msk [tilespmem:v2+s13+$0x200 ss:$0x1], $0xffff  }
0x32e: {  	v3 =	vadd.f32 v57, v3  }
0x32f: {  	v60 =	vld.idx.msk [tilespmem:v2+s13+$0x300 ss:$0x1], $0xffff  }
0x330: {  	v3 =	vadd.f32 v58, v3  }
0x331: {  	v61 =	vld.idx.msk [tilespmem:v2+s13+$0x400 ss:$0x1], $0xffff  }
0x332: {  	v3 =	vadd.f32 v59, v3  }
0x333: {  	v62 =	vld.idx.msk [tilespmem:v2+s13+$0x500 ss:$0x1], $0xffff  }
0x334: {  	v3 =	vadd.f32 v60, v3  }
0x335: {  	v63 =	vld.idx.msk [tilespmem:v2+s13+$0x600 ss:$0x1], $0xffff  }
0x336: {  	v3 =	vadd.f32 v61, v3  }
0x337: {  	v2 =	vld.idx.msk [tilespmem:v2+s13+$0x700 ss:$0x1], $0xffff  }
0x338: {  	v3 =	vadd.f32 v62, v3;
	_ =	sdelay $0x1  }
0x339: {  	s10 =	sadd.s32 $0x1, s10;
	v3 =	vadd.f32 v63, v3  }
0x33a: {  	p0 =	sne.s32 s10, $0xC  }
.Ltmp18:
0x33b: {  	v2 =	vadd.f32 v2, v3;
	(pc) =	sbr.rel @p0 .LBB2_36-.Ltmp18, $3  }
0x33c: {  	_ = 	snop  }
0x33d: {  	v2 =	vmul.f32 $6.250000000e-02, v2;
	_ =	sdelay $0x1  }
0x33e: {  	s11 =	sadd.s32 $0x100, s11;
	s12 =	sadd.s32 $0x1000, s12;
	[tilespmem:v1+s13+$0x0 ss:$0x1] =	vst.idx.msk $0xffff, v2  }
0x33f: {  	s10 =	simm.s32 $0x0;
	s11 =	rddreg [dreg:$0xa]  }
0x340: {  	v1 =	vmov s25;
	[hbm4b:s11+s10] =	stream.linear.scatter [tilespmem:s6], [sflag:$0x4], $0xC00, $0x38;
	[tilespmem:$0x1E4B0] =	vst v63  }
0x341: {  	_ =	swait.ge [sflag:s26], $0xC00  }
0x342: {  	[sflag:s26] =	ssyncset.done $0x0  }
0x343: {  	s12 =	simm.s32 $0x35A0;
	[sflag:s26] =	ssyncadd.s32 $0xFFFFF400  }
0x344: {  	v2 =	vld [tilespmem:s12+$0x0]  }
0x345: {  	v1 =	vld.idx.msk [tilespmem:v1+s28+$0x0], $0xffff;
	_ =	sdelay $0x1  }
0x346: {  	v3 =	vld [tilespmem:s12+$0xFFFFFFF0];
	_ =	sdelay $0x4  }
0x347: {  	v4 =	vld.idx.msk [tilespmem:v2+s3+$0x0], $0xffff  }
0x348: {  	v1 =	vld.idx.msk [tilespmem:v1+s3+$0x0], $0xffff;
	_ =	sdelay $0x1  }
0x349: {  	v5 =	vld.idx.msk [tilespmem:v3+s3+$0x0], $0xffff;
	_ =	sdelay $0x2  }
0x34a: {  	v4 =	vsub.f32 v4, v1;
	_ =	sdelay $0x1  }
0x34b: {  	v1 =	vsub.f32 v5, v1;
	v4 =	vand.u32 $0x7FFFFFFF, v4  }
0x34c: {  	(xrf1) =	vsort.ascd.msk.f32 $0xffff, v4, v2  }
0x34d: {  	v1 =	vand.u32 $0x7FFFFFFF, v1  }
0x34e: {  	(xrf1) =	vsort.ascd.msk.f32 $0xffff, v1, v3;
	_ =	sdelay $0xb  }
0x34f: {  	v1, v3, _ =	vpop (xrf1)  }
0x350: {  	s13 =	sadd.s32 $0x1, s25;
	v2 =	vperm.xlane v1, v0  }
0x351: {  	s14 =	simm.s32 $0x80;
	s11 =	simm.s32 $0x40;
	v1 =	vmov s13;
	v3 =	vperm.xlane v3, v0;
	v5, v4, _ =	vpop (xrf1)  }
.LBB2_40:
0x352: {  	p0 =	sne.s32 s14, $0x2C0;
	vm0 =	vle.f32 v5, v2  }
0x353: {  	s15 =	sshra.s32 s10, $0x2;
	s10 =	smov.u32 s11;
	s11 =	smov.u32 s14;
	v2 =	vsel vm0, v4, v3  }
0x354: {  	s12 =	sadd.s32 $0x20, s12;
	[tilespmem:s15+$0x37D0] =	vst v2  }
0x355: {  	v2 =	vld [tilespmem:s12+$0x0]  }
0x356: {  	v1 =	vld.idx.msk [tilespmem:v1+s28+$0x0], $0xffff;
	_ =	sdelay $0x1  }
0x357: {  	v3 =	vld [tilespmem:s12+$0xFFFFFFF0];
	_ =	sdelay $0x4  }
0x358: {  	v4 =	vld.idx.msk [tilespmem:v2+s3+$0x0], $0xffff  }
0x359: {  	v1 =	vld.idx.msk [tilespmem:v1+s3+$0x0], $0xffff;
	_ =	sdelay $0x1  }
0x35a: {  	v5 =	vld.idx.msk [tilespmem:v3+s3+$0x0], $0xffff;
	_ =	sdelay $0x3  }
0x35b: {  	v4 =	vsub.f32 v4, v1;
	_ =	sdelay $0x1  }
0x35c: {  	v1 =	vsub.f32 v5, v1;
	v4 =	vand.u32 $0x7FFFFFFF, v4  }
0x35d: {  	(xrf1) =	vsort.ascd.msk.f32 $0xffff, v4, v2  }
0x35e: {  	v1 =	vand.u32 $0x7FFFFFFF, v1  }
0x35f: {  	(xrf1) =	vsort.ascd.msk.f32 $0xffff, v1, v3;
	_ =	sdelay $0x9  }
.Ltmp19:
0x360: {  	(pc) =	sbr.rel @p0 .LBB2_40-.Ltmp19, $4  }
0x361: {  	_ = 	snop  }
0x362: {  	v1, v3, _ =	vpop (xrf1)  }
0x363: {  	s13 =	sadd.s32 $0x1, s13;
	v2 =	vperm.xlane v1, v0  }
0x364: {  	s14 =	sadd.s32 $0x40, s14;
	v1 =	vmov s13;
	v3 =	vperm.xlane v3, v0;
	v5, v4, _ =	vpop (xrf1)  }
0x365: {  	vm0 =	vle.f32 v5, v2  }
0x366: {  	s10 =	sshra.s32 s10, $0x2;
	v2 =	vsel vm0, v4, v3  }
0x367: {  	s14 =	sadd.s32 $0x20, s12;
	[tilespmem:s10+$0x37D0] =	vst v2  }
0x368: {  	v2 =	vld [tilespmem:s14+$0x0]  }
0x369: {  	v1 =	vld.idx.msk [tilespmem:v1+s28+$0x0], $0xffff;
	_ =	sdelay $0x1  }
0x36a: {  	v3 =	vld [tilespmem:s14+$0xFFFFFFF0];
	_ =	sdelay $0x4  }
0x36b: {  	v61 =	vld.idx.msk [tilespmem:v2+s3+$0x0], $0xffff  }
0x36c: {  	v1 =	vld.idx.msk [tilespmem:v1+s3+$0x0], $0xffff;
	_ =	sdelay $0x1  }
0x36d: {  	v62 =	vld.idx.msk [tilespmem:v3+s3+$0x0], $0xffff;
	_ =	sdelay $0x2  }
0x36e: {  	v4 =	vsub.f32 v61, v1;
	_ =	sdelay $0x1  }
0x36f: {  	v1 =	vsub.f32 v62, v1;
	v4 =	vand.u32 $0x7FFFFFFF, v4  }
0x370: {  	(xrf1) =	vsort.ascd.msk.f32 $0xffff, v4, v2  }
0x371: {  	v1 =	vand.u32 $0x7FFFFFFF, v1  }
0x372: {  	(xrf1) =	vsort.ascd.msk.f32 $0xffff, v1, v3;
	_ =	sdelay $0xb  }
0x373: {  	v1, v2, _ =	vpop (xrf1)  }
0x374: {  	v1 =	vperm.xlane v1, v0  }
0x375: {  	v2 =	vperm.xlane v2, v0;
	v3, v63, _ =	vpop (xrf1)  }
0x376: {  	vm15 =	vle.f32 v3, v1  }
0x377: {  	s15 =	sshra.s32 s11, $0x2;
	v1 =	vsel vm15, v63, v2  }
0x378: {  	[tilespmem:s15+$0x37D0] =	vst v1  }
0x379: {  	[tilespmem:s4], [sflag:$0x3] =	stream.indirect.gather [hbm4b:s5+s0], $0x100, s2, s0, $0xb8;
	[tilespmem:$0x1E4B0] =	vst v63  }
0x37a: {  	_ =	swait.ge [sflag:s29], $0xC000  }
0x37b: {  	s11 =	simm.s32 $0x1D8B0;
	[sflag:s29] =	ssyncset.done $0x0  }
0x37c: {  	s12 =	simm.s32 $0x60B0;
	s10 =	simm.s32 $0x0;
	[sflag:s29] =	ssyncadd.s32 $0xFFFF4000  }
.LBB2_42:
0x37d: {  	v2 =	vmov s12;
	_ =	sdelay $0x3  }
0x37e: {  	s13 =	simm.s32 $0x0  }
0x37f: {  	v1 =	vmov s11;
	s14 =	simm.s32 $0x40;
	v3 =	vld.idx.msk [tilespmem:v2+s13+$0xFFFFF900 ss:$0x1], $0xffff  }
.LBB2_43:
0x380: {  	p0 =	sne.s32 s14, $0x3C0;
	v4 =	vld.idx.msk [tilespmem:v2+s13+$0xFFFFF800 ss:$0x1], $0xffff;
	_ =	sdelay $0x1  }
0x381: {  	v5 =	vld.idx.msk [tilespmem:v2+s13+$0xFFFFFA00 ss:$0x1], $0xffff;
	_ =	sdelay $0x1  }
0x382: {  	v6 =	vld.idx.msk [tilespmem:v2+s13+$0xFFFFFB00 ss:$0x1], $0xffff;
	_ =	sdelay $0x1  }
0x383: {  	v3 =	vadd.f32 v3, v4;
	v4 =	vld.idx.msk [tilespmem:v2+s13+$0xFFFFFC00 ss:$0x1], $0xffff;
	_ =	sdelay $0x1  }
0x384: {  	v3 =	vadd.f32 v5, v3;
	v5 =	vld.idx.msk [tilespmem:v2+s13+$0xFFFFFD00 ss:$0x1], $0xffff;
	_ =	sdelay $0x1  }
0x385: {  	v3 =	vadd.f32 v6, v3;
	v6 =	vld.idx.msk [tilespmem:v2+s13+$0xFFFFFE00 ss:$0x1], $0xffff;
	_ =	sdelay $0x1  }
0x386: {  	v3 =	vadd.f32 v4, v3;
	v4 =	vld.idx.msk [tilespmem:v2+s13+$0xFFFFFF00 ss:$0x1], $0xffff;
	_ =	sdelay $0x1  }
0x387: {  	v3 =	vadd.f32 v5, v3;
	v5 =	vld.idx.msk [tilespmem:v2+s13+$0x0 ss:$0x1], $0xffff;
	_ =	sdelay $0x1  }
0x388: {  	v3 =	vadd.f32 v6, v3;
	v6 =	vld.idx.msk [tilespmem:v2+s13+$0x100 ss:$0x1], $0xffff;
	_ =	sdelay $0x1  }
0x389: {  	v3 =	vadd.f32 v4, v3;
	v4 =	vld.idx.msk [tilespmem:v2+s13+$0x200 ss:$0x1], $0xffff;
	_ =	sdelay $0x1  }
0x38a: {  	v3 =	vadd.f32 v5, v3;
	v5 =	vld.idx.msk [tilespmem:v2+s13+$0x300 ss:$0x1], $0xffff;
	_ =	sdelay $0x1  }
0x38b: {  	v3 =	vadd.f32 v6, v3;
	v6 =	vld.idx.msk [tilespmem:v2+s13+$0x400 ss:$0x1], $0xffff;
	_ =	sdelay $0x1  }
0x38c: {  	v3 =	vadd.f32 v4, v3;
	v4 =	vld.idx.msk [tilespmem:v2+s13+$0x500 ss:$0x1], $0xffff;
	_ =	sdelay $0x1  }
0x38d: {  	v3 =	vadd.f32 v5, v3;
	v5 =	vld.idx.msk [tilespmem:v2+s13+$0x600 ss:$0x1], $0xffff;
	_ =	sdelay $0x1  }
0x38e: {  	v3 =	vadd.f32 v6, v3;
	v6 =	vld.idx.msk [tilespmem:v2+s13+$0x700 ss:$0x1], $0xffff;
	_ =	sdelay $0x1  }
0x38f: {  	v3 =	vadd.f32 v4, v3;
	_ =	sdelay $0x1  }
0x390: {  	v3 =	vadd.f32 v5, v3;
	_ =	sdelay $0x1  }
0x391: {  	v3 =	vadd.f32 v6, v3  }
.Ltmp20:
0x392: {  	(pc) =	sbr.rel @p0 .LBB2_43-.Ltmp20, $3  }
0x393: {  	v3 =	vmul.f32 $6.250000000e-02, v3;
	_ =	sdelay $0x1  }
0x394: {  	[tilespmem:v1+s13+$0x0 ss:$0x1] =	vst.idx.msk $0xffff, v3;
	s13 =	sshra.s32 s14, $0x2  }
0x395: {  	s14 =	sadd.s32 $0x40, s14;
	v3 =	vld.idx.msk [tilespmem:v2+s13+$0xFFFFF900 ss:$0x1], $0xffff  }
0x396: {  	_ =	sdelay $0x3  }
0x397: {  	v4 =	vld.idx.msk [tilespmem:v2+s13+$0xFFFFF800 ss:$0x1], $0xffff;
	_ =	sdelay $0x1  }
0x398: {  	v5 =	vld.idx.msk [tilespmem:v2+s13+$0xFFFFFA00 ss:$0x1], $0xffff;
	_ =	sdelay $0x1  }
0x399: {  	v6 =	vld.idx.msk [tilespmem:v2+s13+$0xFFFFFB00 ss:$0x1], $0xffff  }
0x39a: {  	v3 =	vadd.f32 v3, v4  }
0x39b: {  	v53 =	vld.idx.msk [tilespmem:v2+s13+$0xFFFFFC00 ss:$0x1], $0xffff  }
0x39c: {  	v3 =	vadd.f32 v5, v3  }
0x39d: {  	v54 =	vld.idx.msk [tilespmem:v2+s13+$0xFFFFFD00 ss:$0x1], $0xffff  }
0x39e: {  	v3 =	vadd.f32 v6, v3  }
0x39f: {  	v55 =	vld.idx.msk [tilespmem:v2+s13+$0xFFFFFE00 ss:$0x1], $0xffff  }
0x3a0: {  	v3 =	vadd.f32 v53, v3  }
0x3a1: {  	v56 =	vld.idx.msk [tilespmem:v2+s13+$0xFFFFFF00 ss:$0x1], $0xffff  }
0x3a2: {  	v3 =	vadd.f32 v54, v3  }
0x3a3: {  	v57 =	vld.idx.msk [tilespmem:v2+s13+$0x0 ss:$0x1], $0xffff  }
0x3a4: {  	v3 =	vadd.f32 v55, v3  }
0x3a5: {  	v58 =	vld.idx.msk [tilespmem:v2+s13+$0x100 ss:$0x1], $0xffff  }
0x3a6: {  	v3 =	vadd.f32 v56, v3  }
0x3a7: {  	v59 =	vld.idx.msk [tilespmem:v2+s13+$0x200 ss:$0x1], $0xffff  }
0x3a8: {  	v3 =	vadd.f32 v57, v3  }
0x3a9: {  	v60 =	vld.idx.msk [tilespmem:v2+s13+$0x300 ss:$0x1], $0xffff  }
0x3aa: {  	v3 =	vadd.f32 v58, v3  }
0x3ab: {  	v61 =	vld.idx.msk [tilespmem:v2+s13+$0x400 ss:$0x1], $0xffff  }
0x3ac: {  	v3 =	vadd.f32 v59, v3  }
0x3ad: {  	v62 =	vld.idx.msk [tilespmem:v2+s13+$0x500 ss:$0x1], $0xffff  }
0x3ae: {  	v3 =	vadd.f32 v60, v3  }
0x3af: {  	v63 =	vld.idx.msk [tilespmem:v2+s13+$0x600 ss:$0x1], $0xffff  }
0x3b0: {  	v3 =	vadd.f32 v61, v3  }
0x3b1: {  	v2 =	vld.idx.msk [tilespmem:v2+s13+$0x700 ss:$0x1], $0xffff  }
0x3b2: {  	v3 =	vadd.f32 v62, v3;
	_ =	sdelay $0x1  }
0x3b3: {  	s10 =	sadd.s32 $0x1, s10;
	v3 =	vadd.f32 v63, v3  }
0x3b4: {  	p0 =	sne.s32 s10, $0xC  }
.Ltmp21:
0x3b5: {  	v2 =	vadd.f32 v2, v3;
	(pc) =	sbr.rel @p0 .LBB2_42-.Ltmp21, $3  }
0x3b6: {  	_ = 	snop  }
0x3b7: {  	v2 =	vmul.f32 $6.250000000e-02, v2;
	_ =	sdelay $0x1  }
0x3b8: {  	s11 =	sadd.s32 $0x100, s11;
	s12 =	sadd.s32 $0x1000, s12;
	[tilespmem:v1+s13+$0x0 ss:$0x1] =	vst.idx.msk $0xffff, v2  }
0x3b9: {  	s10 =	simm.s32 $0x0;
	s11 =	simm.s32 $0x1D8B0;
	s12 =	rddreg [dreg:$0xb]  }
0x3ba: {  	[hbm4b:s12+s10] =	stream.linear.scatter [tilespmem:s11], [sflag:$0x4], $0xC00, $0x38;
	[tilespmem:$0x1E4B0] =	vst v63  }
0x3bb: {  	_ =	swait.ge [sflag:s26], $0xC00  }
0x3bc: {  	[sflag:s26] =	ssyncset.done $0x0  }
0x3bd: {  	[sflag:s26] =	ssyncadd.s32 $0xFFFFF400  }
0x3be: {  	_ =	swait.ge [sflag:s7], $0xC000  }
0x3bf: {  	[sflag:s7] =	ssyncset.done $0x0  }
0x3c0: {  	s12 =	simm.s32 $0x120B0;
	[sflag:s7] =	ssyncadd.s32 $0xFFFF4000  }
.LBB2_46:
0x3c1: {  	v2 =	vmov s12;
	_ =	sdelay $0x3  }
0x3c2: {  	s13 =	simm.s32 $0x0  }
0x3c3: {  	v1 =	vmov s11;
	s14 =	simm.s32 $0x40;
	v3 =	vld.idx.msk [tilespmem:v2+s13+$0xFFFFF900 ss:$0x1], $0xffff  }
.LBB2_47:
0x3c4: {  	p0 =	sne.s32 s14, $0x3C0;
	v4 =	vld.idx.msk [tilespmem:v2+s13+$0xFFFFF800 ss:$0x1], $0xffff;
	_ =	sdelay $0x1  }
0x3c5: {  	v5 =	vld.idx.msk [tilespmem:v2+s13+$0xFFFFFA00 ss:$0x1], $0xffff;
	_ =	sdelay $0x1  }
0x3c6: {  	v6 =	vld.idx.msk [tilespmem:v2+s13+$0xFFFFFB00 ss:$0x1], $0xffff;
	_ =	sdelay $0x1  }
0x3c7: {  	v3 =	vadd.f32 v3, v4;
	v4 =	vld.idx.msk [tilespmem:v2+s13+$0xFFFFFC00 ss:$0x1], $0xffff;
	_ =	sdelay $0x1  }
0x3c8: {  	v3 =	vadd.f32 v5, v3;
	v5 =	vld.idx.msk [tilespmem:v2+s13+$0xFFFFFD00 ss:$0x1], $0xffff;
	_ =	sdelay $0x1  }
0x3c9: {  	v3 =	vadd.f32 v6, v3;
	v6 =	vld.idx.msk [tilespmem:v2+s13+$0xFFFFFE00 ss:$0x1], $0xffff;
	_ =	sdelay $0x1  }
0x3ca: {  	v3 =	vadd.f32 v4, v3;
	v4 =	vld.idx.msk [tilespmem:v2+s13+$0xFFFFFF00 ss:$0x1], $0xffff;
	_ =	sdelay $0x1  }
0x3cb: {  	v3 =	vadd.f32 v5, v3;
	v5 =	vld.idx.msk [tilespmem:v2+s13+$0x0 ss:$0x1], $0xffff;
	_ =	sdelay $0x1  }
0x3cc: {  	v3 =	vadd.f32 v6, v3;
	v6 =	vld.idx.msk [tilespmem:v2+s13+$0x100 ss:$0x1], $0xffff;
	_ =	sdelay $0x1  }
0x3cd: {  	v3 =	vadd.f32 v4, v3;
	v4 =	vld.idx.msk [tilespmem:v2+s13+$0x200 ss:$0x1], $0xffff;
	_ =	sdelay $0x1  }
0x3ce: {  	v3 =	vadd.f32 v5, v3;
	v5 =	vld.idx.msk [tilespmem:v2+s13+$0x300 ss:$0x1], $0xffff;
	_ =	sdelay $0x1  }
0x3cf: {  	v3 =	vadd.f32 v6, v3;
	v6 =	vld.idx.msk [tilespmem:v2+s13+$0x400 ss:$0x1], $0xffff;
	_ =	sdelay $0x1  }
0x3d0: {  	v3 =	vadd.f32 v4, v3;
	v4 =	vld.idx.msk [tilespmem:v2+s13+$0x500 ss:$0x1], $0xffff;
	_ =	sdelay $0x1  }
0x3d1: {  	v3 =	vadd.f32 v5, v3;
	v5 =	vld.idx.msk [tilespmem:v2+s13+$0x600 ss:$0x1], $0xffff;
	_ =	sdelay $0x1  }
0x3d2: {  	v3 =	vadd.f32 v6, v3;
	v6 =	vld.idx.msk [tilespmem:v2+s13+$0x700 ss:$0x1], $0xffff;
	_ =	sdelay $0x1  }
0x3d3: {  	v3 =	vadd.f32 v4, v3;
	_ =	sdelay $0x1  }
0x3d4: {  	v3 =	vadd.f32 v5, v3;
	_ =	sdelay $0x1  }
0x3d5: {  	v3 =	vadd.f32 v6, v3  }
.Ltmp22:
0x3d6: {  	(pc) =	sbr.rel @p0 .LBB2_47-.Ltmp22, $3  }
0x3d7: {  	v3 =	vmul.f32 $6.250000000e-02, v3;
	_ =	sdelay $0x1  }
0x3d8: {  	[tilespmem:v1+s13+$0x0 ss:$0x1] =	vst.idx.msk $0xffff, v3;
	s13 =	sshra.s32 s14, $0x2  }
0x3d9: {  	s14 =	sadd.s32 $0x40, s14;
	v3 =	vld.idx.msk [tilespmem:v2+s13+$0xFFFFF900 ss:$0x1], $0xffff  }
0x3da: {  	_ =	sdelay $0x3  }
0x3db: {  	v4 =	vld.idx.msk [tilespmem:v2+s13+$0xFFFFF800 ss:$0x1], $0xffff;
	_ =	sdelay $0x1  }
0x3dc: {  	v5 =	vld.idx.msk [tilespmem:v2+s13+$0xFFFFFA00 ss:$0x1], $0xffff;
	_ =	sdelay $0x1  }
0x3dd: {  	v6 =	vld.idx.msk [tilespmem:v2+s13+$0xFFFFFB00 ss:$0x1], $0xffff  }
0x3de: {  	v3 =	vadd.f32 v3, v4  }
0x3df: {  	v53 =	vld.idx.msk [tilespmem:v2+s13+$0xFFFFFC00 ss:$0x1], $0xffff  }
0x3e0: {  	v3 =	vadd.f32 v5, v3  }
0x3e1: {  	v54 =	vld.idx.msk [tilespmem:v2+s13+$0xFFFFFD00 ss:$0x1], $0xffff  }
0x3e2: {  	v3 =	vadd.f32 v6, v3  }
0x3e3: {  	v55 =	vld.idx.msk [tilespmem:v2+s13+$0xFFFFFE00 ss:$0x1], $0xffff  }
0x3e4: {  	v3 =	vadd.f32 v53, v3  }
0x3e5: {  	v56 =	vld.idx.msk [tilespmem:v2+s13+$0xFFFFFF00 ss:$0x1], $0xffff  }
0x3e6: {  	v3 =	vadd.f32 v54, v3  }
0x3e7: {  	v57 =	vld.idx.msk [tilespmem:v2+s13+$0x0 ss:$0x1], $0xffff  }
0x3e8: {  	v3 =	vadd.f32 v55, v3  }
0x3e9: {  	v58 =	vld.idx.msk [tilespmem:v2+s13+$0x100 ss:$0x1], $0xffff  }
0x3ea: {  	v3 =	vadd.f32 v56, v3  }
0x3eb: {  	v59 =	vld.idx.msk [tilespmem:v2+s13+$0x200 ss:$0x1], $0xffff  }
0x3ec: {  	v3 =	vadd.f32 v57, v3  }
0x3ed: {  	v60 =	vld.idx.msk [tilespmem:v2+s13+$0x300 ss:$0x1], $0xffff  }
0x3ee: {  	v3 =	vadd.f32 v58, v3  }
0x3ef: {  	v61 =	vld.idx.msk [tilespmem:v2+s13+$0x400 ss:$0x1], $0xffff  }
0x3f0: {  	v3 =	vadd.f32 v59, v3  }
0x3f1: {  	v62 =	vld.idx.msk [tilespmem:v2+s13+$0x500 ss:$0x1], $0xffff  }
0x3f2: {  	v3 =	vadd.f32 v60, v3  }
0x3f3: {  	v63 =	vld.idx.msk [tilespmem:v2+s13+$0x600 ss:$0x1], $0xffff  }
0x3f4: {  	v3 =	vadd.f32 v61, v3  }
0x3f5: {  	v2 =	vld.idx.msk [tilespmem:v2+s13+$0x700 ss:$0x1], $0xffff  }
0x3f6: {  	v3 =	vadd.f32 v62, v3;
	_ =	sdelay $0x1  }
0x3f7: {  	s10 =	sadd.s32 $0x1, s10;
	v3 =	vadd.f32 v63, v3  }
0x3f8: {  	p0 =	sne.s32 s10, $0xC  }
.Ltmp23:
0x3f9: {  	v2 =	vadd.f32 v2, v3;
	(pc) =	sbr.rel @p0 .LBB2_46-.Ltmp23, $3  }
0x3fa: {  	_ = 	snop  }
0x3fb: {  	v2 =	vmul.f32 $6.250000000e-02, v2;
	_ =	sdelay $0x1  }
0x3fc: {  	s11 =	sadd.s32 $0x100, s11;
	s12 =	sadd.s32 $0x1000, s12;
	[tilespmem:v1+s13+$0x0 ss:$0x1] =	vst.idx.msk $0xffff, v2  }
0x3fd: {  	s10 =	rddreg [dreg:$0xc]  }
0x3fe: {  	[hbm4b:s10+s3] =	stream.linear.scatter [tilespmem:s6], [sflag:$0x4], $0xC00, $0x38;
	[tilespmem:$0x1E4B0] =	vst v63  }
0x3ff: {  	_ =	swait.ge [sflag:s26], $0xC00  }
0x400: {  	[sflag:s26] =	ssyncset.done $0x0  }
0x401: {  	[sflag:s26] =	ssyncadd.s32 $0xFFFFF400  }
0x402: {  	s9 =	sadd.s32 $0x1, s9;
	_ =	swait.ge [sflag:s31], $0x2000  }
0x403: {  	p0 =	sne.s32 s9, s18;
	[sflag:s31] =	ssyncset.done $0x0  }
.Ltmp24:
0x404: {  	s12 =	simm.s32 $0x38B0;
	[sflag:s31] =	ssyncadd.s32 $0xFFFFE000;
	(pc) =	sbr.rel @p0 .LBB2_1-.Ltmp24, $4  }
0x405: {  	[hbm4b:s16+s3] =	stream.linear.scatter [tilespmem:s12], [sflag:$0x4], $0x2000, $0x38;
	[tilespmem:$0x1E4B0] =	vst v63  }
0x406: {  	_ =	swait.ge [sflag:s26], $0x2000  }
0x407: {  	[sflag:s26] =	ssyncset.done $0x0  }
0x408: {  	[sflag:s26] =	ssyncadd.s32 $0xFFFFE000  }
0x409: {  	_ =	sfence.sel $0x180000  }
0x40a: {  	[bflag:$0x0] =	sbarrier.arrive $0xFFFF  }
0x40b: {  	_ =	strace $0x90000047  }
0x40c: {  	s0 =	stileid.u32;
	[bflag:$0x2] =	sbarrier.arrive $0xFFFF  }
0x40d: {  	p0 =	sne.s32 s0, $0x0;
	s0 =	rddreg [dreg:$0x2]  }
0x40e: {  	s0 =	sadd.s32 @!p0 $0x100000, s0  }
0x40f: {  	[sflag:s0] =	ssyncadd.tile.s32 @!p0 $0x1;
	_ =	shalt  }
.Lfunc_end2:
_tile_overlayer_lowered:
.L_overlay_start_2:
0x410: {  	(tag) =	ssettag $0x2  }
0x411: {  	s0 =	rddreg [dreg:$0x0];
	s2 =	stileid.u32  }
0x412: {  	s1 =	rddreg [dreg:$0x1];
	p0 =	sne.s32 s2, $0x0  }
0x413: {  	s3 =	rddreg [dreg:$0x2];
	[bflag:$0x3] =	sbarrier.arrive $0xFFFF;
	s2 =	simm.s32 @!p0 $0x1C04  }
0x414: {  	[timem:s3], [sflag:s2] =	dma.local @!p0 [hbm:s0], s1  }
0x415: {  	s0 =	simm.s32 @!p0 $0x4  }
0x416: {  	_ =	swait.ge @!p0 [sflag:s0], s1  }
0x417: {  	s1 =	ssub.s32 @!p0 $0x0, s1;
	[sflag:s0] =	ssyncset.done @!p0 $0x0  }
0x418: {  	[sflag:s0] =	ssyncadd.s32 @!p0 s1  }
0x419: {  	[bflag:$0x3] =	sbarrier.arrive $0xFFFF  }
0x41a: {  	_ =	shalt  }

</sc_bundles>
